<compile_context>
chip_gen: v7x
topology: tpu7x:2x2x1
jax: 0.10.2.dev20260603
libtpu: 0.0.44.dev20260713+nightly
codegen_flags: <defaults>
</compile_context>

<pallas_src>
import functools

import jax
import jax.numpy as jnp
from jax import lax
from jax.experimental import pallas as pl
from jax.experimental.pallas import tpu as pltpu
from jax.experimental.pallas import tpu_sc as plsc

ALPHA = 0.1
KSTEPS = 10

NC = 2
NS = 16
NW = NC * NS
LANES = 16


def _wid():
    return lax.axis_index("c") * NS + lax.axis_index("s")


def _mesh():
    return plsc.VectorSubcoreMesh(core_axis_name="c", subcore_axis_name="s")


_SC_PARAMS = pltpu.CompilerParams(needs_layout_passes=False)


def _deg_kernel(npad, ep):
    ept = ep // NW

    @functools.partial(
        pl.kernel,
        out_type=jax.ShapeDtypeStruct((NW * npad,), jnp.float32),
        mesh=_mesh(),
        compiler_params=_SC_PARAMS,
        scratch_types=[
            pltpu.VMEM((npad,), jnp.float32),
            pltpu.VMEM((ept,), jnp.int32),
            pltpu.VMEM((ept,), jnp.float32),
        ],
    )
    def deg_kernel(col_hbm, w_hbm, part_hbm, deg_t, col_t, w_t):
        wid = _wid()

        def zero_body(i, _):
            deg_t[pl.ds(i * LANES, LANES)] = jnp.zeros((LANES,), jnp.float32)
            return _

        lax.fori_loop(0, npad // LANES, zero_body, None)
        base = wid * ept
        pltpu.sync_copy(col_hbm.at[pl.ds(base, ept)], col_t)
        pltpu.sync_copy(w_hbm.at[pl.ds(base, ept)], w_t)

        def grp(i, _):
            c = col_t[pl.ds(i * LANES, LANES)]
            wv = w_t[pl.ds(i * LANES, LANES)]
            plsc.addupdate_scatter(deg_t, [c], wv)
            return _

        lax.fori_loop(0, ept // LANES, grp, None)
        pltpu.sync_copy(deg_t, part_hbm.at[pl.ds(wid * npad, npad)])

    return deg_kernel


def _dinv_kernel(npad):
    npt = npad // NW

    @functools.partial(
        pl.kernel,
        out_type=jax.ShapeDtypeStruct((npad,), jnp.float32),
        mesh=_mesh(),
        compiler_params=_SC_PARAMS,
        scratch_types=[
            pltpu.VMEM((NW * npt,), jnp.float32),
            pltpu.VMEM((npt,), jnp.float32),
        ],
    )
    def dinv_kernel(part_hbm, dinv_hbm, part_t, dinv_t):
        wid = _wid()
        nbase = wid * npt
        for r in range(NW):
            pltpu.sync_copy(part_hbm.at[pl.ds(r * npad + nbase, npt)],
                            part_t.at[pl.ds(r * npt, npt)])

        def body(i, _):
            acc = part_t[pl.ds(i * LANES, LANES)]
            for r in range(1, NW):
                acc = acc + part_t[pl.ds(r * npt + i * LANES, LANES)]
            bits = plsc.bitcast(acc, jnp.int32)
            y = plsc.bitcast(
                jnp.int32(0x5F3759DF) - lax.shift_right_arithmetic(bits, 1),
                jnp.float32,
            )
            for _i in range(3):
                y = y * (1.5 - 0.5 * acc * y * y)
            dinv_t[pl.ds(i * LANES, LANES)] = jnp.where(acc > 0.0, y, 0.0)
            return _

        lax.fori_loop(0, npt // LANES, body, None)
        pltpu.sync_copy(dinv_t, dinv_hbm.at[pl.ds(nbase, npt)])

    return dinv_kernel


def _norm_kernel(npad, ep):
    ept = ep // NW

    @functools.partial(
        pl.kernel,
        out_type=[
            jax.ShapeDtypeStruct((ep,), jnp.int32),
            jax.ShapeDtypeStruct((ep,), jnp.float32),
        ],
        mesh=_mesh(),
        compiler_params=_SC_PARAMS,
        scratch_types=[
            pltpu.VMEM((npad,), jnp.float32),
            pltpu.VMEM((ept,), jnp.int32),
            pltpu.VMEM((ept,), jnp.int32),
            pltpu.VMEM((ept,), jnp.float32),
            pltpu.VMEM((ept,), jnp.int32),
            pltpu.VMEM((ept,), jnp.float32),
        ],
    )
    def norm_kernel(row_hbm, col_hbm, w_hbm, dinv_hbm, rc_hbm, nm_hbm,
                    dinv_t, row_t, col_t, w_t, rc_t, nm_t):
        wid = _wid()
        base = wid * ept
        pltpu.sync_copy(dinv_hbm, dinv_t)
        pltpu.sync_copy(row_hbm.at[pl.ds(base, ept)], row_t)
        pltpu.sync_copy(col_hbm.at[pl.ds(base, ept)], col_t)
        pltpu.sync_copy(w_hbm.at[pl.ds(base, ept)], w_t)

        def grp(i, _):
            sl = pl.ds(i * LANES, LANES)
            r = row_t[sl]
            c = col_t[sl]
            wv = w_t[sl]
            dr = plsc.load_gather(dinv_t, [r])
            dc = plsc.load_gather(dinv_t, [c])
            nm_t[sl] = dr * wv * dc
            rc_t[sl] = jnp.bitwise_or(r, lax.shift_left(c, 16))
            return _

        lax.fori_loop(0, ept // LANES, grp, None)
        pltpu.sync_copy(rc_t, rc_hbm.at[pl.ds(base, ept)])
        pltpu.sync_copy(nm_t, nm_hbm.at[pl.ds(base, ept)])

    return norm_kernel


def _prop_kernel(npad, ep, fpt, chunk):
    nchunks = ep // chunk
    assert nchunks % 2 == 0

    @functools.partial(
        pl.kernel,
        out_type=jax.ShapeDtypeStruct((NW * fpt * npad,), jnp.float32),
        mesh=_mesh(),
        compiler_params=_SC_PARAMS,
        scratch_types=[
            pltpu.VMEM((fpt * npad,), jnp.float32),
            pltpu.VMEM((fpt * npad,), jnp.float32),
            pltpu.VMEM((fpt * npad,), jnp.float32),
            pltpu.VMEM((chunk,), jnp.int32),
            pltpu.VMEM((chunk,), jnp.int32),
            pltpu.VMEM((chunk,), jnp.float32),
            pltpu.VMEM((chunk,), jnp.float32),
            pltpu.SemaphoreType.DMA,
            pltpu.SemaphoreType.DMA,
        ],
    )
    def prop_kernel(ht_hbm, rc_hbm, nm_hbm, out_hbm,
                    out_t, agg_t, hp_t, rc0, rc1, nm0, nm1, sem0, sem1):
        wid = _wid()
        fbase = wid * fpt * npad
        rcb = (rc0, rc1)
        nmb = (nm0, nm1)
        sems = (sem0, sem1)
        fvec = [jnp.full((LANES,), f * npad, jnp.int32) for f in range(fpt)]

        pltpu.sync_copy(ht_hbm.at[pl.ds(fbase, fpt * npad)], out_t)

        def init_body(i, _):
            sl = pl.ds(i * LANES, LANES)
            hp_t[sl] = out_t[sl] * ALPHA
            agg_t[sl] = jnp.zeros((LANES,), jnp.float32)
            return _

        lax.fori_loop(0, fpt * npad // LANES, init_body, None)

        def k_body(_k, __):
            for b in range(2):
                pltpu.async_copy(rc_hbm.at[pl.ds(b * chunk, chunk)],
                                 rcb[b], sems[b])
                pltpu.async_copy(nm_hbm.at[pl.ds(b * chunk, chunk)],
                                 nmb[b], sems[b])

            def chunk_body(g2, _):
                for b in range(2):
                    g = g2 * 2 + b
                    pltpu.make_async_copy(rc_hbm.at[pl.ds(0, chunk)],
                                          rcb[b], sems[b]).wait()
                    pltpu.make_async_copy(nm_hbm.at[pl.ds(0, chunk)],
                                          nmb[b], sems[b]).wait()

                    def grp(j, _):
                        sl = pl.ds(j * LANES, LANES)
                        rcv = rcb[b][sl]
                        nmv = nmb[b][sl]
                        r = jnp.bitwise_and(rcv, 0xFFFF)
                        c = lax.shift_right_logical(rcv, 16)
                        for f in range(fpt):
                            gv = plsc.load_gather(out_t, [fvec[f] + r])
                            plsc.addupdate_scatter(
                                agg_t, [fvec[f] + c], gv * nmv)
                        return _

                    lax.fori_loop(0, chunk // LANES, grp, None)

                    @pl.when(g2 < nchunks // 2 - 1)
                    def _prefetch():
                        nbase = (g + 2) * chunk
                        pltpu.async_copy(rc_hbm.at[pl.ds(nbase, chunk)],
                                         rcb[b], sems[b])
                        pltpu.async_copy(nm_hbm.at[pl.ds(nbase, chunk)],
                                         nmb[b], sems[b])
                return _

            lax.fori_loop(0, nchunks // 2, chunk_body, None)

            def comb(i, _):
                sl = pl.ds(i * LANES, LANES)
                out_t[sl] = agg_t[sl] * (1.0 - ALPHA) + hp_t[sl]
                agg_t[sl] = jnp.zeros((LANES,), jnp.float32)
                return _

            lax.fori_loop(0, fpt * npad // LANES, comb, None)
            return __

        lax.fori_loop(0, KSTEPS, k_body, None)
        pltpu.sync_copy(out_t, out_hbm.at[pl.ds(fbase, fpt * npad)])

    return prop_kernel


def _mlp_kernel(npad, in_ch, hid_ch, out_ch, bn):
    def body(x_ref, w1_ref, b1_ref, w2_ref, b2_ref, ht_ref):
        t = lax.dot_general(w1_ref[...], x_ref[...],
                            (((1,), (1,)), ((), ())),
                            preferred_element_type=jnp.float32)
        t = jnp.maximum(t + b1_ref[...], 0.0)
        h = lax.dot_general(w2_ref[...], t,
                            (((1,), (0,)), ((), ())),
                            preferred_element_type=jnp.float32)
        ht_ref[...] = h + b2_ref[...]

    grid = (npad // bn,)
    return pl.pallas_call(
        body,
        grid=grid,
        in_specs=[
            pl.BlockSpec((bn, in_ch), lambda i: (i, 0)),
            pl.BlockSpec((hid_ch, in_ch), lambda i: (0, 0)),
            pl.BlockSpec((hid_ch, 1), lambda i: (0, 0)),
            pl.BlockSpec((out_ch, hid_ch), lambda i: (0, 0)),
            pl.BlockSpec((out_ch, 1), lambda i: (0, 0)),
        ],
        out_specs=pl.BlockSpec((out_ch, bn), lambda i: (0, i)),
        out_shape=jax.ShapeDtypeStruct((out_ch, npad), jnp.float32),
    )


def kernel(x, edge_index, edge_weight, W1, b1, W2, b2):
    n, in_ch = x.shape
    hid_ch = W1.shape[0]
    out_ch = W2.shape[0]
    e = edge_index.shape[1]

    fpt = out_ch // NW
    npad = ((n + 2047) // 2048) * 2048
    chunk = 1024
    quant = max(2 * chunk, 8 * NW)
    ep = ((e + n + quant - 1) // quant) * quant

    loop = jnp.arange(n, dtype=jnp.int32)
    pad_i = jnp.zeros((ep - e - n,), jnp.int32)
    pad_f = jnp.zeros((ep - e - n,), jnp.float32)
    rowx = jnp.concatenate([edge_index[0], loop, pad_i])
    colx = jnp.concatenate([edge_index[1], loop, pad_i])
    wx = jnp.concatenate([edge_weight, jnp.ones((n,), jnp.float32), pad_f])

    xpad = jnp.pad(x, ((0, npad - n), (0, 0)))

    parts = _deg_kernel(npad, ep)(colx, wx)
    dinv = _dinv_kernel(npad)(parts)
    rc, nm = _norm_kernel(npad, ep)(rowx, colx, wx, dinv)
    ht = _mlp_kernel(npad, in_ch, hid_ch, out_ch, 2048)(
        xpad, W1, b1.reshape(hid_ch, 1), W2, b2.reshape(out_ch, 1))
    outt = _prop_kernel(npad, ep, fpt, chunk)(ht.reshape(-1), rc, nm)
    return outt.reshape(out_ch, npad)[:, :n].T

# --- scband reference (transcript-rebuilt; emitter-appended) ---
"""Pipeline reference for scband-appnpnet-25555055411699 (READ-ONLY COPY).

The authoritative reference and input builder live on the scoring server;
editing this copy changes nothing except your own understanding.
"""

import jax, jax.numpy as jnp
import numpy as np

N = 10000
E = 320000
IN_CH = 128
HID_CH = 256
OUT_CH = 128
K = 10
ALPHA = 0.1


def setup_inputs(seed: int = 0) -> dict:
    key = jax.random.key(seed)
    k1, k2, k3, k4, k5, k6, k7 = jax.random.split(key, 7)
    x = jax.random.normal(k1, (N, IN_CH), dtype=jnp.float32)
    edge_index = jax.random.randint(k2, (2, E), 0, N, dtype=jnp.int32)
    edge_weight = jax.random.uniform(k3, (E,), dtype=jnp.float32)
    # Linear params (torch Linear: W [out, in], b [out])
    lim1 = 1.0 / np.sqrt(IN_CH)
    W1 = jax.random.uniform(k4, (HID_CH, IN_CH), dtype=jnp.float32, minval=-lim1, maxval=lim1)
    b1 = jax.random.uniform(k5, (HID_CH,), dtype=jnp.float32, minval=-lim1, maxval=lim1)
    lim2 = 1.0 / np.sqrt(HID_CH)
    W2 = jax.random.uniform(k6, (OUT_CH, HID_CH), dtype=jnp.float32, minval=-lim2, maxval=lim2)
    b2 = jax.random.uniform(k7, (OUT_CH,), dtype=jnp.float32, minval=-lim2, maxval=lim2)
    return {"x": x, "edge_index": edge_index, "edge_weight": edge_weight,
            "W1": W1, "b1": b1, "W2": W2, "b2": b2}


def reference(x, edge_index, edge_weight, W1, b1, W2, b2):
    n = x.shape[0]
    # MLP
    h = jax.nn.relu(x @ W1.T + b1)
    h = h @ W2.T + b2
    # gcn_norm with self loops (fill value 1.0)
    row = edge_index[0]
    col = edge_index[1]
    loop = jnp.arange(n, dtype=row.dtype)
    row = jnp.concatenate([row, loop])
    col = jnp.concatenate([col, loop])
    w = jnp.concatenate([edge_weight, jnp.ones((n,), dtype=edge_weight.dtype)])
    deg = jnp.zeros((n,), dtype=w.dtype).at[col].add(w)
    dinv = jnp.where(deg > 0, jax.lax.rsqrt(deg), 0.0)
    norm = dinv[row] * w * dinv[col]
    # APPNP propagation: K iterations of x = (1-alpha)*A_hat x + alpha*h
    out = h
    for _ in range(K):
        msg = norm[:, None] * out[row]
        agg = jnp.zeros_like(out).at[col].add(msg)
        out = (1.0 - ALPHA) * agg + ALPHA * h
    return out

if __name__ == "__main__":
    import jax
    _d = setup_inputs()
    print(jax.jit(kernel)(*tuple(_d.values())))

</pallas_src>

<mosaic_0001>
#map = affine_map<(d0, d1) -> (0)>
module attributes {stable_mosaic.version = 14 : i64} {
  func.func @dinv_kernel(%arg0: i32, %arg1: i32, %arg2: memref<327680xf32, #tpu.memory_space<hbm>>, %arg3: memref<10240xf32, #tpu.memory_space<hbm>>, %arg4: memref<10240xf32, #tpu.memory_space<vmem>>, %arg5: memref<320xf32, #tpu.memory_space<vmem>>) attributes {dimension_semantics = [#tpu.dimension_semantics<core_parallel>, #tpu.dimension_semantics<subcore_parallel>], iteration_bounds = array<i64: 2, 16>, scalar_prefetch = 0 : i64, scratch_operands = 2 : i64, tpu.core_type = #tpu.core_type<sc_vector_subcore>, window_params = [{transform_indices = #map}, {transform_indices = #map}]} {
    %mul3A = arith.constant 16 : i32
    %mul3A_0 = arith.muli %arg0, %mul3A : i32
    %add3A = arith.addi %mul3A_0, %arg1 : i32
    %mul3A_1 = arith.constant 320 : i32
    %mul3A_2 = arith.muli %add3A, %mul3A_1 : i32
    %add3A_3 = arith.constant 0 : i32
    %add3A_4 = arith.addi %add3A_3, %mul3A_2 : i32
    "tpu.region"() ({
      %run_scoped3A = tpu.sem_alloc : memref<!tpu.dma_semaphore, #tpu.memory_space<semaphore_mem>>
      %dma_start3A = arith.constant 0 : i32
      %dma_start3A_71 = tpu.memref_slice %arg4[%dma_start3A] : memref<10240xf32, #tpu.memory_space<vmem>> -> memref<320xf32, #tpu.memory_space<vmem>>
      %dma_start3A_72 = tpu.memref_slice %arg2[%add3A_4] : memref<327680xf32, #tpu.memory_space<hbm>> -> memref<320xf32, #tpu.memory_space<hbm>>
      %dma_start3A_73 = arith.constant 0 : i32
      %dma_start3A_74 = tpu.memref_slice %arg4[%dma_start3A_73] : memref<10240xf32, #tpu.memory_space<vmem>> -> memref<320xf32, #tpu.memory_space<vmem>>
      %dma_start3A_75 = tpu.memref_slice %arg2[%add3A_4] : memref<327680xf32, #tpu.memory_space<hbm>> -> memref<320xf32, #tpu.memory_space<hbm>>
      tpu.enqueue_dma source(%dma_start3A_75 : memref<320xf32, #tpu.memory_space<hbm>>) target(%dma_start3A_74 : memref<320xf32, #tpu.memory_space<vmem>>) target_semaphore(%run_scoped3A : memref<!tpu.dma_semaphore, #tpu.memory_space<semaphore_mem>>)
      %dma_wait3A = arith.constant 0 : i32
      %dma_wait3A_76 = tpu.memref_slice %arg4[%dma_wait3A] : memref<10240xf32, #tpu.memory_space<vmem>> -> memref<320xf32, #tpu.memory_space<vmem>>
      %dma_wait3A_77 = tpu.memref_slice %arg2[%add3A_4] : memref<327680xf32, #tpu.memory_space<hbm>> -> memref<320xf32, #tpu.memory_space<hbm>>
      %dma_wait3A_78 = arith.constant 0 : i32
      %dma_wait3A_79 = tpu.memref_slice %arg4[%dma_wait3A_78] : memref<10240xf32, #tpu.memory_space<vmem>> -> memref<320xf32, #tpu.memory_space<vmem>>
      %dma_wait3A_80 = tpu.memref_slice %arg2[%add3A_4] : memref<327680xf32, #tpu.memory_space<hbm>> -> memref<320xf32, #tpu.memory_space<hbm>>
      tpu.wait_dma2 semaphore(%run_scoped3A : memref<!tpu.dma_semaphore, #tpu.memory_space<semaphore_mem>>) src(%dma_wait3A_80 : memref<320xf32, #tpu.memory_space<hbm>>) dst(%dma_wait3A_79 : memref<320xf32, #tpu.memory_space<vmem>>)
      tpu.yield
    }) : () -> ()
    %add3A_5 = arith.constant 10240 : i32
    %add3A_6 = arith.addi %add3A_5, %mul3A_2 : i32
    "tpu.region"() ({
      %run_scoped3A = tpu.sem_alloc : memref<!tpu.dma_semaphore, #tpu.memory_space<semaphore_mem>>
      %dma_start3A = arith.constant 320 : i32
      %dma_start3A_71 = tpu.memref_slice %arg4[%dma_start3A] : memref<10240xf32, #tpu.memory_space<vmem>> -> memref<320xf32, #tpu.memory_space<vmem>>
      %dma_start3A_72 = tpu.memref_slice %arg2[%add3A_6] : memref<327680xf32, #tpu.memory_space<hbm>> -> memref<320xf32, #tpu.memory_space<hbm>>
      %dma_start3A_73 = arith.constant 320 : i32
      %dma_start3A_74 = tpu.memref_slice %arg4[%dma_start3A_73] : memref<10240xf32, #tpu.memory_space<vmem>> -> memref<320xf32, #tpu.memory_space<vmem>>
      %dma_start3A_75 = tpu.memref_slice %arg2[%add3A_6] : memref<327680xf32, #tpu.memory_space<hbm>> -> memref<320xf32, #tpu.memory_space<hbm>>
      tpu.enqueue_dma source(%dma_start3A_75 : memref<320xf32, #tpu.memory_space<hbm>>) target(%dma_start3A_74 : memref<320xf32, #tpu.memory_space<vmem>>) target_semaphore(%run_scoped3A : memref<!tpu.dma_semaphore, #tpu.memory_space<semaphore_mem>>)
      %dma_wait3A = arith.constant 320 : i32
      %dma_wait3A_76 = tpu.memref_slice %arg4[%dma_wait3A] : memref<10240xf32, #tpu.memory_space<vmem>> -> memref<320xf32, #tpu.memory_space<vmem>>
      %dma_wait3A_77 = tpu.memref_slice %arg2[%add3A_6] : memref<327680xf32, #tpu.memory_space<hbm>> -> memref<320xf32, #tpu.memory_space<hbm>>
      %dma_wait3A_78 = arith.constant 320 : i32
      %dma_wait3A_79 = tpu.memref_slice %arg4[%dma_wait3A_78] : memref<10240xf32, #tpu.memory_space<vmem>> -> memref<320xf32, #tpu.memory_space<vmem>>
      %dma_wait3A_80 = tpu.memref_slice %arg2[%add3A_6] : memref<327680xf32, #tpu.memory_space<hbm>> -> memref<320xf32, #tpu.memory_space<hbm>>
      tpu.wait_dma2 semaphore(%run_scoped3A : memref<!tpu.dma_semaphore, #tpu.memory_space<semaphore_mem>>) src(%dma_wait3A_80 : memref<320xf32, #tpu.memory_space<hbm>>) dst(%dma_wait3A_79 : memref<320xf32, #tpu.memory_space<vmem>>)
      tpu.yield
    }) : () -> ()
    %add3A_7 = arith.constant 20480 : i32
    %add3A_8 = arith.addi %add3A_7, %mul3A_2 : i32
    "tpu.region"() ({
      %run_scoped3A = tpu.sem_alloc : memref<!tpu.dma_semaphore, #tpu.memory_space<semaphore_mem>>
      %dma_start3A = arith.constant 640 : i32
      %dma_start3A_71 = tpu.memref_slice %arg4[%dma_start3A] : memref<10240xf32, #tpu.memory_space<vmem>> -> memref<320xf32, #tpu.memory_space<vmem>>
      %dma_start3A_72 = tpu.memref_slice %arg2[%add3A_8] : memref<327680xf32, #tpu.memory_space<hbm>> -> memref<320xf32, #tpu.memory_space<hbm>>
      %dma_start3A_73 = arith.constant 640 : i32
      %dma_start3A_74 = tpu.memref_slice %arg4[%dma_start3A_73] : memref<10240xf32, #tpu.memory_space<vmem>> -> memref<320xf32, #tpu.memory_space<vmem>>
      %dma_start3A_75 = tpu.memref_slice %arg2[%add3A_8] : memref<327680xf32, #tpu.memory_space<hbm>> -> memref<320xf32, #tpu.memory_space<hbm>>
      tpu.enqueue_dma source(%dma_start3A_75 : memref<320xf32, #tpu.memory_space<hbm>>) target(%dma_start3A_74 : memref<320xf32, #tpu.memory_space<vmem>>) target_semaphore(%run_scoped3A : memref<!tpu.dma_semaphore, #tpu.memory_space<semaphore_mem>>)
      %dma_wait3A = arith.constant 640 : i32
      %dma_wait3A_76 = tpu.memref_slice %arg4[%dma_wait3A] : memref<10240xf32, #tpu.memory_space<vmem>> -> memref<320xf32, #tpu.memory_space<vmem>>
      %dma_wait3A_77 = tpu.memref_slice %arg2[%add3A_8] : memref<327680xf32, #tpu.memory_space<hbm>> -> memref<320xf32, #tpu.memory_space<hbm>>
      %dma_wait3A_78 = arith.constant 640 : i32
      %dma_wait3A_79 = tpu.memref_slice %arg4[%dma_wait3A_78] : memref<10240xf32, #tpu.memory_space<vmem>> -> memref<320xf32, #tpu.memory_space<vmem>>
      %dma_wait3A_80 = tpu.memref_slice %arg2[%add3A_8] : memref<327680xf32, #tpu.memory_space<hbm>> -> memref<320xf32, #tpu.memory_space<hbm>>
      tpu.wait_dma2 semaphore(%run_scoped3A : memref<!tpu.dma_semaphore, #tpu.memory_space<semaphore_mem>>) src(%dma_wait3A_80 : memref<320xf32, #tpu.memory_space<hbm>>) dst(%dma_wait3A_79 : memref<320xf32, #tpu.memory_space<vmem>>)
      tpu.yield
    }) : () -> ()
    %add3A_9 = arith.constant 30720 : i32
    %add3A_10 = arith.addi %add3A_9, %mul3A_2 : i32
    "tpu.region"() ({
      %run_scoped3A = tpu.sem_alloc : memref<!tpu.dma_semaphore, #tpu.memory_space<semaphore_mem>>
      %dma_start3A = arith.constant 960 : i32
      %dma_start3A_71 = tpu.memref_slice %arg4[%dma_start3A] : memref<10240xf32, #tpu.memory_space<vmem>> -> memref<320xf32, #tpu.memory_space<vmem>>
      %dma_start3A_72 = tpu.memref_slice %arg2[%add3A_10] : memref<327680xf32, #tpu.memory_space<hbm>> -> memref<320xf32, #tpu.memory_space<hbm>>
      %dma_start3A_73 = arith.constant 960 : i32
      %dma_start3A_74 = tpu.memref_slice %arg4[%dma_start3A_73] : memref<10240xf32, #tpu.memory_space<vmem>> -> memref<320xf32, #tpu.memory_space<vmem>>
      %dma_start3A_75 = tpu.memref_slice %arg2[%add3A_10] : memref<327680xf32, #tpu.memory_space<hbm>> -> memref<320xf32, #tpu.memory_space<hbm>>
      tpu.enqueue_dma source(%dma_start3A_75 : memref<320xf32, #tpu.memory_space<hbm>>) target(%dma_start3A_74 : memref<320xf32, #tpu.memory_space<vmem>>) target_semaphore(%run_scoped3A : memref<!tpu.dma_semaphore, #tpu.memory_space<semaphore_mem>>)
      %dma_wait3A = arith.constant 960 : i32
      %dma_wait3A_76 = tpu.memref_slice %arg4[%dma_wait3A] : memref<10240xf32, #tpu.memory_space<vmem>> -> memref<320xf32, #tpu.memory_space<vmem>>
      %dma_wait3A_77 = tpu.memref_slice %arg2[%add3A_10] : memref<327680xf32, #tpu.memory_space<hbm>> -> memref<320xf32, #tpu.memory_space<hbm>>
      %dma_wait3A_78 = arith.constant 960 : i32
      %dma_wait3A_79 = tpu.memref_slice %arg4[%dma_wait3A_78] : memref<10240xf32, #tpu.memory_space<vmem>> -> memref<320xf32, #tpu.memory_space<vmem>>
      %dma_wait3A_80 = tpu.memref_slice %arg2[%add3A_10] : memref<327680xf32, #tpu.memory_space<hbm>> -> memref<320xf32, #tpu.memory_space<hbm>>
      tpu.wait_dma2 semaphore(%run_scoped3A : memref<!tpu.dma_semaphore, #tpu.memory_space<semaphore_mem>>) src(%dma_wait3A_80 : memref<320xf32, #tpu.memory_space<hbm>>) dst(%dma_wait3A_79 : memref<320xf32, #tpu.memory_space<vmem>>)
      tpu.yield
    }) : () -> ()
    %add3A_11 = arith.constant 40960 : i32
    %add3A_12 = arith.addi %add3A_11, %mul3A_2 : i32
    "tpu.region"() ({
      %run_scoped3A = tpu.sem_alloc : memref<!tpu.dma_semaphore, #tpu.memory_space<semaphore_mem>>
      %dma_start3A = arith.constant 1280 : i32
      %dma_start3A_71 = tpu.memref_slice %arg4[%dma_start3A] : memref<10240xf32, #tpu.memory_space<vmem>> -> memref<320xf32, #tpu.memory_space<vmem>>
      %dma_start3A_72 = tpu.memref_slice %arg2[%add3A_12] : memref<327680xf32, #tpu.memory_space<hbm>> -> memref<320xf32, #tpu.memory_space<hbm>>
      %dma_start3A_73 = arith.constant 1280 : i32
      %dma_start3A_74 = tpu.memref_slice %arg4[%dma_start3A_73] : memref<10240xf32, #tpu.memory_space<vmem>> -> memref<320xf32, #tpu.memory_space<vmem>>
      %dma_start3A_75 = tpu.memref_slice %arg2[%add3A_12] : memref<327680xf32, #tpu.memory_space<hbm>> -> memref<320xf32, #tpu.memory_space<hbm>>
      tpu.enqueue_dma source(%dma_start3A_75 : memref<320xf32, #tpu.memory_space<hbm>>) target(%dma_start3A_74 : memref<320xf32, #tpu.memory_space<vmem>>) target_semaphore(%run_scoped3A : memref<!tpu.dma_semaphore, #tpu.memory_space<semaphore_mem>>)
      %dma_wait3A = arith.constant 1280 : i32
      %dma_wait3A_76 = tpu.memref_slice %arg4[%dma_wait3A] : memref<10240xf32, #tpu.memory_space<vmem>> -> memref<320xf32, #tpu.memory_space<vmem>>
      %dma_wait3A_77 = tpu.memref_slice %arg2[%add3A_12] : memref<327680xf32, #tpu.memory_space<hbm>> -> memref<320xf32, #tpu.memory_space<hbm>>
      %dma_wait3A_78 = arith.constant 1280 : i32
      %dma_wait3A_79 = tpu.memref_slice %arg4[%dma_wait3A_78] : memref<10240xf32, #tpu.memory_space<vmem>> -> memref<320xf32, #tpu.memory_space<vmem>>
      %dma_wait3A_80 = tpu.memref_slice %arg2[%add3A_12] : memref<327680xf32, #tpu.memory_space<hbm>> -> memref<320xf32, #tpu.memory_space<hbm>>
      tpu.wait_dma2 semaphore(%run_scoped3A : memref<!tpu.dma_semaphore, #tpu.memory_space<semaphore_mem>>) src(%dma_wait3A_80 : memref<320xf32, #tpu.memory_space<hbm>>) dst(%dma_wait3A_79 : memref<320xf32, #tpu.memory_space<vmem>>)
      tpu.yield
    }) : () -> ()
    %add3A_13 = arith.constant 51200 : i32
    %add3A_14 = arith.addi %add3A_13, %mul3A_2 : i32
    "tpu.region"() ({
      %run_scoped3A = tpu.sem_alloc : memref<!tpu.dma_semaphore, #tpu.memory_space<semaphore_mem>>
      %dma_start3A = arith.constant 1600 : i32
      %dma_start3A_71 = tpu.memref_slice %arg4[%dma_start3A] : memref<10240xf32, #tpu.memory_space<vmem>> -> memref<320xf32, #tpu.memory_space<vmem>>
      %dma_start3A_72 = tpu.memref_slice %arg2[%add3A_14] : memref<327680xf32, #tpu.memory_space<hbm>> -> memref<320xf32, #tpu.memory_space<hbm>>
      %dma_start3A_73 = arith.constant 1600 : i32
      %dma_start3A_74 = tpu.memref_slice %arg4[%dma_start3A_73] : memref<10240xf32, #tpu.memory_space<vmem>> -> memref<320xf32, #tpu.memory_space<vmem>>
      %dma_start3A_75 = tpu.memref_slice %arg2[%add3A_14] : memref<327680xf32, #tpu.memory_space<hbm>> -> memref<320xf32, #tpu.memory_space<hbm>>
      tpu.enqueue_dma source(%dma_start3A_75 : memref<320xf32, #tpu.memory_space<hbm>>) target(%dma_start3A_74 : memref<320xf32, #tpu.memory_space<vmem>>) target_semaphore(%run_scoped3A : memref<!tpu.dma_semaphore, #tpu.memory_space<semaphore_mem>>)
      %dma_wait3A = arith.constant 1600 : i32
      %dma_wait3A_76 = tpu.memref_slice %arg4[%dma_wait3A] : memref<10240xf32, #tpu.memory_space<vmem>> -> memref<320xf32, #tpu.memory_space<vmem>>
      %dma_wait3A_77 = tpu.memref_slice %arg2[%add3A_14] : memref<327680xf32, #tpu.memory_space<hbm>> -> memref<320xf32, #tpu.memory_space<hbm>>
      %dma_wait3A_78 = arith.constant 1600 : i32
      %dma_wait3A_79 = tpu.memref_slice %arg4[%dma_wait3A_78] : memref<10240xf32, #tpu.memory_space<vmem>> -> memref<320xf32, #tpu.memory_space<vmem>>
      %dma_wait3A_80 = tpu.memref_slice %arg2[%add3A_14] : memref<327680xf32, #tpu.memory_space<hbm>> -> memref<320xf32, #tpu.memory_space<hbm>>
      tpu.wait_dma2 semaphore(%run_scoped3A : memref<!tpu.dma_semaphore, #tpu.memory_space<semaphore_mem>>) src(%dma_wait3A_80 : memref<320xf32, #tpu.memory_space<hbm>>) dst(%dma_wait3A_79 : memref<320xf32, #tpu.memory_space<vmem>>)
      tpu.yield
    }) : () -> ()
    %add3A_15 = arith.constant 61440 : i32
    %add3A_16 = arith.addi %add3A_15, %mul3A_2 : i32
    "tpu.region"() ({
      %run_scoped3A = tpu.sem_alloc : memref<!tpu.dma_semaphore, #tpu.memory_space<semaphore_mem>>
      %dma_start3A = arith.constant 1920 : i32
      %dma_start3A_71 = tpu.memref_slice %arg4[%dma_start3A] : memref<10240xf32, #tpu.memory_space<vmem>> -> memref<320xf32, #tpu.memory_space<vmem>>
      %dma_start3A_72 = tpu.memref_slice %arg2[%add3A_16] : memref<327680xf32, #tpu.memory_space<hbm>> -> memref<320xf32, #tpu.memory_space<hbm>>
      %dma_start3A_73 = arith.constant 1920 : i32
      %dma_start3A_74 = tpu.memref_slice %arg4[%dma_start3A_73] : memref<10240xf32, #tpu.memory_space<vmem>> -> memref<320xf32, #tpu.memory_space<vmem>>
      %dma_start3A_75 = tpu.memref_slice %arg2[%add3A_16] : memref<327680xf32, #tpu.memory_space<hbm>> -> memref<320xf32, #tpu.memory_space<hbm>>
      tpu.enqueue_dma source(%dma_start3A_75 : memref<320xf32, #tpu.memory_space<hbm>>) target(%dma_start3A_74 : memref<320xf32, #tpu.memory_space<vmem>>) target_semaphore(%run_scoped3A : memref<!tpu.dma_semaphore, #tpu.memory_space<semaphore_mem>>)
      %dma_wait3A = arith.constant 1920 : i32
      %dma_wait3A_76 = tpu.memref_slice %arg4[%dma_wait3A] : memref<10240xf32, #tpu.memory_space<vmem>> -> memref<320xf32, #tpu.memory_space<vmem>>
      %dma_wait3A_77 = tpu.memref_slice %arg2[%add3A_16] : memref<327680xf32, #tpu.memory_space<hbm>> -> memref<320xf32, #tpu.memory_space<hbm>>
      %dma_wait3A_78 = arith.constant 1920 : i32
      %dma_wait3A_79 = tpu.memref_slice %arg4[%dma_wait3A_78] : memref<10240xf32, #tpu.memory_space<vmem>> -> memref<320xf32, #tpu.memory_space<vmem>>
      %dma_wait3A_80 = tpu.memref_slice %arg2[%add3A_16] : memref<327680xf32, #tpu.memory_space<hbm>> -> memref<320xf32, #tpu.memory_space<hbm>>
      tpu.wait_dma2 semaphore(%run_scoped3A : memref<!tpu.dma_semaphore, #tpu.memory_space<semaphore_mem>>) src(%dma_wait3A_80 : memref<320xf32, #tpu.memory_space<hbm>>) dst(%dma_wait3A_79 : memref<320xf32, #tpu.memory_space<vmem>>)
      tpu.yield
    }) : () -> ()
    %add3A_17 = arith.constant 71680 : i32
    %add3A_18 = arith.addi %add3A_17, %mul3A_2 : i32
    "tpu.region"() ({
      %run_scoped3A = tpu.sem_alloc : memref<!tpu.dma_semaphore, #tpu.memory_space<semaphore_mem>>
      %dma_start3A = arith.constant 2240 : i32
      %dma_start3A_71 = tpu.memref_slice %arg4[%dma_start3A] : memref<10240xf32, #tpu.memory_space<vmem>> -> memref<320xf32, #tpu.memory_space<vmem>>
      %dma_start3A_72 = tpu.memref_slice %arg2[%add3A_18] : memref<327680xf32, #tpu.memory_space<hbm>> -> memref<320xf32, #tpu.memory_space<hbm>>
      %dma_start3A_73 = arith.constant 2240 : i32
      %dma_start3A_74 = tpu.memref_slice %arg4[%dma_start3A_73] : memref<10240xf32, #tpu.memory_space<vmem>> -> memref<320xf32, #tpu.memory_space<vmem>>
      %dma_start3A_75 = tpu.memref_slice %arg2[%add3A_18] : memref<327680xf32, #tpu.memory_space<hbm>> -> memref<320xf32, #tpu.memory_space<hbm>>
      tpu.enqueue_dma source(%dma_start3A_75 : memref<320xf32, #tpu.memory_space<hbm>>) target(%dma_start3A_74 : memref<320xf32, #tpu.memory_space<vmem>>) target_semaphore(%run_scoped3A : memref<!tpu.dma_semaphore, #tpu.memory_space<semaphore_mem>>)
      %dma_wait3A = arith.constant 2240 : i32
      %dma_wait3A_76 = tpu.memref_slice %arg4[%dma_wait3A] : memref<10240xf32, #tpu.memory_space<vmem>> -> memref<320xf32, #tpu.memory_space<vmem>>
      %dma_wait3A_77 = tpu.memref_slice %arg2[%add3A_18] : memref<327680xf32, #tpu.memory_space<hbm>> -> memref<320xf32, #tpu.memory_space<hbm>>
      %dma_wait3A_78 = arith.constant 2240 : i32
      %dma_wait3A_79 = tpu.memref_slice %arg4[%dma_wait3A_78] : memref<10240xf32, #tpu.memory_space<vmem>> -> memref<320xf32, #tpu.memory_space<vmem>>
      %dma_wait3A_80 = tpu.memref_slice %arg2[%add3A_18] : memref<327680xf32, #tpu.memory_space<hbm>> -> memref<320xf32, #tpu.memory_space<hbm>>
      tpu.wait_dma2 semaphore(%run_scoped3A : memref<!tpu.dma_semaphore, #tpu.memory_space<semaphore_mem>>) src(%dma_wait3A_80 : memref<320xf32, #tpu.memory_space<hbm>>) dst(%dma_wait3A_79 : memref<320xf32, #tpu.memory_space<vmem>>)
      tpu.yield
    }) : () -> ()
    %add3A_19 = arith.constant 81920 : i32
    %add3A_20 = arith.addi %add3A_19, %mul3A_2 : i32
    "tpu.region"() ({
      %run_scoped3A = tpu.sem_alloc : memref<!tpu.dma_semaphore, #tpu.memory_space<semaphore_mem>>
      %dma_start3A = arith.constant 2560 : i32
      %dma_start3A_71 = tpu.memref_slice %arg4[%dma_start3A] : memref<10240xf32, #tpu.memory_space<vmem>> -> memref<320xf32, #tpu.memory_space<vmem>>
      %dma_start3A_72 = tpu.memref_slice %arg2[%add3A_20] : memref<327680xf32, #tpu.memory_space<hbm>> -> memref<320xf32, #tpu.memory_space<hbm>>
      %dma_start3A_73 = arith.constant 2560 : i32
      %dma_start3A_74 = tpu.memref_slice %arg4[%dma_start3A_73] : memref<10240xf32, #tpu.memory_space<vmem>> -> memref<320xf32, #tpu.memory_space<vmem>>
      %dma_start3A_75 = tpu.memref_slice %arg2[%add3A_20] : memref<327680xf32, #tpu.memory_space<hbm>> -> memref<320xf32, #tpu.memory_space<hbm>>
      tpu.enqueue_dma source(%dma_start3A_75 : memref<320xf32, #tpu.memory_space<hbm>>) target(%dma_start3A_74 : memref<320xf32, #tpu.memory_space<vmem>>) target_semaphore(%run_scoped3A : memref<!tpu.dma_semaphore, #tpu.memory_space<semaphore_mem>>)
      %dma_wait3A = arith.constant 2560 : i32
      %dma_wait3A_76 = tpu.memref_slice %arg4[%dma_wait3A] : memref<10240xf32, #tpu.memory_space<vmem>> -> memref<320xf32, #tpu.memory_space<vmem>>
      %dma_wait3A_77 = tpu.memref_slice %arg2[%add3A_20] : memref<327680xf32, #tpu.memory_space<hbm>> -> memref<320xf32, #tpu.memory_space<hbm>>
      %dma_wait3A_78 = arith.constant 2560 : i32
      %dma_wait3A_79 = tpu.memref_slice %arg4[%dma_wait3A_78] : memref<10240xf32, #tpu.memory_space<vmem>> -> memref<320xf32, #tpu.memory_space<vmem>>
      %dma_wait3A_80 = tpu.memref_slice %arg2[%add3A_20] : memref<327680xf32, #tpu.memory_space<hbm>> -> memref<320xf32, #tpu.memory_space<hbm>>
      tpu.wait_dma2 semaphore(%run_scoped3A : memref<!tpu.dma_semaphore, #tpu.memory_space<semaphore_mem>>) src(%dma_wait3A_80 : memref<320xf32, #tpu.memory_space<hbm>>) dst(%dma_wait3A_79 : memref<320xf32, #tpu.memory_space<vmem>>)
      tpu.yield
    }) : () -> ()
    %add3A_21 = arith.constant 92160 : i32
    %add3A_22 = arith.addi %add3A_21, %mul3A_2 : i32
    "tpu.region"() ({
      %run_scoped3A = tpu.sem_alloc : memref<!tpu.dma_semaphore, #tpu.memory_space<semaphore_mem>>
      %dma_start3A = arith.constant 2880 : i32
      %dma_start3A_71 = tpu.memref_slice %arg4[%dma_start3A] : memref<10240xf32, #tpu.memory_space<vmem>> -> memref<320xf32, #tpu.memory_space<vmem>>
      %dma_start3A_72 = tpu.memref_slice %arg2[%add3A_22] : memref<327680xf32, #tpu.memory_space<hbm>> -> memref<320xf32, #tpu.memory_space<hbm>>
      %dma_start3A_73 = arith.constant 2880 : i32
      %dma_start3A_74 = tpu.memref_slice %arg4[%dma_start3A_73] : memref<10240xf32, #tpu.memory_space<vmem>> -> memref<320xf32, #tpu.memory_space<vmem>>
      %dma_start3A_75 = tpu.memref_slice %arg2[%add3A_22] : memref<327680xf32, #tpu.memory_space<hbm>> -> memref<320xf32, #tpu.memory_space<hbm>>
      tpu.enqueue_dma source(%dma_start3A_75 : memref<320xf32, #tpu.memory_space<hbm>>) target(%dma_start3A_74 : memref<320xf32, #tpu.memory_space<vmem>>) target_semaphore(%run_scoped3A : memref<!tpu.dma_semaphore, #tpu.memory_space<semaphore_mem>>)
      %dma_wait3A = arith.constant 2880 : i32
      %dma_wait3A_76 = tpu.memref_slice %arg4[%dma_wait3A] : memref<10240xf32, #tpu.memory_space<vmem>> -> memref<320xf32, #tpu.memory_space<vmem>>
      %dma_wait3A_77 = tpu.memref_slice %arg2[%add3A_22] : memref<327680xf32, #tpu.memory_space<hbm>> -> memref<320xf32, #tpu.memory_space<hbm>>
      %dma_wait3A_78 = arith.constant 2880 : i32
      %dma_wait3A_79 = tpu.memref_slice %arg4[%dma_wait3A_78] : memref<10240xf32, #tpu.memory_space<vmem>> -> memref<320xf32, #tpu.memory_space<vmem>>
      %dma_wait3A_80 = tpu.memref_slice %arg2[%add3A_22] : memref<327680xf32, #tpu.memory_space<hbm>> -> memref<320xf32, #tpu.memory_space<hbm>>
      tpu.wait_dma2 semaphore(%run_scoped3A : memref<!tpu.dma_semaphore, #tpu.memory_space<semaphore_mem>>) src(%dma_wait3A_80 : memref<320xf32, #tpu.memory_space<hbm>>) dst(%dma_wait3A_79 : memref<320xf32, #tpu.memory_space<vmem>>)
      tpu.yield
    }) : () -> ()
    %add3A_23 = arith.constant 102400 : i32
    %add3A_24 = arith.addi %add3A_23, %mul3A_2 : i32
    "tpu.region"() ({
      %run_scoped3A = tpu.sem_alloc : memref<!tpu.dma_semaphore, #tpu.memory_space<semaphore_mem>>
      %dma_start3A = arith.constant 3200 : i32
      %dma_start3A_71 = tpu.memref_slice %arg4[%dma_start3A] : memref<10240xf32, #tpu.memory_space<vmem>> -> memref<320xf32, #tpu.memory_space<vmem>>
      %dma_start3A_72 = tpu.memref_slice %arg2[%add3A_24] : memref<327680xf32, #tpu.memory_space<hbm>> -> memref<320xf32, #tpu.memory_space<hbm>>
      %dma_start3A_73 = arith.constant 3200 : i32
      %dma_start3A_74 = tpu.memref_slice %arg4[%dma_start3A_73] : memref<10240xf32, #tpu.memory_space<vmem>> -> memref<320xf32, #tpu.memory_space<vmem>>
      %dma_start3A_75 = tpu.memref_slice %arg2[%add3A_24] : memref<327680xf32, #tpu.memory_space<hbm>> -> memref<320xf32, #tpu.memory_space<hbm>>
      tpu.enqueue_dma source(%dma_start3A_75 : memref<320xf32, #tpu.memory_space<hbm>>) target(%dma_start3A_74 : memref<320xf32, #tpu.memory_space<vmem>>) target_semaphore(%run_scoped3A : memref<!tpu.dma_semaphore, #tpu.memory_space<semaphore_mem>>)
      %dma_wait3A = arith.constant 3200 : i32
      %dma_wait3A_76 = tpu.memref_slice %arg4[%dma_wait3A] : memref<10240xf32, #tpu.memory_space<vmem>> -> memref<320xf32, #tpu.memory_space<vmem>>
      %dma_wait3A_77 = tpu.memref_slice %arg2[%add3A_24] : memref<327680xf32, #tpu.memory_space<hbm>> -> memref<320xf32, #tpu.memory_space<hbm>>
      %dma_wait3A_78 = arith.constant 3200 : i32
      %dma_wait3A_79 = tpu.memref_slice %arg4[%dma_wait3A_78] : memref<10240xf32, #tpu.memory_space<vmem>> -> memref<320xf32, #tpu.memory_space<vmem>>
      %dma_wait3A_80 = tpu.memref_slice %arg2[%add3A_24] : memref<327680xf32, #tpu.memory_space<hbm>> -> memref<320xf32, #tpu.memory_space<hbm>>
      tpu.wait_dma2 semaphore(%run_scoped3A : memref<!tpu.dma_semaphore, #tpu.memory_space<semaphore_mem>>) src(%dma_wait3A_80 : memref<320xf32, #tpu.memory_space<hbm>>) dst(%dma_wait3A_79 : memref<320xf32, #tpu.memory_space<vmem>>)
      tpu.yield
    }) : () -> ()
    %add3A_25 = arith.constant 112640 : i32
    %add3A_26 = arith.addi %add3A_25, %mul3A_2 : i32
    "tpu.region"() ({
      %run_scoped3A = tpu.sem_alloc : memref<!tpu.dma_semaphore, #tpu.memory_space<semaphore_mem>>
      %dma_start3A = arith.constant 3520 : i32
      %dma_start3A_71 = tpu.memref_slice %arg4[%dma_start3A] : memref<10240xf32, #tpu.memory_space<vmem>> -> memref<320xf32, #tpu.memory_space<vmem>>
      %dma_start3A_72 = tpu.memref_slice %arg2[%add3A_26] : memref<327680xf32, #tpu.memory_space<hbm>> -> memref<320xf32, #tpu.memory_space<hbm>>
      %dma_start3A_73 = arith.constant 3520 : i32
      %dma_start3A_74 = tpu.memref_slice %arg4[%dma_start3A_73] : memref<10240xf32, #tpu.memory_space<vmem>> -> memref<320xf32, #tpu.memory_space<vmem>>
      %dma_start3A_75 = tpu.memref_slice %arg2[%add3A_26] : memref<327680xf32, #tpu.memory_space<hbm>> -> memref<320xf32, #tpu.memory_space<hbm>>
      tpu.enqueue_dma source(%dma_start3A_75 : memref<320xf32, #tpu.memory_space<hbm>>) target(%dma_start3A_74 : memref<320xf32, #tpu.memory_space<vmem>>) target_semaphore(%run_scoped3A : memref<!tpu.dma_semaphore, #tpu.memory_space<semaphore_mem>>)
      %dma_wait3A = arith.constant 3520 : i32
      %dma_wait3A_76 = tpu.memref_slice %arg4[%dma_wait3A] : memref<10240xf32, #tpu.memory_space<vmem>> -> memref<320xf32, #tpu.memory_space<vmem>>
      %dma_wait3A_77 = tpu.memref_slice %arg2[%add3A_26] : memref<327680xf32, #tpu.memory_space<hbm>> -> memref<320xf32, #tpu.memory_space<hbm>>
      %dma_wait3A_78 = arith.constant 3520 : i32
      %dma_wait3A_79 = tpu.memref_slice %arg4[%dma_wait3A_78] : memref<10240xf32, #tpu.memory_space<vmem>> -> memref<320xf32, #tpu.memory_space<vmem>>
      %dma_wait3A_80 = tpu.memref_slice %arg2[%add3A_26] : memref<327680xf32, #tpu.memory_space<hbm>> -> memref<320xf32, #tpu.memory_space<hbm>>
      tpu.wait_dma2 semaphore(%run_scoped3A : memref<!tpu.dma_semaphore, #tpu.memory_space<semaphore_mem>>) src(%dma_wait3A_80 : memref<320xf32, #tpu.memory_space<hbm>>) dst(%dma_wait3A_79 : memref<320xf32, #tpu.memory_space<vmem>>)
      tpu.yield
    }) : () -> ()
    %add3A_27 = arith.constant 122880 : i32
    %add3A_28 = arith.addi %add3A_27, %mul3A_2 : i32
    "tpu.region"() ({
      %run_scoped3A = tpu.sem_alloc : memref<!tpu.dma_semaphore, #tpu.memory_space<semaphore_mem>>
      %dma_start3A = arith.constant 3840 : i32
      %dma_start3A_71 = tpu.memref_slice %arg4[%dma_start3A] : memref<10240xf32, #tpu.memory_space<vmem>> -> memref<320xf32, #tpu.memory_space<vmem>>
      %dma_start3A_72 = tpu.memref_slice %arg2[%add3A_28] : memref<327680xf32, #tpu.memory_space<hbm>> -> memref<320xf32, #tpu.memory_space<hbm>>
      %dma_start3A_73 = arith.constant 3840 : i32
      %dma_start3A_74 = tpu.memref_slice %arg4[%dma_start3A_73] : memref<10240xf32, #tpu.memory_space<vmem>> -> memref<320xf32, #tpu.memory_space<vmem>>
      %dma_start3A_75 = tpu.memref_slice %arg2[%add3A_28] : memref<327680xf32, #tpu.memory_space<hbm>> -> memref<320xf32, #tpu.memory_space<hbm>>
      tpu.enqueue_dma source(%dma_start3A_75 : memref<320xf32, #tpu.memory_space<hbm>>) target(%dma_start3A_74 : memref<320xf32, #tpu.memory_space<vmem>>) target_semaphore(%run_scoped3A : memref<!tpu.dma_semaphore, #tpu.memory_space<semaphore_mem>>)
      %dma_wait3A = arith.constant 3840 : i32
      %dma_wait3A_76 = tpu.memref_slice %arg4[%dma_wait3A] : memref<10240xf32, #tpu.memory_space<vmem>> -> memref<320xf32, #tpu.memory_space<vmem>>
      %dma_wait3A_77 = tpu.memref_slice %arg2[%add3A_28] : memref<327680xf32, #tpu.memory_space<hbm>> -> memref<320xf32, #tpu.memory_space<hbm>>
      %dma_wait3A_78 = arith.constant 3840 : i32
      %dma_wait3A_79 = tpu.memref_slice %arg4[%dma_wait3A_78] : memref<10240xf32, #tpu.memory_space<vmem>> -> memref<320xf32, #tpu.memory_space<vmem>>
      %dma_wait3A_80 = tpu.memref_slice %arg2[%add3A_28] : memref<327680xf32, #tpu.memory_space<hbm>> -> memref<320xf32, #tpu.memory_space<hbm>>
      tpu.wait_dma2 semaphore(%run_scoped3A : memref<!tpu.dma_semaphore, #tpu.memory_space<semaphore_mem>>) src(%dma_wait3A_80 : memref<320xf32, #tpu.memory_space<hbm>>) dst(%dma_wait3A_79 : memref<320xf32, #tpu.memory_space<vmem>>)
      tpu.yield
    }) : () -> ()
    %add3A_29 = arith.constant 133120 : i32
    %add3A_30 = arith.addi %add3A_29, %mul3A_2 : i32
    "tpu.region"() ({
      %run_scoped3A = tpu.sem_alloc : memref<!tpu.dma_semaphore, #tpu.memory_space<semaphore_mem>>
      %dma_start3A = arith.constant 4160 : i32
      %dma_start3A_71 = tpu.memref_slice %arg4[%dma_start3A] : memref<10240xf32, #tpu.memory_space<vmem>> -> memref<320xf32, #tpu.memory_space<vmem>>
      %dma_start3A_72 = tpu.memref_slice %arg2[%add3A_30] : memref<327680xf32, #tpu.memory_space<hbm>> -> memref<320xf32, #tpu.memory_space<hbm>>
      %dma_start3A_73 = arith.constant 4160 : i32
      %dma_start3A_74 = tpu.memref_slice %arg4[%dma_start3A_73] : memref<10240xf32, #tpu.memory_space<vmem>> -> memref<320xf32, #tpu.memory_space<vmem>>
      %dma_start3A_75 = tpu.memref_slice %arg2[%add3A_30] : memref<327680xf32, #tpu.memory_space<hbm>> -> memref<320xf32, #tpu.memory_space<hbm>>
      tpu.enqueue_dma source(%dma_start3A_75 : memref<320xf32, #tpu.memory_space<hbm>>) target(%dma_start3A_74 : memref<320xf32, #tpu.memory_space<vmem>>) target_semaphore(%run_scoped3A : memref<!tpu.dma_semaphore, #tpu.memory_space<semaphore_mem>>)
      %dma_wait3A = arith.constant 4160 : i32
      %dma_wait3A_76 = tpu.memref_slice %arg4[%dma_wait3A] : memref<10240xf32, #tpu.memory_space<vmem>> -> memref<320xf32, #tpu.memory_space<vmem>>
      %dma_wait3A_77 = tpu.memref_slice %arg2[%add3A_30] : memref<327680xf32, #tpu.memory_space<hbm>> -> memref<320xf32, #tpu.memory_space<hbm>>
      %dma_wait3A_78 = arith.constant 4160 : i32
      %dma_wait3A_79 = tpu.memref_slice %arg4[%dma_wait3A_78] : memref<10240xf32, #tpu.memory_space<vmem>> -> memref<320xf32, #tpu.memory_space<vmem>>
      %dma_wait3A_80 = tpu.memref_slice %arg2[%add3A_30] : memref<327680xf32, #tpu.memory_space<hbm>> -> memref<320xf32, #tpu.memory_space<hbm>>
      tpu.wait_dma2 semaphore(%run_scoped3A : memref<!tpu.dma_semaphore, #tpu.memory_space<semaphore_mem>>) src(%dma_wait3A_80 : memref<320xf32, #tpu.memory_space<hbm>>) dst(%dma_wait3A_79 : memref<320xf32, #tpu.memory_space<vmem>>)
      tpu.yield
    }) : () -> ()
    %add3A_31 = arith.constant 143360 : i32
    %add3A_32 = arith.addi %add3A_31, %mul3A_2 : i32
    "tpu.region"() ({
      %run_scoped3A = tpu.sem_alloc : memref<!tpu.dma_semaphore, #tpu.memory_space<semaphore_mem>>
      %dma_start3A = arith.constant 4480 : i32
      %dma_start3A_71 = tpu.memref_slice %arg4[%dma_start3A] : memref<10240xf32, #tpu.memory_space<vmem>> -> memref<320xf32, #tpu.memory_space<vmem>>
      %dma_start3A_72 = tpu.memref_slice %arg2[%add3A_32] : memref<327680xf32, #tpu.memory_space<hbm>> -> memref<320xf32, #tpu.memory_space<hbm>>
      %dma_start3A_73 = arith.constant 4480 : i32
      %dma_start3A_74 = tpu.memref_slice %arg4[%dma_start3A_73] : memref<10240xf32, #tpu.memory_space<vmem>> -> memref<320xf32, #tpu.memory_space<vmem>>
      %dma_start3A_75 = tpu.memref_slice %arg2[%add3A_32] : memref<327680xf32, #tpu.memory_space<hbm>> -> memref<320xf32, #tpu.memory_space<hbm>>
      tpu.enqueue_dma source(%dma_start3A_75 : memref<320xf32, #tpu.memory_space<hbm>>) target(%dma_start3A_74 : memref<320xf32, #tpu.memory_space<vmem>>) target_semaphore(%run_scoped3A : memref<!tpu.dma_semaphore, #tpu.memory_space<semaphore_mem>>)
      %dma_wait3A = arith.constant 4480 : i32
      %dma_wait3A_76 = tpu.memref_slice %arg4[%dma_wait3A] : memref<10240xf32, #tpu.memory_space<vmem>> -> memref<320xf32, #tpu.memory_space<vmem>>
      %dma_wait3A_77 = tpu.memref_slice %arg2[%add3A_32] : memref<327680xf32, #tpu.memory_space<hbm>> -> memref<320xf32, #tpu.memory_space<hbm>>
      %dma_wait3A_78 = arith.constant 4480 : i32
      %dma_wait3A_79 = tpu.memref_slice %arg4[%dma_wait3A_78] : memref<10240xf32, #tpu.memory_space<vmem>> -> memref<320xf32, #tpu.memory_space<vmem>>
      %dma_wait3A_80 = tpu.memref_slice %arg2[%add3A_32] : memref<327680xf32, #tpu.memory_space<hbm>> -> memref<320xf32, #tpu.memory_space<hbm>>
      tpu.wait_dma2 semaphore(%run_scoped3A : memref<!tpu.dma_semaphore, #tpu.memory_space<semaphore_mem>>) src(%dma_wait3A_80 : memref<320xf32, #tpu.memory_space<hbm>>) dst(%dma_wait3A_79 : memref<320xf32, #tpu.memory_space<vmem>>)
      tpu.yield
    }) : () -> ()
    %add3A_33 = arith.constant 153600 : i32
    %add3A_34 = arith.addi %add3A_33, %mul3A_2 : i32
    "tpu.region"() ({
      %run_scoped3A = tpu.sem_alloc : memref<!tpu.dma_semaphore, #tpu.memory_space<semaphore_mem>>
      %dma_start3A = arith.constant 4800 : i32
      %dma_start3A_71 = tpu.memref_slice %arg4[%dma_start3A] : memref<10240xf32, #tpu.memory_space<vmem>> -> memref<320xf32, #tpu.memory_space<vmem>>
      %dma_start3A_72 = tpu.memref_slice %arg2[%add3A_34] : memref<327680xf32, #tpu.memory_space<hbm>> -> memref<320xf32, #tpu.memory_space<hbm>>
      %dma_start3A_73 = arith.constant 4800 : i32
      %dma_start3A_74 = tpu.memref_slice %arg4[%dma_start3A_73] : memref<10240xf32, #tpu.memory_space<vmem>> -> memref<320xf32, #tpu.memory_space<vmem>>
      %dma_start3A_75 = tpu.memref_slice %arg2[%add3A_34] : memref<327680xf32, #tpu.memory_space<hbm>> -> memref<320xf32, #tpu.memory_space<hbm>>
      tpu.enqueue_dma source(%dma_start3A_75 : memref<320xf32, #tpu.memory_space<hbm>>) target(%dma_start3A_74 : memref<320xf32, #tpu.memory_space<vmem>>) target_semaphore(%run_scoped3A : memref<!tpu.dma_semaphore, #tpu.memory_space<semaphore_mem>>)
      %dma_wait3A = arith.constant 4800 : i32
      %dma_wait3A_76 = tpu.memref_slice %arg4[%dma_wait3A] : memref<10240xf32, #tpu.memory_space<vmem>> -> memref<320xf32, #tpu.memory_space<vmem>>
      %dma_wait3A_77 = tpu.memref_slice %arg2[%add3A_34] : memref<327680xf32, #tpu.memory_space<hbm>> -> memref<320xf32, #tpu.memory_space<hbm>>
      %dma_wait3A_78 = arith.constant 4800 : i32
      %dma_wait3A_79 = tpu.memref_slice %arg4[%dma_wait3A_78] : memref<10240xf32, #tpu.memory_space<vmem>> -> memref<320xf32, #tpu.memory_space<vmem>>
      %dma_wait3A_80 = tpu.memref_slice %arg2[%add3A_34] : memref<327680xf32, #tpu.memory_space<hbm>> -> memref<320xf32, #tpu.memory_space<hbm>>
      tpu.wait_dma2 semaphore(%run_scoped3A : memref<!tpu.dma_semaphore, #tpu.memory_space<semaphore_mem>>) src(%dma_wait3A_80 : memref<320xf32, #tpu.memory_space<hbm>>) dst(%dma_wait3A_79 : memref<320xf32, #tpu.memory_space<vmem>>)
      tpu.yield
    }) : () -> ()
    %add3A_35 = arith.constant 163840 : i32
    %add3A_36 = arith.addi %add3A_35, %mul3A_2 : i32
    "tpu.region"() ({
      %run_scoped3A = tpu.sem_alloc : memref<!tpu.dma_semaphore, #tpu.memory_space<semaphore_mem>>
      %dma_start3A = arith.constant 5120 : i32
      %dma_start3A_71 = tpu.memref_slice %arg4[%dma_start3A] : memref<10240xf32, #tpu.memory_space<vmem>> -> memref<320xf32, #tpu.memory_space<vmem>>
      %dma_start3A_72 = tpu.memref_slice %arg2[%add3A_36] : memref<327680xf32, #tpu.memory_space<hbm>> -> memref<320xf32, #tpu.memory_space<hbm>>
      %dma_start3A_73 = arith.constant 5120 : i32
      %dma_start3A_74 = tpu.memref_slice %arg4[%dma_start3A_73] : memref<10240xf32, #tpu.memory_space<vmem>> -> memref<320xf32, #tpu.memory_space<vmem>>
      %dma_start3A_75 = tpu.memref_slice %arg2[%add3A_36] : memref<327680xf32, #tpu.memory_space<hbm>> -> memref<320xf32, #tpu.memory_space<hbm>>
      tpu.enqueue_dma source(%dma_start3A_75 : memref<320xf32, #tpu.memory_space<hbm>>) target(%dma_start3A_74 : memref<320xf32, #tpu.memory_space<vmem>>) target_semaphore(%run_scoped3A : memref<!tpu.dma_semaphore, #tpu.memory_space<semaphore_mem>>)
      %dma_wait3A = arith.constant 5120 : i32
      %dma_wait3A_76 = tpu.memref_slice %arg4[%dma_wait3A] : memref<10240xf32, #tpu.memory_space<vmem>> -> memref<320xf32, #tpu.memory_space<vmem>>
      %dma_wait3A_77 = tpu.memref_slice %arg2[%add3A_36] : memref<327680xf32, #tpu.memory_space<hbm>> -> memref<320xf32, #tpu.memory_space<hbm>>
      %dma_wait3A_78 = arith.constant 5120 : i32
      %dma_wait3A_79 = tpu.memref_slice %arg4[%dma_wait3A_78] : memref<10240xf32, #tpu.memory_space<vmem>> -> memref<320xf32, #tpu.memory_space<vmem>>
      %dma_wait3A_80 = tpu.memref_slice %arg2[%add3A_36] : memref<327680xf32, #tpu.memory_space<hbm>> -> memref<320xf32, #tpu.memory_space<hbm>>
      tpu.wait_dma2 semaphore(%run_scoped3A : memref<!tpu.dma_semaphore, #tpu.memory_space<semaphore_mem>>) src(%dma_wait3A_80 : memref<320xf32, #tpu.memory_space<hbm>>) dst(%dma_wait3A_79 : memref<320xf32, #tpu.memory_space<vmem>>)
      tpu.yield
    }) : () -> ()
    %add3A_37 = arith.constant 174080 : i32
    %add3A_38 = arith.addi %add3A_37, %mul3A_2 : i32
    "tpu.region"() ({
      %run_scoped3A = tpu.sem_alloc : memref<!tpu.dma_semaphore, #tpu.memory_space<semaphore_mem>>
      %dma_start3A = arith.constant 5440 : i32
      %dma_start3A_71 = tpu.memref_slice %arg4[%dma_start3A] : memref<10240xf32, #tpu.memory_space<vmem>> -> memref<320xf32, #tpu.memory_space<vmem>>
      %dma_start3A_72 = tpu.memref_slice %arg2[%add3A_38] : memref<327680xf32, #tpu.memory_space<hbm>> -> memref<320xf32, #tpu.memory_space<hbm>>
      %dma_start3A_73 = arith.constant 5440 : i32
      %dma_start3A_74 = tpu.memref_slice %arg4[%dma_start3A_73] : memref<10240xf32, #tpu.memory_space<vmem>> -> memref<320xf32, #tpu.memory_space<vmem>>
      %dma_start3A_75 = tpu.memref_slice %arg2[%add3A_38] : memref<327680xf32, #tpu.memory_space<hbm>> -> memref<320xf32, #tpu.memory_space<hbm>>
      tpu.enqueue_dma source(%dma_start3A_75 : memref<320xf32, #tpu.memory_space<hbm>>) target(%dma_start3A_74 : memref<320xf32, #tpu.memory_space<vmem>>) target_semaphore(%run_scoped3A : memref<!tpu.dma_semaphore, #tpu.memory_space<semaphore_mem>>)
      %dma_wait3A = arith.constant 5440 : i32
      %dma_wait3A_76 = tpu.memref_slice %arg4[%dma_wait3A] : memref<10240xf32, #tpu.memory_space<vmem>> -> memref<320xf32, #tpu.memory_space<vmem>>
      %dma_wait3A_77 = tpu.memref_slice %arg2[%add3A_38] : memref<327680xf32, #tpu.memory_space<hbm>> -> memref<320xf32, #tpu.memory_space<hbm>>
      %dma_wait3A_78 = arith.constant 5440 : i32
      %dma_wait3A_79 = tpu.memref_slice %arg4[%dma_wait3A_78] : memref<10240xf32, #tpu.memory_space<vmem>> -> memref<320xf32, #tpu.memory_space<vmem>>
      %dma_wait3A_80 = tpu.memref_slice %arg2[%add3A_38] : memref<327680xf32, #tpu.memory_space<hbm>> -> memref<320xf32, #tpu.memory_space<hbm>>
      tpu.wait_dma2 semaphore(%run_scoped3A : memref<!tpu.dma_semaphore, #tpu.memory_space<semaphore_mem>>) src(%dma_wait3A_80 : memref<320xf32, #tpu.memory_space<hbm>>) dst(%dma_wait3A_79 : memref<320xf32, #tpu.memory_space<vmem>>)
      tpu.yield
    }) : () -> ()
    %add3A_39 = arith.constant 184320 : i32
    %add3A_40 = arith.addi %add3A_39, %mul3A_2 : i32
    "tpu.region"() ({
      %run_scoped3A = tpu.sem_alloc : memref<!tpu.dma_semaphore, #tpu.memory_space<semaphore_mem>>
      %dma_start3A = arith.constant 5760 : i32
      %dma_start3A_71 = tpu.memref_slice %arg4[%dma_start3A] : memref<10240xf32, #tpu.memory_space<vmem>> -> memref<320xf32, #tpu.memory_space<vmem>>
      %dma_start3A_72 = tpu.memref_slice %arg2[%add3A_40] : memref<327680xf32, #tpu.memory_space<hbm>> -> memref<320xf32, #tpu.memory_space<hbm>>
      %dma_start3A_73 = arith.constant 5760 : i32
      %dma_start3A_74 = tpu.memref_slice %arg4[%dma_start3A_73] : memref<10240xf32, #tpu.memory_space<vmem>> -> memref<320xf32, #tpu.memory_space<vmem>>
      %dma_start3A_75 = tpu.memref_slice %arg2[%add3A_40] : memref<327680xf32, #tpu.memory_space<hbm>> -> memref<320xf32, #tpu.memory_space<hbm>>
      tpu.enqueue_dma source(%dma_start3A_75 : memref<320xf32, #tpu.memory_space<hbm>>) target(%dma_start3A_74 : memref<320xf32, #tpu.memory_space<vmem>>) target_semaphore(%run_scoped3A : memref<!tpu.dma_semaphore, #tpu.memory_space<semaphore_mem>>)
      %dma_wait3A = arith.constant 5760 : i32
      %dma_wait3A_76 = tpu.memref_slice %arg4[%dma_wait3A] : memref<10240xf32, #tpu.memory_space<vmem>> -> memref<320xf32, #tpu.memory_space<vmem>>
      %dma_wait3A_77 = tpu.memref_slice %arg2[%add3A_40] : memref<327680xf32, #tpu.memory_space<hbm>> -> memref<320xf32, #tpu.memory_space<hbm>>
      %dma_wait3A_78 = arith.constant 5760 : i32
      %dma_wait3A_79 = tpu.memref_slice %arg4[%dma_wait3A_78] : memref<10240xf32, #tpu.memory_space<vmem>> -> memref<320xf32, #tpu.memory_space<vmem>>
      %dma_wait3A_80 = tpu.memref_slice %arg2[%add3A_40] : memref<327680xf32, #tpu.memory_space<hbm>> -> memref<320xf32, #tpu.memory_space<hbm>>
      tpu.wait_dma2 semaphore(%run_scoped3A : memref<!tpu.dma_semaphore, #tpu.memory_space<semaphore_mem>>) src(%dma_wait3A_80 : memref<320xf32, #tpu.memory_space<hbm>>) dst(%dma_wait3A_79 : memref<320xf32, #tpu.memory_space<vmem>>)
      tpu.yield
    }) : () -> ()
    %add3A_41 = arith.constant 194560 : i32
    %add3A_42 = arith.addi %add3A_41, %mul3A_2 : i32
    "tpu.region"() ({
      %run_scoped3A = tpu.sem_alloc : memref<!tpu.dma_semaphore, #tpu.memory_space<semaphore_mem>>
      %dma_start3A = arith.constant 6080 : i32
      %dma_start3A_71 = tpu.memref_slice %arg4[%dma_start3A] : memref<10240xf32, #tpu.memory_space<vmem>> -> memref<320xf32, #tpu.memory_space<vmem>>
      %dma_start3A_72 = tpu.memref_slice %arg2[%add3A_42] : memref<327680xf32, #tpu.memory_space<hbm>> -> memref<320xf32, #tpu.memory_space<hbm>>
      %dma_start3A_73 = arith.constant 6080 : i32
      %dma_start3A_74 = tpu.memref_slice %arg4[%dma_start3A_73] : memref<10240xf32, #tpu.memory_space<vmem>> -> memref<320xf32, #tpu.memory_space<vmem>>
      %dma_start3A_75 = tpu.memref_slice %arg2[%add3A_42] : memref<327680xf32, #tpu.memory_space<hbm>> -> memref<320xf32, #tpu.memory_space<hbm>>
      tpu.enqueue_dma source(%dma_start3A_75 : memref<320xf32, #tpu.memory_space<hbm>>) target(%dma_start3A_74 : memref<320xf32, #tpu.memory_space<vmem>>) target_semaphore(%run_scoped3A : memref<!tpu.dma_semaphore, #tpu.memory_space<semaphore_mem>>)
      %dma_wait3A = arith.constant 6080 : i32
      %dma_wait3A_76 = tpu.memref_slice %arg4[%dma_wait3A] : memref<10240xf32, #tpu.memory_space<vmem>> -> memref<320xf32, #tpu.memory_space<vmem>>
      %dma_wait3A_77 = tpu.memref_slice %arg2[%add3A_42] : memref<327680xf32, #tpu.memory_space<hbm>> -> memref<320xf32, #tpu.memory_space<hbm>>
      %dma_wait3A_78 = arith.constant 6080 : i32
      %dma_wait3A_79 = tpu.memref_slice %arg4[%dma_wait3A_78] : memref<10240xf32, #tpu.memory_space<vmem>> -> memref<320xf32, #tpu.memory_space<vmem>>
      %dma_wait3A_80 = tpu.memref_slice %arg2[%add3A_42] : memref<327680xf32, #tpu.memory_space<hbm>> -> memref<320xf32, #tpu.memory_space<hbm>>
      tpu.wait_dma2 semaphore(%run_scoped3A : memref<!tpu.dma_semaphore, #tpu.memory_space<semaphore_mem>>) src(%dma_wait3A_80 : memref<320xf32, #tpu.memory_space<hbm>>) dst(%dma_wait3A_79 : memref<320xf32, #tpu.memory_space<vmem>>)
      tpu.yield
    }) : () -> ()
    %add3A_43 = arith.constant 204800 : i32
    %add3A_44 = arith.addi %add3A_43, %mul3A_2 : i32
    "tpu.region"() ({
      %run_scoped3A = tpu.sem_alloc : memref<!tpu.dma_semaphore, #tpu.memory_space<semaphore_mem>>
      %dma_start3A = arith.constant 6400 : i32
      %dma_start3A_71 = tpu.memref_slice %arg4[%dma_start3A] : memref<10240xf32, #tpu.memory_space<vmem>> -> memref<320xf32, #tpu.memory_space<vmem>>
      %dma_start3A_72 = tpu.memref_slice %arg2[%add3A_44] : memref<327680xf32, #tpu.memory_space<hbm>> -> memref<320xf32, #tpu.memory_space<hbm>>
      %dma_start3A_73 = arith.constant 6400 : i32
      %dma_start3A_74 = tpu.memref_slice %arg4[%dma_start3A_73] : memref<10240xf32, #tpu.memory_space<vmem>> -> memref<320xf32, #tpu.memory_space<vmem>>
      %dma_start3A_75 = tpu.memref_slice %arg2[%add3A_44] : memref<327680xf32, #tpu.memory_space<hbm>> -> memref<320xf32, #tpu.memory_space<hbm>>
      tpu.enqueue_dma source(%dma_start3A_75 : memref<320xf32, #tpu.memory_space<hbm>>) target(%dma_start3A_74 : memref<320xf32, #tpu.memory_space<vmem>>) target_semaphore(%run_scoped3A : memref<!tpu.dma_semaphore, #tpu.memory_space<semaphore_mem>>)
      %dma_wait3A = arith.constant 6400 : i32
      %dma_wait3A_76 = tpu.memref_slice %arg4[%dma_wait3A] : memref<10240xf32, #tpu.memory_space<vmem>> -> memref<320xf32, #tpu.memory_space<vmem>>
      %dma_wait3A_77 = tpu.memref_slice %arg2[%add3A_44] : memref<327680xf32, #tpu.memory_space<hbm>> -> memref<320xf32, #tpu.memory_space<hbm>>
      %dma_wait3A_78 = arith.constant 6400 : i32
      %dma_wait3A_79 = tpu.memref_slice %arg4[%dma_wait3A_78] : memref<10240xf32, #tpu.memory_space<vmem>> -> memref<320xf32, #tpu.memory_space<vmem>>
      %dma_wait3A_80 = tpu.memref_slice %arg2[%add3A_44] : memref<327680xf32, #tpu.memory_space<hbm>> -> memref<320xf32, #tpu.memory_space<hbm>>
      tpu.wait_dma2 semaphore(%run_scoped3A : memref<!tpu.dma_semaphore, #tpu.memory_space<semaphore_mem>>) src(%dma_wait3A_80 : memref<320xf32, #tpu.memory_space<hbm>>) dst(%dma_wait3A_79 : memref<320xf32, #tpu.memory_space<vmem>>)
      tpu.yield
    }) : () -> ()
    %add3A_45 = arith.constant 215040 : i32
    %add3A_46 = arith.addi %add3A_45, %mul3A_2 : i32
    "tpu.region"() ({
      %run_scoped3A = tpu.sem_alloc : memref<!tpu.dma_semaphore, #tpu.memory_space<semaphore_mem>>
      %dma_start3A = arith.constant 6720 : i32
      %dma_start3A_71 = tpu.memref_slice %arg4[%dma_start3A] : memref<10240xf32, #tpu.memory_space<vmem>> -> memref<320xf32, #tpu.memory_space<vmem>>
      %dma_start3A_72 = tpu.memref_slice %arg2[%add3A_46] : memref<327680xf32, #tpu.memory_space<hbm>> -> memref<320xf32, #tpu.memory_space<hbm>>
      %dma_start3A_73 = arith.constant 6720 : i32
      %dma_start3A_74 = tpu.memref_slice %arg4[%dma_start3A_73] : memref<10240xf32, #tpu.memory_space<vmem>> -> memref<320xf32, #tpu.memory_space<vmem>>
      %dma_start3A_75 = tpu.memref_slice %arg2[%add3A_46] : memref<327680xf32, #tpu.memory_space<hbm>> -> memref<320xf32, #tpu.memory_space<hbm>>
      tpu.enqueue_dma source(%dma_start3A_75 : memref<320xf32, #tpu.memory_space<hbm>>) target(%dma_start3A_74 : memref<320xf32, #tpu.memory_space<vmem>>) target_semaphore(%run_scoped3A : memref<!tpu.dma_semaphore, #tpu.memory_space<semaphore_mem>>)
      %dma_wait3A = arith.constant 6720 : i32
      %dma_wait3A_76 = tpu.memref_slice %arg4[%dma_wait3A] : memref<10240xf32, #tpu.memory_space<vmem>> -> memref<320xf32, #tpu.memory_space<vmem>>
      %dma_wait3A_77 = tpu.memref_slice %arg2[%add3A_46] : memref<327680xf32, #tpu.memory_space<hbm>> -> memref<320xf32, #tpu.memory_space<hbm>>
      %dma_wait3A_78 = arith.constant 6720 : i32
      %dma_wait3A_79 = tpu.memref_slice %arg4[%dma_wait3A_78] : memref<10240xf32, #tpu.memory_space<vmem>> -> memref<320xf32, #tpu.memory_space<vmem>>
      %dma_wait3A_80 = tpu.memref_slice %arg2[%add3A_46] : memref<327680xf32, #tpu.memory_space<hbm>> -> memref<320xf32, #tpu.memory_space<hbm>>
      tpu.wait_dma2 semaphore(%run_scoped3A : memref<!tpu.dma_semaphore, #tpu.memory_space<semaphore_mem>>) src(%dma_wait3A_80 : memref<320xf32, #tpu.memory_space<hbm>>) dst(%dma_wait3A_79 : memref<320xf32, #tpu.memory_space<vmem>>)
      tpu.yield
    }) : () -> ()
    %add3A_47 = arith.constant 225280 : i32
    %add3A_48 = arith.addi %add3A_47, %mul3A_2 : i32
    "tpu.region"() ({
      %run_scoped3A = tpu.sem_alloc : memref<!tpu.dma_semaphore, #tpu.memory_space<semaphore_mem>>
      %dma_start3A = arith.constant 7040 : i32
      %dma_start3A_71 = tpu.memref_slice %arg4[%dma_start3A] : memref<10240xf32, #tpu.memory_space<vmem>> -> memref<320xf32, #tpu.memory_space<vmem>>
      %dma_start3A_72 = tpu.memref_slice %arg2[%add3A_48] : memref<327680xf32, #tpu.memory_space<hbm>> -> memref<320xf32, #tpu.memory_space<hbm>>
      %dma_start3A_73 = arith.constant 7040 : i32
      %dma_start3A_74 = tpu.memref_slice %arg4[%dma_start3A_73] : memref<10240xf32, #tpu.memory_space<vmem>> -> memref<320xf32, #tpu.memory_space<vmem>>
      %dma_start3A_75 = tpu.memref_slice %arg2[%add3A_48] : memref<327680xf32, #tpu.memory_space<hbm>> -> memref<320xf32, #tpu.memory_space<hbm>>
      tpu.enqueue_dma source(%dma_start3A_75 : memref<320xf32, #tpu.memory_space<hbm>>) target(%dma_start3A_74 : memref<320xf32, #tpu.memory_space<vmem>>) target_semaphore(%run_scoped3A : memref<!tpu.dma_semaphore, #tpu.memory_space<semaphore_mem>>)
      %dma_wait3A = arith.constant 7040 : i32
      %dma_wait3A_76 = tpu.memref_slice %arg4[%dma_wait3A] : memref<10240xf32, #tpu.memory_space<vmem>> -> memref<320xf32, #tpu.memory_space<vmem>>
      %dma_wait3A_77 = tpu.memref_slice %arg2[%add3A_48] : memref<327680xf32, #tpu.memory_space<hbm>> -> memref<320xf32, #tpu.memory_space<hbm>>
      %dma_wait3A_78 = arith.constant 7040 : i32
      %dma_wait3A_79 = tpu.memref_slice %arg4[%dma_wait3A_78] : memref<10240xf32, #tpu.memory_space<vmem>> -> memref<320xf32, #tpu.memory_space<vmem>>
      %dma_wait3A_80 = tpu.memref_slice %arg2[%add3A_48] : memref<327680xf32, #tpu.memory_space<hbm>> -> memref<320xf32, #tpu.memory_space<hbm>>
      tpu.wait_dma2 semaphore(%run_scoped3A : memref<!tpu.dma_semaphore, #tpu.memory_space<semaphore_mem>>) src(%dma_wait3A_80 : memref<320xf32, #tpu.memory_space<hbm>>) dst(%dma_wait3A_79 : memref<320xf32, #tpu.memory_space<vmem>>)
      tpu.yield
    }) : () -> ()
    %add3A_49 = arith.constant 235520 : i32
    %add3A_50 = arith.addi %add3A_49, %mul3A_2 : i32
    "tpu.region"() ({
      %run_scoped3A = tpu.sem_alloc : memref<!tpu.dma_semaphore, #tpu.memory_space<semaphore_mem>>
      %dma_start3A = arith.constant 7360 : i32
      %dma_start3A_71 = tpu.memref_slice %arg4[%dma_start3A] : memref<10240xf32, #tpu.memory_space<vmem>> -> memref<320xf32, #tpu.memory_space<vmem>>
      %dma_start3A_72 = tpu.memref_slice %arg2[%add3A_50] : memref<327680xf32, #tpu.memory_space<hbm>> -> memref<320xf32, #tpu.memory_space<hbm>>
      %dma_start3A_73 = arith.constant 7360 : i32
      %dma_start3A_74 = tpu.memref_slice %arg4[%dma_start3A_73] : memref<10240xf32, #tpu.memory_space<vmem>> -> memref<320xf32, #tpu.memory_space<vmem>>
      %dma_start3A_75 = tpu.memref_slice %arg2[%add3A_50] : memref<327680xf32, #tpu.memory_space<hbm>> -> memref<320xf32, #tpu.memory_space<hbm>>
      tpu.enqueue_dma source(%dma_start3A_75 : memref<320xf32, #tpu.memory_space<hbm>>) target(%dma_start3A_74 : memref<320xf32, #tpu.memory_space<vmem>>) target_semaphore(%run_scoped3A : memref<!tpu.dma_semaphore, #tpu.memory_space<semaphore_mem>>)
      %dma_wait3A = arith.constant 7360 : i32
      %dma_wait3A_76 = tpu.memref_slice %arg4[%dma_wait3A] : memref<10240xf32, #tpu.memory_space<vmem>> -> memref<320xf32, #tpu.memory_space<vmem>>
      %dma_wait3A_77 = tpu.memref_slice %arg2[%add3A_50] : memref<327680xf32, #tpu.memory_space<hbm>> -> memref<320xf32, #tpu.memory_space<hbm>>
      %dma_wait3A_78 = arith.constant 7360 : i32
      %dma_wait3A_79 = tpu.memref_slice %arg4[%dma_wait3A_78] : memref<10240xf32, #tpu.memory_space<vmem>> -> memref<320xf32, #tpu.memory_space<vmem>>
      %dma_wait3A_80 = tpu.memref_slice %arg2[%add3A_50] : memref<327680xf32, #tpu.memory_space<hbm>> -> memref<320xf32, #tpu.memory_space<hbm>>
      tpu.wait_dma2 semaphore(%run_scoped3A : memref<!tpu.dma_semaphore, #tpu.memory_space<semaphore_mem>>) src(%dma_wait3A_80 : memref<320xf32, #tpu.memory_space<hbm>>) dst(%dma_wait3A_79 : memref<320xf32, #tpu.memory_space<vmem>>)
      tpu.yield
    }) : () -> ()
    %add3A_51 = arith.constant 245760 : i32
    %add3A_52 = arith.addi %add3A_51, %mul3A_2 : i32
    "tpu.region"() ({
      %run_scoped3A = tpu.sem_alloc : memref<!tpu.dma_semaphore, #tpu.memory_space<semaphore_mem>>
      %dma_start3A = arith.constant 7680 : i32
      %dma_start3A_71 = tpu.memref_slice %arg4[%dma_start3A] : memref<10240xf32, #tpu.memory_space<vmem>> -> memref<320xf32, #tpu.memory_space<vmem>>
      %dma_start3A_72 = tpu.memref_slice %arg2[%add3A_52] : memref<327680xf32, #tpu.memory_space<hbm>> -> memref<320xf32, #tpu.memory_space<hbm>>
      %dma_start3A_73 = arith.constant 7680 : i32
      %dma_start3A_74 = tpu.memref_slice %arg4[%dma_start3A_73] : memref<10240xf32, #tpu.memory_space<vmem>> -> memref<320xf32, #tpu.memory_space<vmem>>
      %dma_start3A_75 = tpu.memref_slice %arg2[%add3A_52] : memref<327680xf32, #tpu.memory_space<hbm>> -> memref<320xf32, #tpu.memory_space<hbm>>
      tpu.enqueue_dma source(%dma_start3A_75 : memref<320xf32, #tpu.memory_space<hbm>>) target(%dma_start3A_74 : memref<320xf32, #tpu.memory_space<vmem>>) target_semaphore(%run_scoped3A : memref<!tpu.dma_semaphore, #tpu.memory_space<semaphore_mem>>)
      %dma_wait3A = arith.constant 7680 : i32
      %dma_wait3A_76 = tpu.memref_slice %arg4[%dma_wait3A] : memref<10240xf32, #tpu.memory_space<vmem>> -> memref<320xf32, #tpu.memory_space<vmem>>
      %dma_wait3A_77 = tpu.memref_slice %arg2[%add3A_52] : memref<327680xf32, #tpu.memory_space<hbm>> -> memref<320xf32, #tpu.memory_space<hbm>>
      %dma_wait3A_78 = arith.constant 7680 : i32
      %dma_wait3A_79 = tpu.memref_slice %arg4[%dma_wait3A_78] : memref<10240xf32, #tpu.memory_space<vmem>> -> memref<320xf32, #tpu.memory_space<vmem>>
      %dma_wait3A_80 = tpu.memref_slice %arg2[%add3A_52] : memref<327680xf32, #tpu.memory_space<hbm>> -> memref<320xf32, #tpu.memory_space<hbm>>
      tpu.wait_dma2 semaphore(%run_scoped3A : memref<!tpu.dma_semaphore, #tpu.memory_space<semaphore_mem>>) src(%dma_wait3A_80 : memref<320xf32, #tpu.memory_space<hbm>>) dst(%dma_wait3A_79 : memref<320xf32, #tpu.memory_space<vmem>>)
      tpu.yield
    }) : () -> ()
    %add3A_53 = arith.constant 256000 : i32
    %add3A_54 = arith.addi %add3A_53, %mul3A_2 : i32
    "tpu.region"() ({
      %run_scoped3A = tpu.sem_alloc : memref<!tpu.dma_semaphore, #tpu.memory_space<semaphore_mem>>
      %dma_start3A = arith.constant 8000 : i32
      %dma_start3A_71 = tpu.memref_slice %arg4[%dma_start3A] : memref<10240xf32, #tpu.memory_space<vmem>> -> memref<320xf32, #tpu.memory_space<vmem>>
      %dma_start3A_72 = tpu.memref_slice %arg2[%add3A_54] : memref<327680xf32, #tpu.memory_space<hbm>> -> memref<320xf32, #tpu.memory_space<hbm>>
      %dma_start3A_73 = arith.constant 8000 : i32
      %dma_start3A_74 = tpu.memref_slice %arg4[%dma_start3A_73] : memref<10240xf32, #tpu.memory_space<vmem>> -> memref<320xf32, #tpu.memory_space<vmem>>
      %dma_start3A_75 = tpu.memref_slice %arg2[%add3A_54] : memref<327680xf32, #tpu.memory_space<hbm>> -> memref<320xf32, #tpu.memory_space<hbm>>
      tpu.enqueue_dma source(%dma_start3A_75 : memref<320xf32, #tpu.memory_space<hbm>>) target(%dma_start3A_74 : memref<320xf32, #tpu.memory_space<vmem>>) target_semaphore(%run_scoped3A : memref<!tpu.dma_semaphore, #tpu.memory_space<semaphore_mem>>)
      %dma_wait3A = arith.constant 8000 : i32
      %dma_wait3A_76 = tpu.memref_slice %arg4[%dma_wait3A] : memref<10240xf32, #tpu.memory_space<vmem>> -> memref<320xf32, #tpu.memory_space<vmem>>
      %dma_wait3A_77 = tpu.memref_slice %arg2[%add3A_54] : memref<327680xf32, #tpu.memory_space<hbm>> -> memref<320xf32, #tpu.memory_space<hbm>>
      %dma_wait3A_78 = arith.constant 8000 : i32
      %dma_wait3A_79 = tpu.memref_slice %arg4[%dma_wait3A_78] : memref<10240xf32, #tpu.memory_space<vmem>> -> memref<320xf32, #tpu.memory_space<vmem>>
      %dma_wait3A_80 = tpu.memref_slice %arg2[%add3A_54] : memref<327680xf32, #tpu.memory_space<hbm>> -> memref<320xf32, #tpu.memory_space<hbm>>
      tpu.wait_dma2 semaphore(%run_scoped3A : memref<!tpu.dma_semaphore, #tpu.memory_space<semaphore_mem>>) src(%dma_wait3A_80 : memref<320xf32, #tpu.memory_space<hbm>>) dst(%dma_wait3A_79 : memref<320xf32, #tpu.memory_space<vmem>>)
      tpu.yield
    }) : () -> ()
    %add3A_55 = arith.constant 266240 : i32
    %add3A_56 = arith.addi %add3A_55, %mul3A_2 : i32
    "tpu.region"() ({
      %run_scoped3A = tpu.sem_alloc : memref<!tpu.dma_semaphore, #tpu.memory_space<semaphore_mem>>
      %dma_start3A = arith.constant 8320 : i32
      %dma_start3A_71 = tpu.memref_slice %arg4[%dma_start3A] : memref<10240xf32, #tpu.memory_space<vmem>> -> memref<320xf32, #tpu.memory_space<vmem>>
      %dma_start3A_72 = tpu.memref_slice %arg2[%add3A_56] : memref<327680xf32, #tpu.memory_space<hbm>> -> memref<320xf32, #tpu.memory_space<hbm>>
      %dma_start3A_73 = arith.constant 8320 : i32
      %dma_start3A_74 = tpu.memref_slice %arg4[%dma_start3A_73] : memref<10240xf32, #tpu.memory_space<vmem>> -> memref<320xf32, #tpu.memory_space<vmem>>
      %dma_start3A_75 = tpu.memref_slice %arg2[%add3A_56] : memref<327680xf32, #tpu.memory_space<hbm>> -> memref<320xf32, #tpu.memory_space<hbm>>
      tpu.enqueue_dma source(%dma_start3A_75 : memref<320xf32, #tpu.memory_space<hbm>>) target(%dma_start3A_74 : memref<320xf32, #tpu.memory_space<vmem>>) target_semaphore(%run_scoped3A : memref<!tpu.dma_semaphore, #tpu.memory_space<semaphore_mem>>)
      %dma_wait3A = arith.constant 8320 : i32
      %dma_wait3A_76 = tpu.memref_slice %arg4[%dma_wait3A] : memref<10240xf32, #tpu.memory_space<vmem>> -> memref<320xf32, #tpu.memory_space<vmem>>
      %dma_wait3A_77 = tpu.memref_slice %arg2[%add3A_56] : memref<327680xf32, #tpu.memory_space<hbm>> -> memref<320xf32, #tpu.memory_space<hbm>>
      %dma_wait3A_78 = arith.constant 8320 : i32
      %dma_wait3A_79 = tpu.memref_slice %arg4[%dma_wait3A_78] : memref<10240xf32, #tpu.memory_space<vmem>> -> memref<320xf32, #tpu.memory_space<vmem>>
      %dma_wait3A_80 = tpu.memref_slice %arg2[%add3A_56] : memref<327680xf32, #tpu.memory_space<hbm>> -> memref<320xf32, #tpu.memory_space<hbm>>
      tpu.wait_dma2 semaphore(%run_scoped3A : memref<!tpu.dma_semaphore, #tpu.memory_space<semaphore_mem>>) src(%dma_wait3A_80 : memref<320xf32, #tpu.memory_space<hbm>>) dst(%dma_wait3A_79 : memref<320xf32, #tpu.memory_space<vmem>>)
      tpu.yield
    }) : () -> ()
    %add3A_57 = arith.constant 276480 : i32
    %add3A_58 = arith.addi %add3A_57, %mul3A_2 : i32
    "tpu.region"() ({
      %run_scoped3A = tpu.sem_alloc : memref<!tpu.dma_semaphore, #tpu.memory_space<semaphore_mem>>
      %dma_start3A = arith.constant 8640 : i32
      %dma_start3A_71 = tpu.memref_slice %arg4[%dma_start3A] : memref<10240xf32, #tpu.memory_space<vmem>> -> memref<320xf32, #tpu.memory_space<vmem>>
      %dma_start3A_72 = tpu.memref_slice %arg2[%add3A_58] : memref<327680xf32, #tpu.memory_space<hbm>> -> memref<320xf32, #tpu.memory_space<hbm>>
      %dma_start3A_73 = arith.constant 8640 : i32
      %dma_start3A_74 = tpu.memref_slice %arg4[%dma_start3A_73] : memref<10240xf32, #tpu.memory_space<vmem>> -> memref<320xf32, #tpu.memory_space<vmem>>
      %dma_start3A_75 = tpu.memref_slice %arg2[%add3A_58] : memref<327680xf32, #tpu.memory_space<hbm>> -> memref<320xf32, #tpu.memory_space<hbm>>
      tpu.enqueue_dma source(%dma_start3A_75 : memref<320xf32, #tpu.memory_space<hbm>>) target(%dma_start3A_74 : memref<320xf32, #tpu.memory_space<vmem>>) target_semaphore(%run_scoped3A : memref<!tpu.dma_semaphore, #tpu.memory_space<semaphore_mem>>)
      %dma_wait3A = arith.constant 8640 : i32
      %dma_wait3A_76 = tpu.memref_slice %arg4[%dma_wait3A] : memref<10240xf32, #tpu.memory_space<vmem>> -> memref<320xf32, #tpu.memory_space<vmem>>
      %dma_wait3A_77 = tpu.memref_slice %arg2[%add3A_58] : memref<327680xf32, #tpu.memory_space<hbm>> -> memref<320xf32, #tpu.memory_space<hbm>>
      %dma_wait3A_78 = arith.constant 8640 : i32
      %dma_wait3A_79 = tpu.memref_slice %arg4[%dma_wait3A_78] : memref<10240xf32, #tpu.memory_space<vmem>> -> memref<320xf32, #tpu.memory_space<vmem>>
      %dma_wait3A_80 = tpu.memref_slice %arg2[%add3A_58] : memref<327680xf32, #tpu.memory_space<hbm>> -> memref<320xf32, #tpu.memory_space<hbm>>
      tpu.wait_dma2 semaphore(%run_scoped3A : memref<!tpu.dma_semaphore, #tpu.memory_space<semaphore_mem>>) src(%dma_wait3A_80 : memref<320xf32, #tpu.memory_space<hbm>>) dst(%dma_wait3A_79 : memref<320xf32, #tpu.memory_space<vmem>>)
      tpu.yield
    }) : () -> ()
    %add3A_59 = arith.constant 286720 : i32
    %add3A_60 = arith.addi %add3A_59, %mul3A_2 : i32
    "tpu.region"() ({
      %run_scoped3A = tpu.sem_alloc : memref<!tpu.dma_semaphore, #tpu.memory_space<semaphore_mem>>
      %dma_start3A = arith.constant 8960 : i32
      %dma_start3A_71 = tpu.memref_slice %arg4[%dma_start3A] : memref<10240xf32, #tpu.memory_space<vmem>> -> memref<320xf32, #tpu.memory_space<vmem>>
      %dma_start3A_72 = tpu.memref_slice %arg2[%add3A_60] : memref<327680xf32, #tpu.memory_space<hbm>> -> memref<320xf32, #tpu.memory_space<hbm>>
      %dma_start3A_73 = arith.constant 8960 : i32
      %dma_start3A_74 = tpu.memref_slice %arg4[%dma_start3A_73] : memref<10240xf32, #tpu.memory_space<vmem>> -> memref<320xf32, #tpu.memory_space<vmem>>
      %dma_start3A_75 = tpu.memref_slice %arg2[%add3A_60] : memref<327680xf32, #tpu.memory_space<hbm>> -> memref<320xf32, #tpu.memory_space<hbm>>
      tpu.enqueue_dma source(%dma_start3A_75 : memref<320xf32, #tpu.memory_space<hbm>>) target(%dma_start3A_74 : memref<320xf32, #tpu.memory_space<vmem>>) target_semaphore(%run_scoped3A : memref<!tpu.dma_semaphore, #tpu.memory_space<semaphore_mem>>)
      %dma_wait3A = arith.constant 8960 : i32
      %dma_wait3A_76 = tpu.memref_slice %arg4[%dma_wait3A] : memref<10240xf32, #tpu.memory_space<vmem>> -> memref<320xf32, #tpu.memory_space<vmem>>
      %dma_wait3A_77 = tpu.memref_slice %arg2[%add3A_60] : memref<327680xf32, #tpu.memory_space<hbm>> -> memref<320xf32, #tpu.memory_space<hbm>>
      %dma_wait3A_78 = arith.constant 8960 : i32
      %dma_wait3A_79 = tpu.memref_slice %arg4[%dma_wait3A_78] : memref<10240xf32, #tpu.memory_space<vmem>> -> memref<320xf32, #tpu.memory_space<vmem>>
      %dma_wait3A_80 = tpu.memref_slice %arg2[%add3A_60] : memref<327680xf32, #tpu.memory_space<hbm>> -> memref<320xf32, #tpu.memory_space<hbm>>
      tpu.wait_dma2 semaphore(%run_scoped3A : memref<!tpu.dma_semaphore, #tpu.memory_space<semaphore_mem>>) src(%dma_wait3A_80 : memref<320xf32, #tpu.memory_space<hbm>>) dst(%dma_wait3A_79 : memref<320xf32, #tpu.memory_space<vmem>>)
      tpu.yield
    }) : () -> ()
    %add3A_61 = arith.constant 296960 : i32
    %add3A_62 = arith.addi %add3A_61, %mul3A_2 : i32
    "tpu.region"() ({
      %run_scoped3A = tpu.sem_alloc : memref<!tpu.dma_semaphore, #tpu.memory_space<semaphore_mem>>
      %dma_start3A = arith.constant 9280 : i32
      %dma_start3A_71 = tpu.memref_slice %arg4[%dma_start3A] : memref<10240xf32, #tpu.memory_space<vmem>> -> memref<320xf32, #tpu.memory_space<vmem>>
      %dma_start3A_72 = tpu.memref_slice %arg2[%add3A_62] : memref<327680xf32, #tpu.memory_space<hbm>> -> memref<320xf32, #tpu.memory_space<hbm>>
      %dma_start3A_73 = arith.constant 9280 : i32
      %dma_start3A_74 = tpu.memref_slice %arg4[%dma_start3A_73] : memref<10240xf32, #tpu.memory_space<vmem>> -> memref<320xf32, #tpu.memory_space<vmem>>
      %dma_start3A_75 = tpu.memref_slice %arg2[%add3A_62] : memref<327680xf32, #tpu.memory_space<hbm>> -> memref<320xf32, #tpu.memory_space<hbm>>
      tpu.enqueue_dma source(%dma_start3A_75 : memref<320xf32, #tpu.memory_space<hbm>>) target(%dma_start3A_74 : memref<320xf32, #tpu.memory_space<vmem>>) target_semaphore(%run_scoped3A : memref<!tpu.dma_semaphore, #tpu.memory_space<semaphore_mem>>)
      %dma_wait3A = arith.constant 9280 : i32
      %dma_wait3A_76 = tpu.memref_slice %arg4[%dma_wait3A] : memref<10240xf32, #tpu.memory_space<vmem>> -> memref<320xf32, #tpu.memory_space<vmem>>
      %dma_wait3A_77 = tpu.memref_slice %arg2[%add3A_62] : memref<327680xf32, #tpu.memory_space<hbm>> -> memref<320xf32, #tpu.memory_space<hbm>>
      %dma_wait3A_78 = arith.constant 9280 : i32
      %dma_wait3A_79 = tpu.memref_slice %arg4[%dma_wait3A_78] : memref<10240xf32, #tpu.memory_space<vmem>> -> memref<320xf32, #tpu.memory_space<vmem>>
      %dma_wait3A_80 = tpu.memref_slice %arg2[%add3A_62] : memref<327680xf32, #tpu.memory_space<hbm>> -> memref<320xf32, #tpu.memory_space<hbm>>
      tpu.wait_dma2 semaphore(%run_scoped3A : memref<!tpu.dma_semaphore, #tpu.memory_space<semaphore_mem>>) src(%dma_wait3A_80 : memref<320xf32, #tpu.memory_space<hbm>>) dst(%dma_wait3A_79 : memref<320xf32, #tpu.memory_space<vmem>>)
      tpu.yield
    }) : () -> ()
    %add3A_63 = arith.constant 307200 : i32
    %add3A_64 = arith.addi %add3A_63, %mul3A_2 : i32
    "tpu.region"() ({
      %run_scoped3A = tpu.sem_alloc : memref<!tpu.dma_semaphore, #tpu.memory_space<semaphore_mem>>
      %dma_start3A = arith.constant 9600 : i32
      %dma_start3A_71 = tpu.memref_slice %arg4[%dma_start3A] : memref<10240xf32, #tpu.memory_space<vmem>> -> memref<320xf32, #tpu.memory_space<vmem>>
      %dma_start3A_72 = tpu.memref_slice %arg2[%add3A_64] : memref<327680xf32, #tpu.memory_space<hbm>> -> memref<320xf32, #tpu.memory_space<hbm>>
      %dma_start3A_73 = arith.constant 9600 : i32
      %dma_start3A_74 = tpu.memref_slice %arg4[%dma_start3A_73] : memref<10240xf32, #tpu.memory_space<vmem>> -> memref<320xf32, #tpu.memory_space<vmem>>
      %dma_start3A_75 = tpu.memref_slice %arg2[%add3A_64] : memref<327680xf32, #tpu.memory_space<hbm>> -> memref<320xf32, #tpu.memory_space<hbm>>
      tpu.enqueue_dma source(%dma_start3A_75 : memref<320xf32, #tpu.memory_space<hbm>>) target(%dma_start3A_74 : memref<320xf32, #tpu.memory_space<vmem>>) target_semaphore(%run_scoped3A : memref<!tpu.dma_semaphore, #tpu.memory_space<semaphore_mem>>)
      %dma_wait3A = arith.constant 9600 : i32
      %dma_wait3A_76 = tpu.memref_slice %arg4[%dma_wait3A] : memref<10240xf32, #tpu.memory_space<vmem>> -> memref<320xf32, #tpu.memory_space<vmem>>
      %dma_wait3A_77 = tpu.memref_slice %arg2[%add3A_64] : memref<327680xf32, #tpu.memory_space<hbm>> -> memref<320xf32, #tpu.memory_space<hbm>>
      %dma_wait3A_78 = arith.constant 9600 : i32
      %dma_wait3A_79 = tpu.memref_slice %arg4[%dma_wait3A_78] : memref<10240xf32, #tpu.memory_space<vmem>> -> memref<320xf32, #tpu.memory_space<vmem>>
      %dma_wait3A_80 = tpu.memref_slice %arg2[%add3A_64] : memref<327680xf32, #tpu.memory_space<hbm>> -> memref<320xf32, #tpu.memory_space<hbm>>
      tpu.wait_dma2 semaphore(%run_scoped3A : memref<!tpu.dma_semaphore, #tpu.memory_space<semaphore_mem>>) src(%dma_wait3A_80 : memref<320xf32, #tpu.memory_space<hbm>>) dst(%dma_wait3A_79 : memref<320xf32, #tpu.memory_space<vmem>>)
      tpu.yield
    }) : () -> ()
    %add3A_65 = arith.constant 317440 : i32
    %add3A_66 = arith.addi %add3A_65, %mul3A_2 : i32
    "tpu.region"() ({
      %run_scoped3A = tpu.sem_alloc : memref<!tpu.dma_semaphore, #tpu.memory_space<semaphore_mem>>
      %dma_start3A = arith.constant 9920 : i32
      %dma_start3A_71 = tpu.memref_slice %arg4[%dma_start3A] : memref<10240xf32, #tpu.memory_space<vmem>> -> memref<320xf32, #tpu.memory_space<vmem>>
      %dma_start3A_72 = tpu.memref_slice %arg2[%add3A_66] : memref<327680xf32, #tpu.memory_space<hbm>> -> memref<320xf32, #tpu.memory_space<hbm>>
      %dma_start3A_73 = arith.constant 9920 : i32
      %dma_start3A_74 = tpu.memref_slice %arg4[%dma_start3A_73] : memref<10240xf32, #tpu.memory_space<vmem>> -> memref<320xf32, #tpu.memory_space<vmem>>
      %dma_start3A_75 = tpu.memref_slice %arg2[%add3A_66] : memref<327680xf32, #tpu.memory_space<hbm>> -> memref<320xf32, #tpu.memory_space<hbm>>
      tpu.enqueue_dma source(%dma_start3A_75 : memref<320xf32, #tpu.memory_space<hbm>>) target(%dma_start3A_74 : memref<320xf32, #tpu.memory_space<vmem>>) target_semaphore(%run_scoped3A : memref<!tpu.dma_semaphore, #tpu.memory_space<semaphore_mem>>)
      %dma_wait3A = arith.constant 9920 : i32
      %dma_wait3A_76 = tpu.memref_slice %arg4[%dma_wait3A] : memref<10240xf32, #tpu.memory_space<vmem>> -> memref<320xf32, #tpu.memory_space<vmem>>
      %dma_wait3A_77 = tpu.memref_slice %arg2[%add3A_66] : memref<327680xf32, #tpu.memory_space<hbm>> -> memref<320xf32, #tpu.memory_space<hbm>>
      %dma_wait3A_78 = arith.constant 9920 : i32
      %dma_wait3A_79 = tpu.memref_slice %arg4[%dma_wait3A_78] : memref<10240xf32, #tpu.memory_space<vmem>> -> memref<320xf32, #tpu.memory_space<vmem>>
      %dma_wait3A_80 = tpu.memref_slice %arg2[%add3A_66] : memref<327680xf32, #tpu.memory_space<hbm>> -> memref<320xf32, #tpu.memory_space<hbm>>
      tpu.wait_dma2 semaphore(%run_scoped3A : memref<!tpu.dma_semaphore, #tpu.memory_space<semaphore_mem>>) src(%dma_wait3A_80 : memref<320xf32, #tpu.memory_space<hbm>>) dst(%dma_wait3A_79 : memref<320xf32, #tpu.memory_space<vmem>>)
      tpu.yield
    }) : () -> ()
    %scan3A = arith.constant 0 : i32
    %scan3A_67 = arith.constant 20 : i32
    %scan3A_68 = arith.addi %scan3A, %scan3A_67 : i32
    %scan3A_69 = arith.constant 1 : i32
    scf.for %scan3A_71 = %scan3A to %scan3A_68 step %scan3A_69  : i32 {
      %mul3A_72 = arith.constant 16 : i32
      %mul3A_73 = arith.muli %scan3A_71, %mul3A_72 : i32
      %get3A = arith.index_cast %mul3A_73 : i32 to index
      %get3A_74 = tpu.vector_load %arg4[%get3A] {strides = array<i32>} : memref<10240xf32, #tpu.memory_space<vmem>>, vector<16xf32>,
      %mul3A_75 = arith.constant 16 : i32
      %mul3A_76 = arith.muli %scan3A_71, %mul3A_75 : i32
      %add3A_77 = arith.constant 320 : i32
      %add3A_78 = arith.addi %add3A_77, %mul3A_76 : i32
      %get3A_79 = arith.index_cast %add3A_78 : i32 to index
      %get3A_80 = tpu.vector_load %arg4[%get3A_79] {strides = array<i32>} : memref<10240xf32, #tpu.memory_space<vmem>>, vector<16xf32>,
      %add3A_81 = arith.addf %get3A_74, %get3A_80 : vector<16xf32>
      %mul3A_82 = arith.constant 16 : i32
      %mul3A_83 = arith.muli %scan3A_71, %mul3A_82 : i32
      %add3A_84 = arith.constant 640 : i32
      %add3A_85 = arith.addi %add3A_84, %mul3A_83 : i32
      %get3A_86 = arith.index_cast %add3A_85 : i32 to index
      %get3A_87 = tpu.vector_load %arg4[%get3A_86] {strides = array<i32>} : memref<10240xf32, #tpu.memory_space<vmem>>, vector<16xf32>,
      %add3A_88 = arith.addf %add3A_81, %get3A_87 : vector<16xf32>
      %mul3A_89 = arith.constant 16 : i32
      %mul3A_90 = arith.muli %scan3A_71, %mul3A_89 : i32
      %add3A_91 = arith.constant 960 : i32
      %add3A_92 = arith.addi %add3A_91, %mul3A_90 : i32
      %get3A_93 = arith.index_cast %add3A_92 : i32 to index
      %get3A_94 = tpu.vector_load %arg4[%get3A_93] {strides = array<i32>} : memref<10240xf32, #tpu.memory_space<vmem>>, vector<16xf32>,
      %add3A_95 = arith.addf %add3A_88, %get3A_94 : vector<16xf32>
      %mul3A_96 = arith.constant 16 : i32
      %mul3A_97 = arith.muli %scan3A_71, %mul3A_96 : i32
      %add3A_98 = arith.constant 1280 : i32
      %add3A_99 = arith.addi %add3A_98, %mul3A_97 : i32
      %get3A_100 = arith.index_cast %add3A_99 : i32 to index
      %get3A_101 = tpu.vector_load %arg4[%get3A_100] {strides = array<i32>} : memref<10240xf32, #tpu.memory_space<vmem>>, vector<16xf32>,
      %add3A_102 = arith.addf %add3A_95, %get3A_101 : vector<16xf32>
      %mul3A_103 = arith.constant 16 : i32
      %mul3A_104 = arith.muli %scan3A_71, %mul3A_103 : i32
      %add3A_105 = arith.constant 1600 : i32
      %add3A_106 = arith.addi %add3A_105, %mul3A_104 : i32
      %get3A_107 = arith.index_cast %add3A_106 : i32 to index
      %get3A_108 = tpu.vector_load %arg4[%get3A_107] {strides = array<i32>} : memref<10240xf32, #tpu.memory_space<vmem>>, vector<16xf32>,
      %add3A_109 = arith.addf %add3A_102, %get3A_108 : vector<16xf32>
      %mul3A_110 = arith.constant 16 : i32
      %mul3A_111 = arith.muli %scan3A_71, %mul3A_110 : i32
      %add3A_112 = arith.constant 1920 : i32
      %add3A_113 = arith.addi %add3A_112, %mul3A_111 : i32
      %get3A_114 = arith.index_cast %add3A_113 : i32 to index
      %get3A_115 = tpu.vector_load %arg4[%get3A_114] {strides = array<i32>} : memref<10240xf32, #tpu.memory_space<vmem>>, vector<16xf32>,
      %add3A_116 = arith.addf %add3A_109, %get3A_115 : vector<16xf32>
      %mul3A_117 = arith.constant 16 : i32
      %mul3A_118 = arith.muli %scan3A_71, %mul3A_117 : i32
      %add3A_119 = arith.constant 2240 : i32
      %add3A_120 = arith.addi %add3A_119, %mul3A_118 : i32
      %get3A_121 = arith.index_cast %add3A_120 : i32 to index
      %get3A_122 = tpu.vector_load %arg4[%get3A_121] {strides = array<i32>} : memref<10240xf32, #tpu.memory_space<vmem>>, vector<16xf32>,
      %add3A_123 = arith.addf %add3A_116, %get3A_122 : vector<16xf32>
      %mul3A_124 = arith.constant 16 : i32
      %mul3A_125 = arith.muli %scan3A_71, %mul3A_124 : i32
      %add3A_126 = arith.constant 2560 : i32
      %add3A_127 = arith.addi %add3A_126, %mul3A_125 : i32
      %get3A_128 = arith.index_cast %add3A_127 : i32 to index
      %get3A_129 = tpu.vector_load %arg4[%get3A_128] {strides = array<i32>} : memref<10240xf32, #tpu.memory_space<vmem>>, vector<16xf32>,
      %add3A_130 = arith.addf %add3A_123, %get3A_129 : vector<16xf32>
      %mul3A_131 = arith.constant 16 : i32
      %mul3A_132 = arith.muli %scan3A_71, %mul3A_131 : i32
      %add3A_133 = arith.constant 2880 : i32
      %add3A_134 = arith.addi %add3A_133, %mul3A_132 : i32
      %get3A_135 = arith.index_cast %add3A_134 : i32 to index
      %get3A_136 = tpu.vector_load %arg4[%get3A_135] {strides = array<i32>} : memref<10240xf32, #tpu.memory_space<vmem>>, vector<16xf32>,
      %add3A_137 = arith.addf %add3A_130, %get3A_136 : vector<16xf32>
      %mul3A_138 = arith.constant 16 : i32
      %mul3A_139 = arith.muli %scan3A_71, %mul3A_138 : i32
      %add3A_140 = arith.constant 3200 : i32
      %add3A_141 = arith.addi %add3A_140, %mul3A_139 : i32
      %get3A_142 = arith.index_cast %add3A_141 : i32 to index
      %get3A_143 = tpu.vector_load %arg4[%get3A_142] {strides = array<i32>} : memref<10240xf32, #tpu.memory_space<vmem>>, vector<16xf32>,
      %add3A_144 = arith.addf %add3A_137, %get3A_143 : vector<16xf32>
      %mul3A_145 = arith.constant 16 : i32
      %mul3A_146 = arith.muli %scan3A_71, %mul3A_145 : i32
      %add3A_147 = arith.constant 3520 : i32
      %add3A_148 = arith.addi %add3A_147, %mul3A_146 : i32
      %get3A_149 = arith.index_cast %add3A_148 : i32 to index
      %get3A_150 = tpu.vector_load %arg4[%get3A_149] {strides = array<i32>} : memref<10240xf32, #tpu.memory_space<vmem>>, vector<16xf32>,
      %add3A_151 = arith.addf %add3A_144, %get3A_150 : vector<16xf32>
      %mul3A_152 = arith.constant 16 : i32
      %mul3A_153 = arith.muli %scan3A_71, %mul3A_152 : i32
      %add3A_154 = arith.constant 3840 : i32
      %add3A_155 = arith.addi %add3A_154, %mul3A_153 : i32
      %get3A_156 = arith.index_cast %add3A_155 : i32 to index
      %get3A_157 = tpu.vector_load %arg4[%get3A_156] {strides = array<i32>} : memref<10240xf32, #tpu.memory_space<vmem>>, vector<16xf32>,
      %add3A_158 = arith.addf %add3A_151, %get3A_157 : vector<16xf32>
      %mul3A_159 = arith.constant 16 : i32
      %mul3A_160 = arith.muli %scan3A_71, %mul3A_159 : i32
      %add3A_161 = arith.constant 4160 : i32
      %add3A_162 = arith.addi %add3A_161, %mul3A_160 : i32
      %get3A_163 = arith.index_cast %add3A_162 : i32 to index
      %get3A_164 = tpu.vector_load %arg4[%get3A_163] {strides = array<i32>} : memref<10240xf32, #tpu.memory_space<vmem>>, vector<16xf32>,
      %add3A_165 = arith.addf %add3A_158, %get3A_164 : vector<16xf32>
      %mul3A_166 = arith.constant 16 : i32
      %mul3A_167 = arith.muli %scan3A_71, %mul3A_166 : i32
      %add3A_168 = arith.constant 4480 : i32
      %add3A_169 = arith.addi %add3A_168, %mul3A_167 : i32
      %get3A_170 = arith.index_cast %add3A_169 : i32 to index
      %get3A_171 = tpu.vector_load %arg4[%get3A_170] {strides = array<i32>} : memref<10240xf32, #tpu.memory_space<vmem>>, vector<16xf32>,
      %add3A_172 = arith.addf %add3A_165, %get3A_171 : vector<16xf32>
      %mul3A_173 = arith.constant 16 : i32
      %mul3A_174 = arith.muli %scan3A_71, %mul3A_173 : i32
      %add3A_175 = arith.constant 4800 : i32
      %add3A_176 = arith.addi %add3A_175, %mul3A_174 : i32
      %get3A_177 = arith.index_cast %add3A_176 : i32 to index
      %get3A_178 = tpu.vector_load %arg4[%get3A_177] {strides = array<i32>} : memref<10240xf32, #tpu.memory_space<vmem>>, vector<16xf32>,
      %add3A_179 = arith.addf %add3A_172, %get3A_178 : vector<16xf32>
      %mul3A_180 = arith.constant 16 : i32
      %mul3A_181 = arith.muli %scan3A_71, %mul3A_180 : i32
      %add3A_182 = arith.constant 5120 : i32
      %add3A_183 = arith.addi %add3A_182, %mul3A_181 : i32
      %get3A_184 = arith.index_cast %add3A_183 : i32 to index
      %get3A_185 = tpu.vector_load %arg4[%get3A_184] {strides = array<i32>} : memref<10240xf32, #tpu.memory_space<vmem>>, vector<16xf32>,
      %add3A_186 = arith.addf %add3A_179, %get3A_185 : vector<16xf32>
      %mul3A_187 = arith.constant 16 : i32
      %mul3A_188 = arith.muli %scan3A_71, %mul3A_187 : i32
      %add3A_189 = arith.constant 5440 : i32
      %add3A_190 = arith.addi %add3A_189, %mul3A_188 : i32
      %get3A_191 = arith.index_cast %add3A_190 : i32 to index
      %get3A_192 = tpu.vector_load %arg4[%get3A_191] {strides = array<i32>} : memref<10240xf32, #tpu.memory_space<vmem>>, vector<16xf32>,
      %add3A_193 = arith.addf %add3A_186, %get3A_192 : vector<16xf32>
      %mul3A_194 = arith.constant 16 : i32
      %mul3A_195 = arith.muli %scan3A_71, %mul3A_194 : i32
      %add3A_196 = arith.constant 5760 : i32
      %add3A_197 = arith.addi %add3A_196, %mul3A_195 : i32
      %get3A_198 = arith.index_cast %add3A_197 : i32 to index
      %get3A_199 = tpu.vector_load %arg4[%get3A_198] {strides = array<i32>} : memref<10240xf32, #tpu.memory_space<vmem>>, vector<16xf32>,
      %add3A_200 = arith.addf %add3A_193, %get3A_199 : vector<16xf32>
      %mul3A_201 = arith.constant 16 : i32
      %mul3A_202 = arith.muli %scan3A_71, %mul3A_201 : i32
      %add3A_203 = arith.constant 6080 : i32
      %add3A_204 = arith.addi %add3A_203, %mul3A_202 : i32
      %get3A_205 = arith.index_cast %add3A_204 : i32 to index
      %get3A_206 = tpu.vector_load %arg4[%get3A_205] {strides = array<i32>} : memref<10240xf32, #tpu.memory_space<vmem>>, vector<16xf32>,
      %add3A_207 = arith.addf %add3A_200, %get3A_206 : vector<16xf32>
      %mul3A_208 = arith.constant 16 : i32
      %mul3A_209 = arith.muli %scan3A_71, %mul3A_208 : i32
      %add3A_210 = arith.constant 6400 : i32
      %add3A_211 = arith.addi %add3A_210, %mul3A_209 : i32
      %get3A_212 = arith.index_cast %add3A_211 : i32 to index
      %get3A_213 = tpu.vector_load %arg4[%get3A_212] {strides = array<i32>} : memref<10240xf32, #tpu.memory_space<vmem>>, vector<16xf32>,
      %add3A_214 = arith.addf %add3A_207, %get3A_213 : vector<16xf32>
      %mul3A_215 = arith.constant 16 : i32
      %mul3A_216 = arith.muli %scan3A_71, %mul3A_215 : i32
      %add3A_217 = arith.constant 6720 : i32
      %add3A_218 = arith.addi %add3A_217, %mul3A_216 : i32
      %get3A_219 = arith.index_cast %add3A_218 : i32 to index
      %get3A_220 = tpu.vector_load %arg4[%get3A_219] {strides = array<i32>} : memref<10240xf32, #tpu.memory_space<vmem>>, vector<16xf32>,
      %add3A_221 = arith.addf %add3A_214, %get3A_220 : vector<16xf32>
      %mul3A_222 = arith.constant 16 : i32
      %mul3A_223 = arith.muli %scan3A_71, %mul3A_222 : i32
      %add3A_224 = arith.constant 7040 : i32
      %add3A_225 = arith.addi %add3A_224, %mul3A_223 : i32
      %get3A_226 = arith.index_cast %add3A_225 : i32 to index
      %get3A_227 = tpu.vector_load %arg4[%get3A_226] {strides = array<i32>} : memref<10240xf32, #tpu.memory_space<vmem>>, vector<16xf32>,
      %add3A_228 = arith.addf %add3A_221, %get3A_227 : vector<16xf32>
      %mul3A_229 = arith.constant 16 : i32
      %mul3A_230 = arith.muli %scan3A_71, %mul3A_229 : i32
      %add3A_231 = arith.constant 7360 : i32
      %add3A_232 = arith.addi %add3A_231, %mul3A_230 : i32
      %get3A_233 = arith.index_cast %add3A_232 : i32 to index
      %get3A_234 = tpu.vector_load %arg4[%get3A_233] {strides = array<i32>} : memref<10240xf32, #tpu.memory_space<vmem>>, vector<16xf32>,
      %add3A_235 = arith.addf %add3A_228, %get3A_234 : vector<16xf32>
      %mul3A_236 = arith.constant 16 : i32
      %mul3A_237 = arith.muli %scan3A_71, %mul3A_236 : i32
      %add3A_238 = arith.constant 7680 : i32
      %add3A_239 = arith.addi %add3A_238, %mul3A_237 : i32
      %get3A_240 = arith.index_cast %add3A_239 : i32 to index
      %get3A_241 = tpu.vector_load %arg4[%get3A_240] {strides = array<i32>} : memref<10240xf32, #tpu.memory_space<vmem>>, vector<16xf32>,
      %add3A_242 = arith.addf %add3A_235, %get3A_241 : vector<16xf32>
      %mul3A_243 = arith.constant 16 : i32
      %mul3A_244 = arith.muli %scan3A_71, %mul3A_243 : i32
      %add3A_245 = arith.constant 8000 : i32
      %add3A_246 = arith.addi %add3A_245, %mul3A_244 : i32
      %get3A_247 = arith.index_cast %add3A_246 : i32 to index
      %get3A_248 = tpu.vector_load %arg4[%get3A_247] {strides = array<i32>} : memref<10240xf32, #tpu.memory_space<vmem>>, vector<16xf32>,
      %add3A_249 = arith.addf %add3A_242, %get3A_248 : vector<16xf32>
      %mul3A_250 = arith.constant 16 : i32
      %mul3A_251 = arith.muli %scan3A_71, %mul3A_250 : i32
      %add3A_252 = arith.constant 8320 : i32
      %add3A_253 = arith.addi %add3A_252, %mul3A_251 : i32
      %get3A_254 = arith.index_cast %add3A_253 : i32 to index
      %get3A_255 = tpu.vector_load %arg4[%get3A_254] {strides = array<i32>} : memref<10240xf32, #tpu.memory_space<vmem>>, vector<16xf32>,
      %add3A_256 = arith.addf %add3A_249, %get3A_255 : vector<16xf32>
      %mul3A_257 = arith.constant 16 : i32
      %mul3A_258 = arith.muli %scan3A_71, %mul3A_257 : i32
      %add3A_259 = arith.constant 8640 : i32
      %add3A_260 = arith.addi %add3A_259, %mul3A_258 : i32
      %get3A_261 = arith.index_cast %add3A_260 : i32 to index
      %get3A_262 = tpu.vector_load %arg4[%get3A_261] {strides = array<i32>} : memref<10240xf32, #tpu.memory_space<vmem>>, vector<16xf32>,
      %add3A_263 = arith.addf %add3A_256, %get3A_262 : vector<16xf32>
      %mul3A_264 = arith.constant 16 : i32
      %mul3A_265 = arith.muli %scan3A_71, %mul3A_264 : i32
      %add3A_266 = arith.constant 8960 : i32
      %add3A_267 = arith.addi %add3A_266, %mul3A_265 : i32
      %get3A_268 = arith.index_cast %add3A_267 : i32 to index
      %get3A_269 = tpu.vector_load %arg4[%get3A_268] {strides = array<i32>} : memref<10240xf32, #tpu.memory_space<vmem>>, vector<16xf32>,
      %add3A_270 = arith.addf %add3A_263, %get3A_269 : vector<16xf32>
      %mul3A_271 = arith.constant 16 : i32
      %mul3A_272 = arith.muli %scan3A_71, %mul3A_271 : i32
      %add3A_273 = arith.constant 9280 : i32
      %add3A_274 = arith.addi %add3A_273, %mul3A_272 : i32
      %get3A_275 = arith.index_cast %add3A_274 : i32 to index
      %get3A_276 = tpu.vector_load %arg4[%get3A_275] {strides = array<i32>} : memref<10240xf32, #tpu.memory_space<vmem>>, vector<16xf32>,
      %add3A_277 = arith.addf %add3A_270, %get3A_276 : vector<16xf32>
      %mul3A_278 = arith.constant 16 : i32
      %mul3A_279 = arith.muli %scan3A_71, %mul3A_278 : i32
      %add3A_280 = arith.constant 9600 : i32
      %add3A_281 = arith.addi %add3A_280, %mul3A_279 : i32
      %get3A_282 = arith.index_cast %add3A_281 : i32 to index
      %get3A_283 = tpu.vector_load %arg4[%get3A_282] {strides = array<i32>} : memref<10240xf32, #tpu.memory_space<vmem>>, vector<16xf32>,
      %add3A_284 = arith.addf %add3A_277, %get3A_283 : vector<16xf32>
      %mul3A_285 = arith.constant 16 : i32
      %mul3A_286 = arith.muli %scan3A_71, %mul3A_285 : i32
      %add3A_287 = arith.constant 9920 : i32
      %add3A_288 = arith.addi %add3A_287, %mul3A_286 : i32
      %get3A_289 = arith.index_cast %add3A_288 : i32 to index
      %get3A_290 = tpu.vector_load %arg4[%get3A_289] {strides = array<i32>} : memref<10240xf32, #tpu.memory_space<vmem>>, vector<16xf32>,
      %add3A_291 = arith.addf %add3A_284, %get3A_290 : vector<16xf32>
      %bitcast3A = vector.bitcast %add3A_291 : vector<16xf32> to vector<16xi32>
      %shift_right_arithmetic3A = arith.constant 1 : i32
      %shift_right_arithmetic3A_292 = vector.broadcast %shift_right_arithmetic3A : i32 to vector<16xi32>
      %shift_right_arithmetic3A_293 = arith.shrsi %bitcast3A, %shift_right_arithmetic3A_292 : vector<16xi32>
      %sub3A = arith.constant 1597463007 : i32
      %sub3A_294 = vector.broadcast %sub3A : i32 to vector<16xi32>
      %sub3A_295 = arith.subi %sub3A_294, %shift_right_arithmetic3A_293 : vector<16xi32>
      %bitcast3A_296 = vector.bitcast %sub3A_295 : vector<16xi32> to vector<16xf32>
      %mul3A_297 = arith.constant 5.000000e-01 : f32
      %mul3A_298 = vector.broadcast %mul3A_297 : f32 to vector<16xf32>
      %mul3A_299 = arith.mulf %mul3A_298, %add3A_291 : vector<16xf32>
      %mul3A_300 = arith.mulf %mul3A_299, %bitcast3A_296 : vector<16xf32>
      %mul3A_301 = arith.mulf %mul3A_300, %bitcast3A_296 : vector<16xf32>
      %sub3A_302 = arith.constant 1.500000e+00 : f32
      %sub3A_303 = vector.broadcast %sub3A_302 : f32 to vector<16xf32>
      %sub3A_304 = arith.subf %sub3A_303, %mul3A_301 : vector<16xf32>
      %mul3A_305 = arith.mulf %bitcast3A_296, %sub3A_304 : vector<16xf32>
      %mul3A_306 = arith.constant 5.000000e-01 : f32
      %mul3A_307 = vector.broadcast %mul3A_306 : f32 to vector<16xf32>
      %mul3A_308 = arith.mulf %mul3A_307, %add3A_291 : vector<16xf32>
      %mul3A_309 = arith.mulf %mul3A_308, %mul3A_305 : vector<16xf32>
      %mul3A_310 = arith.mulf %mul3A_309, %mul3A_305 : vector<16xf32>
      %sub3A_311 = arith.constant 1.500000e+00 : f32
      %sub3A_312 = vector.broadcast %sub3A_311 : f32 to vector<16xf32>
      %sub3A_313 = arith.subf %sub3A_312, %mul3A_310 : vector<16xf32>
      %mul3A_314 = arith.mulf %mul3A_305, %sub3A_313 : vector<16xf32>
      %mul3A_315 = arith.constant 5.000000e-01 : f32
      %mul3A_316 = vector.broadcast %mul3A_315 : f32 to vector<16xf32>
      %mul3A_317 = arith.mulf %mul3A_316, %add3A_291 : vector<16xf32>
      %mul3A_318 = arith.mulf %mul3A_317, %mul3A_314 : vector<16xf32>
      %mul3A_319 = arith.mulf %mul3A_318, %mul3A_314 : vector<16xf32>
      %sub3A_320 = arith.constant 1.500000e+00 : f32
      %sub3A_321 = vector.broadcast %sub3A_320 : f32 to vector<16xf32>
      %sub3A_322 = arith.subf %sub3A_321, %mul3A_319 : vector<16xf32>
      %mul3A_323 = arith.mulf %mul3A_314, %sub3A_322 : vector<16xf32>
      %gt3A = arith.constant 0.000000e+00 : f32
      %gt3A_324 = vector.broadcast %gt3A : f32 to vector<16xf32>
      %gt3A_325 = arith.cmpf ogt, %add3A_291, %gt3A_324 : vector<16xf32>
      %jit3A = arith.constant 0.000000e+00 : f32
      %broadcast_in_dim3A = vector.broadcast %jit3A : f32 to vector<16xf32>
      %select_n3A = arith.select %gt3A_325, %mul3A_323, %broadcast_in_dim3A : vector<16xi1>, vector<16xf32>
      %mul3A_326 = arith.constant 16 : i32
      %mul3A_327 = arith.muli %scan3A_71, %mul3A_326 : i32
      %swap3A = arith.index_cast %mul3A_327 : i32 to index
      %swap3A_328 = tpu.vector_load %arg5[%swap3A] {strides = array<i32>} : memref<320xf32, #tpu.memory_space<vmem>>, vector<16xf32>,
      tpu.vector_store %arg5[%swap3A], %select_n3A {strides = array<i32>} : memref<320xf32, #tpu.memory_space<vmem>>, vector<16xf32>,
    }
    %scan3A_70 = arith.constant 20 : i32
    "tpu.region"() ({
      %run_scoped3A = tpu.sem_alloc : memref<!tpu.dma_semaphore, #tpu.memory_space<semaphore_mem>>
      %dma_start3A = tpu.memref_slice %arg3[%mul3A_2] : memref<10240xf32, #tpu.memory_space<hbm>> -> memref<320xf32, #tpu.memory_space<hbm>>
      %dma_start3A_71 = tpu.memref_slice %arg3[%mul3A_2] : memref<10240xf32, #tpu.memory_space<hbm>> -> memref<320xf32, #tpu.memory_space<hbm>>
      tpu.enqueue_dma source(%arg5 : memref<320xf32, #tpu.memory_space<vmem>>) target(%dma_start3A_71 : memref<320xf32, #tpu.memory_space<hbm>>) target_semaphore(%run_scoped3A : memref<!tpu.dma_semaphore, #tpu.memory_space<semaphore_mem>>)
      %dma_wait3A = tpu.memref_slice %arg3[%mul3A_2] : memref<10240xf32, #tpu.memory_space<hbm>> -> memref<320xf32, #tpu.memory_space<hbm>>
      %dma_wait3A_72 = tpu.memref_slice %arg3[%mul3A_2] : memref<10240xf32, #tpu.memory_space<hbm>> -> memref<320xf32, #tpu.memory_space<hbm>>
      tpu.wait_dma2 semaphore(%run_scoped3A : memref<!tpu.dma_semaphore, #tpu.memory_space<semaphore_mem>>) src(%arg5 : memref<320xf32, #tpu.memory_space<vmem>>) dst(%dma_wait3A_72 : memref<320xf32, #tpu.memory_space<hbm>>)
      tpu.yield
    }) : () -> ()
    return
  }
}

#map = affine_map<(d0, d1) -> (0)>
module attributes {stable_mosaic.version = 14 : i64} {
  func.func @deg_kernel(%arg0: i32, %arg1: i32, %arg2: memref<331776xi32, #tpu.memory_space<hbm>>, %arg3: memref<331776xf32, #tpu.memory_space<hbm>>, %arg4: memref<327680xf32, #tpu.memory_space<hbm>>, %arg5: memref<10240xf32, #tpu.memory_space<vmem>>, %arg6: memref<10368xi32, #tpu.memory_space<vmem>>, %arg7: memref<10368xf32, #tpu.memory_space<vmem>>) attributes {dimension_semantics = [#tpu.dimension_semantics<core_parallel>, #tpu.dimension_semantics<subcore_parallel>], iteration_bounds = array<i64: 2, 16>, scalar_prefetch = 0 : i64, scratch_operands = 3 : i64, tpu.core_type = #tpu.core_type<sc_vector_subcore>, window_params = [{transform_indices = #map}, {transform_indices = #map}, {transform_indices = #map}]} {
    %mul3A = arith.constant 16 : i32
    %mul3A_0 = arith.muli %arg0, %mul3A : i32
    %add3A = arith.addi %mul3A_0, %arg1 : i32
    %scan3A = arith.constant 0 : i32
    %scan3A_1 = arith.constant 640 : i32
    %scan3A_2 = arith.addi %scan3A, %scan3A_1 : i32
    %scan3A_3 = arith.constant 1 : i32
    scf.for %scan3A_14 = %scan3A to %scan3A_2 step %scan3A_3  : i32 {
      %broadcast_in_dim3A = arith.constant 0.000000e+00 : f32
      %broadcast_in_dim3A_15 = vector.broadcast %broadcast_in_dim3A : f32 to vector<16xf32>
      %mul3A_16 = arith.constant 16 : i32
      %mul3A_17 = arith.muli %scan3A_14, %mul3A_16 : i32
      %swap3A = arith.index_cast %mul3A_17 : i32 to index
      %swap3A_18 = tpu.vector_load %arg5[%swap3A] {strides = array<i32>} : memref<10240xf32, #tpu.memory_space<vmem>>, vector<16xf32>,
      tpu.vector_store %arg5[%swap3A], %broadcast_in_dim3A_15 {strides = array<i32>} : memref<10240xf32, #tpu.memory_space<vmem>>, vector<16xf32>,
    }
    %scan3A_4 = arith.constant 640 : i32
    %mul3A_5 = arith.constant 10368 : i32
    %mul3A_6 = arith.muli %add3A, %mul3A_5 : i32
    "tpu.region"() ({
      %run_scoped3A = tpu.sem_alloc : memref<!tpu.dma_semaphore, #tpu.memory_space<semaphore_mem>>
      %dma_start3A = tpu.memref_slice %arg2[%mul3A_6] : memref<331776xi32, #tpu.memory_space<hbm>> -> memref<10368xi32, #tpu.memory_space<hbm>>
      %dma_start3A_14 = tpu.memref_slice %arg2[%mul3A_6] : memref<331776xi32, #tpu.memory_space<hbm>> -> memref<10368xi32, #tpu.memory_space<hbm>>
      tpu.enqueue_dma source(%dma_start3A_14 : memref<10368xi32, #tpu.memory_space<hbm>>) target(%arg6 : memref<10368xi32, #tpu.memory_space<vmem>>) target_semaphore(%run_scoped3A : memref<!tpu.dma_semaphore, #tpu.memory_space<semaphore_mem>>)
      %dma_wait3A = tpu.memref_slice %arg2[%mul3A_6] : memref<331776xi32, #tpu.memory_space<hbm>> -> memref<10368xi32, #tpu.memory_space<hbm>>
      %dma_wait3A_15 = tpu.memref_slice %arg2[%mul3A_6] : memref<331776xi32, #tpu.memory_space<hbm>> -> memref<10368xi32, #tpu.memory_space<hbm>>
      tpu.wait_dma2 semaphore(%run_scoped3A : memref<!tpu.dma_semaphore, #tpu.memory_space<semaphore_mem>>) src(%dma_wait3A_15 : memref<10368xi32, #tpu.memory_space<hbm>>) dst(%arg6 : memref<10368xi32, #tpu.memory_space<vmem>>)
      tpu.yield
    }) : () -> ()
    "tpu.region"() ({
      %run_scoped3A = tpu.sem_alloc : memref<!tpu.dma_semaphore, #tpu.memory_space<semaphore_mem>>
      %dma_start3A = tpu.memref_slice %arg3[%mul3A_6] : memref<331776xf32, #tpu.memory_space<hbm>> -> memref<10368xf32, #tpu.memory_space<hbm>>
      %dma_start3A_14 = tpu.memref_slice %arg3[%mul3A_6] : memref<331776xf32, #tpu.memory_space<hbm>> -> memref<10368xf32, #tpu.memory_space<hbm>>
      tpu.enqueue_dma source(%dma_start3A_14 : memref<10368xf32, #tpu.memory_space<hbm>>) target(%arg7 : memref<10368xf32, #tpu.memory_space<vmem>>) target_semaphore(%run_scoped3A : memref<!tpu.dma_semaphore, #tpu.memory_space<semaphore_mem>>)
      %dma_wait3A = tpu.memref_slice %arg3[%mul3A_6] : memref<331776xf32, #tpu.memory_space<hbm>> -> memref<10368xf32, #tpu.memory_space<hbm>>
      %dma_wait3A_15 = tpu.memref_slice %arg3[%mul3A_6] : memref<331776xf32, #tpu.memory_space<hbm>> -> memref<10368xf32, #tpu.memory_space<hbm>>
      tpu.wait_dma2 semaphore(%run_scoped3A : memref<!tpu.dma_semaphore, #tpu.memory_space<semaphore_mem>>) src(%dma_wait3A_15 : memref<10368xf32, #tpu.memory_space<hbm>>) dst(%arg7 : memref<10368xf32, #tpu.memory_space<vmem>>)
      tpu.yield
    }) : () -> ()
    %scan3A_7 = arith.constant 0 : i32
    %scan3A_8 = arith.constant 648 : i32
    %scan3A_9 = arith.addi %scan3A_7, %scan3A_8 : i32
    %scan3A_10 = arith.constant 1 : i32
    scf.for %scan3A_14 = %scan3A_7 to %scan3A_9 step %scan3A_10  : i32 {
      %mul3A_15 = arith.constant 16 : i32
      %mul3A_16 = arith.muli %scan3A_14, %mul3A_15 : i32
      %get3A = arith.index_cast %mul3A_16 : i32 to index
      %get3A_17 = tpu.vector_load %arg6[%get3A] {strides = array<i32>} : memref<10368xi32, #tpu.memory_space<vmem>>, vector<16xi32>,
      %mul3A_18 = arith.constant 16 : i32
      %mul3A_19 = arith.muli %scan3A_14, %mul3A_18 : i32
      %get3A_20 = arith.index_cast %mul3A_19 : i32 to index
      %get3A_21 = tpu.vector_load %arg7[%get3A_20] {strides = array<i32>} : memref<10368xf32, #tpu.memory_space<vmem>>, vector<16xf32>,
      tpu.vector_store_idx %arg5[%get3A_17], %get3A_21 {add = true} : memref<10240xf32, #tpu.memory_space<vmem>>[vector<16xi32>], vector<16xf32>,
    }
    %scan3A_11 = arith.constant 648 : i32
    %mul3A_12 = arith.constant 10240 : i32
    %mul3A_13 = arith.muli %add3A, %mul3A_12 : i32
    "tpu.region"() ({
      %run_scoped3A = tpu.sem_alloc : memref<!tpu.dma_semaphore, #tpu.memory_space<semaphore_mem>>
      %dma_start3A = tpu.memref_slice %arg4[%mul3A_13] : memref<327680xf32, #tpu.memory_space<hbm>> -> memref<10240xf32, #tpu.memory_space<hbm>>
      %dma_start3A_14 = tpu.memref_slice %arg4[%mul3A_13] : memref<327680xf32, #tpu.memory_space<hbm>> -> memref<10240xf32, #tpu.memory_space<hbm>>
      tpu.enqueue_dma source(%arg5 : memref<10240xf32, #tpu.memory_space<vmem>>) target(%dma_start3A_14 : memref<10240xf32, #tpu.memory_space<hbm>>) target_semaphore(%run_scoped3A : memref<!tpu.dma_semaphore, #tpu.memory_space<semaphore_mem>>)
      %dma_wait3A = tpu.memref_slice %arg4[%mul3A_13] : memref<327680xf32, #tpu.memory_space<hbm>> -> memref<10240xf32, #tpu.memory_space<hbm>>
      %dma_wait3A_15 = tpu.memref_slice %arg4[%mul3A_13] : memref<327680xf32, #tpu.memory_space<hbm>> -> memref<10240xf32, #tpu.memory_space<hbm>>
      tpu.wait_dma2 semaphore(%run_scoped3A : memref<!tpu.dma_semaphore, #tpu.memory_space<semaphore_mem>>) src(%arg5 : memref<10240xf32, #tpu.memory_space<vmem>>) dst(%dma_wait3A_15 : memref<10240xf32, #tpu.memory_space<hbm>>)
      tpu.yield
    }) : () -> ()
    return
  }
}

#map = affine_map<(d0, d1) -> (0)>
module attributes {stable_mosaic.version = 14 : i64} {
  func.func @prop_kernel(%arg0: i32, %arg1: i32, %arg2: memref<1310720xf32, #tpu.memory_space<hbm>>, %arg3: memref<331776xi32, #tpu.memory_space<hbm>>, %arg4: memref<331776xf32, #tpu.memory_space<hbm>>, %arg5: memref<1310720xf32, #tpu.memory_space<hbm>>, %arg6: memref<40960xf32, #tpu.memory_space<vmem>>, %arg7: memref<40960xf32, #tpu.memory_space<vmem>>, %arg8: memref<40960xf32, #tpu.memory_space<vmem>>, %arg9: memref<1024xi32, #tpu.memory_space<vmem>>, %arg10: memref<1024xi32, #tpu.memory_space<vmem>>, %arg11: memref<1024xf32, #tpu.memory_space<vmem>>, %arg12: memref<1024xf32, #tpu.memory_space<vmem>>, %arg13: memref<!tpu.dma_semaphore, #tpu.memory_space<semaphore_mem>>, %arg14: memref<!tpu.dma_semaphore, #tpu.memory_space<semaphore_mem>>) attributes {dimension_semantics = [#tpu.dimension_semantics<core_parallel>, #tpu.dimension_semantics<subcore_parallel>], iteration_bounds = array<i64: 2, 16>, scalar_prefetch = 0 : i64, scratch_operands = 9 : i64, tpu.core_type = #tpu.core_type<sc_vector_subcore>, window_params = [{transform_indices = #map}, {transform_indices = #map}, {transform_indices = #map}, {transform_indices = #map}]} {
    %mul3A = arith.constant 16 : i32
    %mul3A_0 = arith.muli %arg0, %mul3A : i32
    %add3A = arith.addi %mul3A_0, %arg1 : i32
    %mul3A_1 = arith.constant 4 : i32
    %mul3A_2 = arith.muli %add3A, %mul3A_1 : i32
    %mul3A_3 = arith.constant 10240 : i32
    %mul3A_4 = arith.muli %mul3A_2, %mul3A_3 : i32
    %broadcast_in_dim3A = arith.constant 0 : i32
    %broadcast_in_dim3A_5 = vector.broadcast %broadcast_in_dim3A : i32 to vector<16xi32>
    %broadcast_in_dim3A_6 = arith.constant 10240 : i32
    %broadcast_in_dim3A_7 = vector.broadcast %broadcast_in_dim3A_6 : i32 to vector<16xi32>
    %broadcast_in_dim3A_8 = arith.constant 20480 : i32
    %broadcast_in_dim3A_9 = vector.broadcast %broadcast_in_dim3A_8 : i32 to vector<16xi32>
    %broadcast_in_dim3A_10 = arith.constant 30720 : i32
    %broadcast_in_dim3A_11 = vector.broadcast %broadcast_in_dim3A_10 : i32 to vector<16xi32>
    "tpu.region"() ({
      %run_scoped3A = tpu.sem_alloc : memref<!tpu.dma_semaphore, #tpu.memory_space<semaphore_mem>>
      %dma_start3A = tpu.memref_slice %arg2[%mul3A_4] : memref<1310720xf32, #tpu.memory_space<hbm>> -> memref<40960xf32, #tpu.memory_space<hbm>>
      %dma_start3A_21 = tpu.memref_slice %arg2[%mul3A_4] : memref<1310720xf32, #tpu.memory_space<hbm>> -> memref<40960xf32, #tpu.memory_space<hbm>>
      tpu.enqueue_dma source(%dma_start3A_21 : memref<40960xf32, #tpu.memory_space<hbm>>) target(%arg6 : memref<40960xf32, #tpu.memory_space<vmem>>) target_semaphore(%run_scoped3A : memref<!tpu.dma_semaphore, #tpu.memory_space<semaphore_mem>>)
      %dma_wait3A = tpu.memref_slice %arg2[%mul3A_4] : memref<1310720xf32, #tpu.memory_space<hbm>> -> memref<40960xf32, #tpu.memory_space<hbm>>
      %dma_wait3A_22 = tpu.memref_slice %arg2[%mul3A_4] : memref<1310720xf32, #tpu.memory_space<hbm>> -> memref<40960xf32, #tpu.memory_space<hbm>>
      tpu.wait_dma2 semaphore(%run_scoped3A : memref<!tpu.dma_semaphore, #tpu.memory_space<semaphore_mem>>) src(%dma_wait3A_22 : memref<40960xf32, #tpu.memory_space<hbm>>) dst(%arg6 : memref<40960xf32, #tpu.memory_space<vmem>>)
      tpu.yield
    }) : () -> ()
    %scan3A = arith.constant 0 : i32
    %scan3A_12 = arith.constant 2560 : i32
    %scan3A_13 = arith.addi %scan3A, %scan3A_12 : i32
    %scan3A_14 = arith.constant 1 : i32
    scf.for %scan3A_21 = %scan3A to %scan3A_13 step %scan3A_14  : i32 {
      %mul3A_22 = arith.constant 16 : i32
      %mul3A_23 = arith.muli %scan3A_21, %mul3A_22 : i32
      %get3A = arith.index_cast %mul3A_23 : i32 to index
      %get3A_24 = tpu.vector_load %arg6[%get3A] {strides = array<i32>} : memref<40960xf32, #tpu.memory_space<vmem>>, vector<16xf32>,
      %mul3A_25 = arith.constant 1.000000e-01 : f32
      %mul3A_26 = vector.broadcast %mul3A_25 : f32 to vector<16xf32>
      %mul3A_27 = arith.mulf %get3A_24, %mul3A_26 : vector<16xf32>
      %swap3A = arith.index_cast %mul3A_23 : i32 to index
      %swap3A_28 = tpu.vector_load %arg8[%swap3A] {strides = array<i32>} : memref<40960xf32, #tpu.memory_space<vmem>>, vector<16xf32>,
      tpu.vector_store %arg8[%swap3A], %mul3A_27 {strides = array<i32>} : memref<40960xf32, #tpu.memory_space<vmem>>, vector<16xf32>,
      %broadcast_in_dim3A_29 = arith.constant 0.000000e+00 : f32
      %broadcast_in_dim3A_30 = vector.broadcast %broadcast_in_dim3A_29 : f32 to vector<16xf32>
      %swap3A_31 = arith.index_cast %mul3A_23 : i32 to index
      %swap3A_32 = tpu.vector_load %arg7[%swap3A_31] {strides = array<i32>} : memref<40960xf32, #tpu.memory_space<vmem>>, vector<16xf32>,
      tpu.vector_store %arg7[%swap3A_31], %broadcast_in_dim3A_30 {strides = array<i32>} : memref<40960xf32, #tpu.memory_space<vmem>>, vector<16xf32>,
    }
    %scan3A_15 = arith.constant 2560 : i32
    %scan3A_16 = arith.constant 0 : i32
    %scan3A_17 = arith.constant 10 : i32
    %scan3A_18 = arith.addi %scan3A_16, %scan3A_17 : i32
    %scan3A_19 = arith.constant 1 : i32
    scf.for %scan3A_21 = %scan3A_16 to %scan3A_18 step %scan3A_19  : i32 {
      %dma_start3A = arith.constant 0 : i32
      %dma_start3A_22 = tpu.memref_slice %arg3[%dma_start3A] : memref<331776xi32, #tpu.memory_space<hbm>> -> memref<1024xi32, #tpu.memory_space<hbm>>
      %dma_start3A_23 = arith.constant 0 : i32
      %dma_start3A_24 = tpu.memref_slice %arg3[%dma_start3A_23] : memref<331776xi32, #tpu.memory_space<hbm>> -> memref<1024xi32, #tpu.memory_space<hbm>>
      tpu.enqueue_dma source(%dma_start3A_24 : memref<1024xi32, #tpu.memory_space<hbm>>) target(%arg9 : memref<1024xi32, #tpu.memory_space<vmem>>) target_semaphore(%arg13 : memref<!tpu.dma_semaphore, #tpu.memory_space<semaphore_mem>>)
      %dma_start3A_25 = arith.constant 0 : i32
      %dma_start3A_26 = tpu.memref_slice %arg4[%dma_start3A_25] : memref<331776xf32, #tpu.memory_space<hbm>> -> memref<1024xf32, #tpu.memory_space<hbm>>
      %dma_start3A_27 = arith.constant 0 : i32
      %dma_start3A_28 = tpu.memref_slice %arg4[%dma_start3A_27] : memref<331776xf32, #tpu.memory_space<hbm>> -> memref<1024xf32, #tpu.memory_space<hbm>>
      tpu.enqueue_dma source(%dma_start3A_28 : memref<1024xf32, #tpu.memory_space<hbm>>) target(%arg11 : memref<1024xf32, #tpu.memory_space<vmem>>) target_semaphore(%arg13 : memref<!tpu.dma_semaphore, #tpu.memory_space<semaphore_mem>>)
      %dma_start3A_29 = arith.constant 1024 : i32
      %dma_start3A_30 = tpu.memref_slice %arg3[%dma_start3A_29] : memref<331776xi32, #tpu.memory_space<hbm>> -> memref<1024xi32, #tpu.memory_space<hbm>>
      %dma_start3A_31 = arith.constant 1024 : i32
      %dma_start3A_32 = tpu.memref_slice %arg3[%dma_start3A_31] : memref<331776xi32, #tpu.memory_space<hbm>> -> memref<1024xi32, #tpu.memory_space<hbm>>
      tpu.enqueue_dma source(%dma_start3A_32 : memref<1024xi32, #tpu.memory_space<hbm>>) target(%arg10 : memref<1024xi32, #tpu.memory_space<vmem>>) target_semaphore(%arg14 : memref<!tpu.dma_semaphore, #tpu.memory_space<semaphore_mem>>)
      %dma_start3A_33 = arith.constant 1024 : i32
      %dma_start3A_34 = tpu.memref_slice %arg4[%dma_start3A_33] : memref<331776xf32, #tpu.memory_space<hbm>> -> memref<1024xf32, #tpu.memory_space<hbm>>
      %dma_start3A_35 = arith.constant 1024 : i32
      %dma_start3A_36 = tpu.memref_slice %arg4[%dma_start3A_35] : memref<331776xf32, #tpu.memory_space<hbm>> -> memref<1024xf32, #tpu.memory_space<hbm>>
      tpu.enqueue_dma source(%dma_start3A_36 : memref<1024xf32, #tpu.memory_space<hbm>>) target(%arg12 : memref<1024xf32, #tpu.memory_space<vmem>>) target_semaphore(%arg14 : memref<!tpu.dma_semaphore, #tpu.memory_space<semaphore_mem>>)
      %scan3A_37 = arith.constant 0 : i32
      %scan3A_38 = arith.constant 162 : i32
      %scan3A_39 = arith.addi %scan3A_37, %scan3A_38 : i32
      %scan3A_40 = arith.constant 1 : i32
      scf.for %scan3A_47 = %scan3A_37 to %scan3A_39 step %scan3A_40  : i32 {
        %mul3A_48 = arith.constant 2 : i32
        %mul3A_49 = arith.muli %scan3A_47, %mul3A_48 : i32
        %add3A_50 = arith.constant 0 : i32
        %add3A_51 = arith.addi %mul3A_49, %add3A_50 : i32
        %dma_wait3A = arith.constant 0 : i32
        %dma_wait3A_52 = tpu.memref_slice %arg3[%dma_wait3A] : memref<331776xi32, #tpu.memory_space<hbm>> -> memref<1024xi32, #tpu.memory_space<hbm>>
        %dma_wait3A_53 = arith.constant 0 : i32
        %dma_wait3A_54 = tpu.memref_slice %arg3[%dma_wait3A_53] : memref<331776xi32, #tpu.memory_space<hbm>> -> memref<1024xi32, #tpu.memory_space<hbm>>
        tpu.wait_dma2 semaphore(%arg13 : memref<!tpu.dma_semaphore, #tpu.memory_space<semaphore_mem>>) src(%dma_wait3A_54 : memref<1024xi32, #tpu.memory_space<hbm>>) dst(%arg9 : memref<1024xi32, #tpu.memory_space<vmem>>)
        %dma_wait3A_55 = arith.constant 0 : i32
        %dma_wait3A_56 = tpu.memref_slice %arg4[%dma_wait3A_55] : memref<331776xf32, #tpu.memory_space<hbm>> -> memref<1024xf32, #tpu.memory_space<hbm>>
        %dma_wait3A_57 = arith.constant 0 : i32
        %dma_wait3A_58 = tpu.memref_slice %arg4[%dma_wait3A_57] : memref<331776xf32, #tpu.memory_space<hbm>> -> memref<1024xf32, #tpu.memory_space<hbm>>
        tpu.wait_dma2 semaphore(%arg13 : memref<!tpu.dma_semaphore, #tpu.memory_space<semaphore_mem>>) src(%dma_wait3A_58 : memref<1024xf32, #tpu.memory_space<hbm>>) dst(%arg11 : memref<1024xf32, #tpu.memory_space<vmem>>)
        %scan3A_59 = arith.constant 0 : i32
        %scan3A_60 = arith.constant 64 : i32
        %scan3A_61 = arith.addi %scan3A_59, %scan3A_60 : i32
        %scan3A_62 = arith.constant 1 : i32
        scf.for %scan3A_88 = %scan3A_59 to %scan3A_61 step %scan3A_62  : i32 {
          %mul3A_89 = arith.constant 16 : i32
          %mul3A_90 = arith.muli %scan3A_88, %mul3A_89 : i32
          %get3A = arith.index_cast %mul3A_90 : i32 to index
          %get3A_91 = tpu.vector_load %arg9[%get3A] {strides = array<i32>} : memref<1024xi32, #tpu.memory_space<vmem>>, vector<16xi32>,
          %get3A_92 = arith.index_cast %mul3A_90 : i32 to index
          %get3A_93 = tpu.vector_load %arg11[%get3A_92] {strides = array<i32>} : memref<1024xf32, #tpu.memory_space<vmem>>, vector<16xf32>,
          %and3A = arith.constant 65535 : i32
          %and3A_94 = vector.broadcast %and3A : i32 to vector<16xi32>
          %and3A_95 = arith.andi %get3A_91, %and3A_94 : vector<16xi32>
          %shift_right_logical3A = arith.constant 16 : i32
          %shift_right_logical3A_96 = vector.broadcast %shift_right_logical3A : i32 to vector<16xi32>
          %shift_right_logical3A_97 = arith.shrui %get3A_91, %shift_right_logical3A_96 : vector<16xi32>
          %add3A_98 = arith.addi %broadcast_in_dim3A_5, %and3A_95 : vector<16xi32>
          %gather3A = tpu.vector_load_idx %arg6[%add3A_98] : memref<40960xf32, #tpu.memory_space<vmem>>[vector<16xi32>], vector<16xf32>,
          %add3A_99 = arith.addi %broadcast_in_dim3A_5, %shift_right_logical3A_97 : vector<16xi32>
          %mul3A_100 = arith.mulf %gather3A, %get3A_93 : vector<16xf32>
          tpu.vector_store_idx %arg7[%add3A_99], %mul3A_100 {add = true} : memref<40960xf32, #tpu.memory_space<vmem>>[vector<16xi32>], vector<16xf32>,
          %add3A_101 = arith.addi %broadcast_in_dim3A_7, %and3A_95 : vector<16xi32>
          %gather3A_102 = tpu.vector_load_idx %arg6[%add3A_101] : memref<40960xf32, #tpu.memory_space<vmem>>[vector<16xi32>], vector<16xf32>,
          %add3A_103 = arith.addi %broadcast_in_dim3A_7, %shift_right_logical3A_97 : vector<16xi32>
          %mul3A_104 = arith.mulf %gather3A_102, %get3A_93 : vector<16xf32>
          tpu.vector_store_idx %arg7[%add3A_103], %mul3A_104 {add = true} : memref<40960xf32, #tpu.memory_space<vmem>>[vector<16xi32>], vector<16xf32>,
          %add3A_105 = arith.addi %broadcast_in_dim3A_9, %and3A_95 : vector<16xi32>
          %gather3A_106 = tpu.vector_load_idx %arg6[%add3A_105] : memref<40960xf32, #tpu.memory_space<vmem>>[vector<16xi32>], vector<16xf32>,
          %add3A_107 = arith.addi %broadcast_in_dim3A_9, %shift_right_logical3A_97 : vector<16xi32>
          %mul3A_108 = arith.mulf %gather3A_106, %get3A_93 : vector<16xf32>
          tpu.vector_store_idx %arg7[%add3A_107], %mul3A_108 {add = true} : memref<40960xf32, #tpu.memory_space<vmem>>[vector<16xi32>], vector<16xf32>,
          %add3A_109 = arith.addi %broadcast_in_dim3A_11, %and3A_95 : vector<16xi32>
          %gather3A_110 = tpu.vector_load_idx %arg6[%add3A_109] : memref<40960xf32, #tpu.memory_space<vmem>>[vector<16xi32>], vector<16xf32>,
          %add3A_111 = arith.addi %broadcast_in_dim3A_11, %shift_right_logical3A_97 : vector<16xi32>
          %mul3A_112 = arith.mulf %gather3A_110, %get3A_93 : vector<16xf32>
          tpu.vector_store_idx %arg7[%add3A_111], %mul3A_112 {add = true} : memref<40960xf32, #tpu.memory_space<vmem>>[vector<16xi32>], vector<16xf32>,
        }
        %scan3A_63 = arith.constant 64 : i32
        %lt3A = arith.constant 161 : i32
        %lt3A_64 = arith.cmpi slt, %scan3A_47, %lt3A : i32
        %convert_element_type3A = arith.extui %lt3A_64 : i1 to i32
        %cond3A = arith.constant 0 : i32
        %cond3A_65 = arith.cmpi ne, %convert_element_type3A, %cond3A : i32
        scf.if %cond3A_65 {
          %add3A_88 = arith.constant 2 : i32
          %add3A_89 = arith.addi %add3A_51, %add3A_88 : i32
          %mul3A_90 = arith.constant 1024 : i32
          %mul3A_91 = arith.muli %add3A_89, %mul3A_90 : i32
          %dma_start3A_92 = tpu.memref_slice %arg3[%mul3A_91] : memref<331776xi32, #tpu.memory_space<hbm>> -> memref<1024xi32, #tpu.memory_space<hbm>>
          %dma_start3A_93 = tpu.memref_slice %arg3[%mul3A_91] : memref<331776xi32, #tpu.memory_space<hbm>> -> memref<1024xi32, #tpu.memory_space<hbm>>
          tpu.enqueue_dma source(%dma_start3A_93 : memref<1024xi32, #tpu.memory_space<hbm>>) target(%arg9 : memref<1024xi32, #tpu.memory_space<vmem>>) target_semaphore(%arg13 : memref<!tpu.dma_semaphore, #tpu.memory_space<semaphore_mem>>)
          %dma_start3A_94 = tpu.memref_slice %arg4[%mul3A_91] : memref<331776xf32, #tpu.memory_space<hbm>> -> memref<1024xf32, #tpu.memory_space<hbm>>
          %dma_start3A_95 = tpu.memref_slice %arg4[%mul3A_91] : memref<331776xf32, #tpu.memory_space<hbm>> -> memref<1024xf32, #tpu.memory_space<hbm>>
          tpu.enqueue_dma source(%dma_start3A_95 : memref<1024xf32, #tpu.memory_space<hbm>>) target(%arg11 : memref<1024xf32, #tpu.memory_space<vmem>>) target_semaphore(%arg13 : memref<!tpu.dma_semaphore, #tpu.memory_space<semaphore_mem>>)
        } else {
        }
        %mul3A_66 = arith.constant 2 : i32
        %mul3A_67 = arith.muli %scan3A_47, %mul3A_66 : i32
        %add3A_68 = arith.constant 1 : i32
        %add3A_69 = arith.addi %mul3A_67, %add3A_68 : i32
        %dma_wait3A_70 = arith.constant 0 : i32
        %dma_wait3A_71 = tpu.memref_slice %arg3[%dma_wait3A_70] : memref<331776xi32, #tpu.memory_space<hbm>> -> memref<1024xi32, #tpu.memory_space<hbm>>
        %dma_wait3A_72 = arith.constant 0 : i32
        %dma_wait3A_73 = tpu.memref_slice %arg3[%dma_wait3A_72] : memref<331776xi32, #tpu.memory_space<hbm>> -> memref<1024xi32, #tpu.memory_space<hbm>>
        tpu.wait_dma2 semaphore(%arg14 : memref<!tpu.dma_semaphore, #tpu.memory_space<semaphore_mem>>) src(%dma_wait3A_73 : memref<1024xi32, #tpu.memory_space<hbm>>) dst(%arg10 : memref<1024xi32, #tpu.memory_space<vmem>>)
        %dma_wait3A_74 = arith.constant 0 : i32
        %dma_wait3A_75 = tpu.memref_slice %arg4[%dma_wait3A_74] : memref<331776xf32, #tpu.memory_space<hbm>> -> memref<1024xf32, #tpu.memory_space<hbm>>
        %dma_wait3A_76 = arith.constant 0 : i32
        %dma_wait3A_77 = tpu.memref_slice %arg4[%dma_wait3A_76] : memref<331776xf32, #tpu.memory_space<hbm>> -> memref<1024xf32, #tpu.memory_space<hbm>>
        tpu.wait_dma2 semaphore(%arg14 : memref<!tpu.dma_semaphore, #tpu.memory_space<semaphore_mem>>) src(%dma_wait3A_77 : memref<1024xf32, #tpu.memory_space<hbm>>) dst(%arg12 : memref<1024xf32, #tpu.memory_space<vmem>>)
        %scan3A_78 = arith.constant 0 : i32
        %scan3A_79 = arith.constant 64 : i32
        %scan3A_80 = arith.addi %scan3A_78, %scan3A_79 : i32
        %scan3A_81 = arith.constant 1 : i32
        scf.for %scan3A_88 = %scan3A_78 to %scan3A_80 step %scan3A_81  : i32 {
          %mul3A_89 = arith.constant 16 : i32
          %mul3A_90 = arith.muli %scan3A_88, %mul3A_89 : i32
          %get3A = arith.index_cast %mul3A_90 : i32 to index
          %get3A_91 = tpu.vector_load %arg10[%get3A] {strides = array<i32>} : memref<1024xi32, #tpu.memory_space<vmem>>, vector<16xi32>,
          %get3A_92 = arith.index_cast %mul3A_90 : i32 to index
          %get3A_93 = tpu.vector_load %arg12[%get3A_92] {strides = array<i32>} : memref<1024xf32, #tpu.memory_space<vmem>>, vector<16xf32>,
          %and3A = arith.constant 65535 : i32
          %and3A_94 = vector.broadcast %and3A : i32 to vector<16xi32>
          %and3A_95 = arith.andi %get3A_91, %and3A_94 : vector<16xi32>
          %shift_right_logical3A = arith.constant 16 : i32
          %shift_right_logical3A_96 = vector.broadcast %shift_right_logical3A : i32 to vector<16xi32>
          %shift_right_logical3A_97 = arith.shrui %get3A_91, %shift_right_logical3A_96 : vector<16xi32>
          %add3A_98 = arith.addi %broadcast_in_dim3A_5, %and3A_95 : vector<16xi32>
          %gather3A = tpu.vector_load_idx %arg6[%add3A_98] : memref<40960xf32, #tpu.memory_space<vmem>>[vector<16xi32>], vector<16xf32>,
          %add3A_99 = arith.addi %broadcast_in_dim3A_5, %shift_right_logical3A_97 : vector<16xi32>
          %mul3A_100 = arith.mulf %gather3A, %get3A_93 : vector<16xf32>
          tpu.vector_store_idx %arg7[%add3A_99], %mul3A_100 {add = true} : memref<40960xf32, #tpu.memory_space<vmem>>[vector<16xi32>], vector<16xf32>,
          %add3A_101 = arith.addi %broadcast_in_dim3A_7, %and3A_95 : vector<16xi32>
          %gather3A_102 = tpu.vector_load_idx %arg6[%add3A_101] : memref<40960xf32, #tpu.memory_space<vmem>>[vector<16xi32>], vector<16xf32>,
          %add3A_103 = arith.addi %broadcast_in_dim3A_7, %shift_right_logical3A_97 : vector<16xi32>
          %mul3A_104 = arith.mulf %gather3A_102, %get3A_93 : vector<16xf32>
          tpu.vector_store_idx %arg7[%add3A_103], %mul3A_104 {add = true} : memref<40960xf32, #tpu.memory_space<vmem>>[vector<16xi32>], vector<16xf32>,
          %add3A_105 = arith.addi %broadcast_in_dim3A_9, %and3A_95 : vector<16xi32>
          %gather3A_106 = tpu.vector_load_idx %arg6[%add3A_105] : memref<40960xf32, #tpu.memory_space<vmem>>[vector<16xi32>], vector<16xf32>,
          %add3A_107 = arith.addi %broadcast_in_dim3A_9, %shift_right_logical3A_97 : vector<16xi32>
          %mul3A_108 = arith.mulf %gather3A_106, %get3A_93 : vector<16xf32>
          tpu.vector_store_idx %arg7[%add3A_107], %mul3A_108 {add = true} : memref<40960xf32, #tpu.memory_space<vmem>>[vector<16xi32>], vector<16xf32>,
          %add3A_109 = arith.addi %broadcast_in_dim3A_11, %and3A_95 : vector<16xi32>
          %gather3A_110 = tpu.vector_load_idx %arg6[%add3A_109] : memref<40960xf32, #tpu.memory_space<vmem>>[vector<16xi32>], vector<16xf32>,
          %add3A_111 = arith.addi %broadcast_in_dim3A_11, %shift_right_logical3A_97 : vector<16xi32>
          %mul3A_112 = arith.mulf %gather3A_110, %get3A_93 : vector<16xf32>
          tpu.vector_store_idx %arg7[%add3A_111], %mul3A_112 {add = true} : memref<40960xf32, #tpu.memory_space<vmem>>[vector<16xi32>], vector<16xf32>,
        }
        %scan3A_82 = arith.constant 64 : i32
        %lt3A_83 = arith.constant 161 : i32
        %lt3A_84 = arith.cmpi slt, %scan3A_47, %lt3A_83 : i32
        %convert_element_type3A_85 = arith.extui %lt3A_84 : i1 to i32
        %cond3A_86 = arith.constant 0 : i32
        %cond3A_87 = arith.cmpi ne, %convert_element_type3A_85, %cond3A_86 : i32
        scf.if %cond3A_87 {
          %add3A_88 = arith.constant 2 : i32
          %add3A_89 = arith.addi %add3A_69, %add3A_88 : i32
          %mul3A_90 = arith.constant 1024 : i32
          %mul3A_91 = arith.muli %add3A_89, %mul3A_90 : i32
          %dma_start3A_92 = tpu.memref_slice %arg3[%mul3A_91] : memref<331776xi32, #tpu.memory_space<hbm>> -> memref<1024xi32, #tpu.memory_space<hbm>>
          %dma_start3A_93 = tpu.memref_slice %arg3[%mul3A_91] : memref<331776xi32, #tpu.memory_space<hbm>> -> memref<1024xi32, #tpu.memory_space<hbm>>
          tpu.enqueue_dma source(%dma_start3A_93 : memref<1024xi32, #tpu.memory_space<hbm>>) target(%arg10 : memref<1024xi32, #tpu.memory_space<vmem>>) target_semaphore(%arg14 : memref<!tpu.dma_semaphore, #tpu.memory_space<semaphore_mem>>)
          %dma_start3A_94 = tpu.memref_slice %arg4[%mul3A_91] : memref<331776xf32, #tpu.memory_space<hbm>> -> memref<1024xf32, #tpu.memory_space<hbm>>
          %dma_start3A_95 = tpu.memref_slice %arg4[%mul3A_91] : memref<331776xf32, #tpu.memory_space<hbm>> -> memref<1024xf32, #tpu.memory_space<hbm>>
          tpu.enqueue_dma source(%dma_start3A_95 : memref<1024xf32, #tpu.memory_space<hbm>>) target(%arg12 : memref<1024xf32, #tpu.memory_space<vmem>>) target_semaphore(%arg14 : memref<!tpu.dma_semaphore, #tpu.memory_space<semaphore_mem>>)
        } else {
        }
      }
      %scan3A_41 = arith.constant 162 : i32
      %scan3A_42 = arith.constant 0 : i32
      %scan3A_43 = arith.constant 2560 : i32
      %scan3A_44 = arith.addi %scan3A_42, %scan3A_43 : i32
      %scan3A_45 = arith.constant 1 : i32
      scf.for %scan3A_47 = %scan3A_42 to %scan3A_44 step %scan3A_45  : i32 {
        %mul3A_48 = arith.constant 16 : i32
        %mul3A_49 = arith.muli %scan3A_47, %mul3A_48 : i32
        %get3A = arith.index_cast %mul3A_49 : i32 to index
        %get3A_50 = tpu.vector_load %arg7[%get3A] {strides = array<i32>} : memref<40960xf32, #tpu.memory_space<vmem>>, vector<16xf32>,
        %mul3A_51 = arith.constant 0.899999976 : f32
        %mul3A_52 = vector.broadcast %mul3A_51 : f32 to vector<16xf32>
        %mul3A_53 = arith.mulf %get3A_50, %mul3A_52 : vector<16xf32>
        %get3A_54 = arith.index_cast %mul3A_49 : i32 to index
        %get3A_55 = tpu.vector_load %arg8[%get3A_54] {strides = array<i32>} : memref<40960xf32, #tpu.memory_space<vmem>>, vector<16xf32>,
        %add3A_56 = arith.addf %mul3A_53, %get3A_55 : vector<16xf32>
        %swap3A = arith.index_cast %mul3A_49 : i32 to index
        %swap3A_57 = tpu.vector_load %arg6[%swap3A] {strides = array<i32>} : memref<40960xf32, #tpu.memory_space<vmem>>, vector<16xf32>,
        tpu.vector_store %arg6[%swap3A], %add3A_56 {strides = array<i32>} : memref<40960xf32, #tpu.memory_space<vmem>>, vector<16xf32>,
        %broadcast_in_dim3A_58 = arith.constant 0.000000e+00 : f32
        %broadcast_in_dim3A_59 = vector.broadcast %broadcast_in_dim3A_58 : f32 to vector<16xf32>
        %swap3A_60 = arith.index_cast %mul3A_49 : i32 to index
        %swap3A_61 = tpu.vector_load %arg7[%swap3A_60] {strides = array<i32>} : memref<40960xf32, #tpu.memory_space<vmem>>, vector<16xf32>,
        tpu.vector_store %arg7[%swap3A_60], %broadcast_in_dim3A_59 {strides = array<i32>} : memref<40960xf32, #tpu.memory_space<vmem>>, vector<16xf32>,
      }
      %scan3A_46 = arith.constant 2560 : i32
    }
    %scan3A_20 = arith.constant 10 : i32
    "tpu.region"() ({
      %run_scoped3A = tpu.sem_alloc : memref<!tpu.dma_semaphore, #tpu.memory_space<semaphore_mem>>
      %dma_start3A = tpu.memref_slice %arg5[%mul3A_4] : memref<1310720xf32, #tpu.memory_space<hbm>> -> memref<40960xf32, #tpu.memory_space<hbm>>
      %dma_start3A_21 = tpu.memref_slice %arg5[%mul3A_4] : memref<1310720xf32, #tpu.memory_space<hbm>> -> memref<40960xf32, #tpu.memory_space<hbm>>
      tpu.enqueue_dma source(%arg6 : memref<40960xf32, #tpu.memory_space<vmem>>) target(%dma_start3A_21 : memref<40960xf32, #tpu.memory_space<hbm>>) target_semaphore(%run_scoped3A : memref<!tpu.dma_semaphore, #tpu.memory_space<semaphore_mem>>)
      %dma_wait3A = tpu.memref_slice %arg5[%mul3A_4] : memref<1310720xf32, #tpu.memory_space<hbm>> -> memref<40960xf32, #tpu.memory_space<hbm>>
      %dma_wait3A_22 = tpu.memref_slice %arg5[%mul3A_4] : memref<1310720xf32, #tpu.memory_space<hbm>> -> memref<40960xf32, #tpu.memory_space<hbm>>
      tpu.wait_dma2 semaphore(%run_scoped3A : memref<!tpu.dma_semaphore, #tpu.memory_space<semaphore_mem>>) src(%arg6 : memref<40960xf32, #tpu.memory_space<vmem>>) dst(%dma_wait3A_22 : memref<40960xf32, #tpu.memory_space<hbm>>)
      tpu.yield
    }) : () -> ()
    return
  }
}

#map = affine_map<(d0, d1) -> (0)>
module attributes {stable_mosaic.version = 14 : i64} {
  func.func @norm_kernel(%arg0: i32, %arg1: i32, %arg2: memref<331776xi32, #tpu.memory_space<hbm>>, %arg3: memref<331776xi32, #tpu.memory_space<hbm>>, %arg4: memref<331776xf32, #tpu.memory_space<hbm>>, %arg5: memref<10240xf32, #tpu.memory_space<hbm>>, %arg6: memref<331776xi32, #tpu.memory_space<hbm>>, %arg7: memref<331776xf32, #tpu.memory_space<hbm>>, %arg8: memref<10240xf32, #tpu.memory_space<vmem>>, %arg9: memref<10368xi32, #tpu.memory_space<vmem>>, %arg10: memref<10368xi32, #tpu.memory_space<vmem>>, %arg11: memref<10368xf32, #tpu.memory_space<vmem>>, %arg12: memref<10368xi32, #tpu.memory_space<vmem>>, %arg13: memref<10368xf32, #tpu.memory_space<vmem>>) attributes {dimension_semantics = [#tpu.dimension_semantics<core_parallel>, #tpu.dimension_semantics<subcore_parallel>], iteration_bounds = array<i64: 2, 16>, scalar_prefetch = 0 : i64, scratch_operands = 6 : i64, tpu.core_type = #tpu.core_type<sc_vector_subcore>, window_params = [{transform_indices = #map}, {transform_indices = #map}, {transform_indices = #map}, {transform_indices = #map}, {transform_indices = #map}, {transform_indices = #map}]} {
    %mul3A = arith.constant 16 : i32
    %mul3A_0 = arith.muli %arg0, %mul3A : i32
    %add3A = arith.addi %mul3A_0, %arg1 : i32
    %mul3A_1 = arith.constant 10368 : i32
    %mul3A_2 = arith.muli %add3A, %mul3A_1 : i32
    "tpu.region"() ({
      %run_scoped3A = tpu.sem_alloc : memref<!tpu.dma_semaphore, #tpu.memory_space<semaphore_mem>>
      tpu.enqueue_dma source(%arg5 : memref<10240xf32, #tpu.memory_space<hbm>>) target(%arg8 : memref<10240xf32, #tpu.memory_space<vmem>>) target_semaphore(%run_scoped3A : memref<!tpu.dma_semaphore, #tpu.memory_space<semaphore_mem>>)
      tpu.wait_dma2 semaphore(%run_scoped3A : memref<!tpu.dma_semaphore, #tpu.memory_space<semaphore_mem>>) src(%arg5 : memref<10240xf32, #tpu.memory_space<hbm>>) dst(%arg8 : memref<10240xf32, #tpu.memory_space<vmem>>)
      tpu.yield
    }) : () -> ()
    "tpu.region"() ({
      %run_scoped3A = tpu.sem_alloc : memref<!tpu.dma_semaphore, #tpu.memory_space<semaphore_mem>>
      %dma_start3A = tpu.memref_slice %arg2[%mul3A_2] : memref<331776xi32, #tpu.memory_space<hbm>> -> memref<10368xi32, #tpu.memory_space<hbm>>
      %dma_start3A_7 = tpu.memref_slice %arg2[%mul3A_2] : memref<331776xi32, #tpu.memory_space<hbm>> -> memref<10368xi32, #tpu.memory_space<hbm>>
      tpu.enqueue_dma source(%dma_start3A_7 : memref<10368xi32, #tpu.memory_space<hbm>>) target(%arg9 : memref<10368xi32, #tpu.memory_space<vmem>>) target_semaphore(%run_scoped3A : memref<!tpu.dma_semaphore, #tpu.memory_space<semaphore_mem>>)
      %dma_wait3A = tpu.memref_slice %arg2[%mul3A_2] : memref<331776xi32, #tpu.memory_space<hbm>> -> memref<10368xi32, #tpu.memory_space<hbm>>
      %dma_wait3A_8 = tpu.memref_slice %arg2[%mul3A_2] : memref<331776xi32, #tpu.memory_space<hbm>> -> memref<10368xi32, #tpu.memory_space<hbm>>
      tpu.wait_dma2 semaphore(%run_scoped3A : memref<!tpu.dma_semaphore, #tpu.memory_space<semaphore_mem>>) src(%dma_wait3A_8 : memref<10368xi32, #tpu.memory_space<hbm>>) dst(%arg9 : memref<10368xi32, #tpu.memory_space<vmem>>)
      tpu.yield
    }) : () -> ()
    "tpu.region"() ({
      %run_scoped3A = tpu.sem_alloc : memref<!tpu.dma_semaphore, #tpu.memory_space<semaphore_mem>>
      %dma_start3A = tpu.memref_slice %arg3[%mul3A_2] : memref<331776xi32, #tpu.memory_space<hbm>> -> memref<10368xi32, #tpu.memory_space<hbm>>
      %dma_start3A_7 = tpu.memref_slice %arg3[%mul3A_2] : memref<331776xi32, #tpu.memory_space<hbm>> -> memref<10368xi32, #tpu.memory_space<hbm>>
      tpu.enqueue_dma source(%dma_start3A_7 : memref<10368xi32, #tpu.memory_space<hbm>>) target(%arg10 : memref<10368xi32, #tpu.memory_space<vmem>>) target_semaphore(%run_scoped3A : memref<!tpu.dma_semaphore, #tpu.memory_space<semaphore_mem>>)
      %dma_wait3A = tpu.memref_slice %arg3[%mul3A_2] : memref<331776xi32, #tpu.memory_space<hbm>> -> memref<10368xi32, #tpu.memory_space<hbm>>
      %dma_wait3A_8 = tpu.memref_slice %arg3[%mul3A_2] : memref<331776xi32, #tpu.memory_space<hbm>> -> memref<10368xi32, #tpu.memory_space<hbm>>
      tpu.wait_dma2 semaphore(%run_scoped3A : memref<!tpu.dma_semaphore, #tpu.memory_space<semaphore_mem>>) src(%dma_wait3A_8 : memref<10368xi32, #tpu.memory_space<hbm>>) dst(%arg10 : memref<10368xi32, #tpu.memory_space<vmem>>)
      tpu.yield
    }) : () -> ()
    "tpu.region"() ({
      %run_scoped3A = tpu.sem_alloc : memref<!tpu.dma_semaphore, #tpu.memory_space<semaphore_mem>>
      %dma_start3A = tpu.memref_slice %arg4[%mul3A_2] : memref<331776xf32, #tpu.memory_space<hbm>> -> memref<10368xf32, #tpu.memory_space<hbm>>
      %dma_start3A_7 = tpu.memref_slice %arg4[%mul3A_2] : memref<331776xf32, #tpu.memory_space<hbm>> -> memref<10368xf32, #tpu.memory_space<hbm>>
      tpu.enqueue_dma source(%dma_start3A_7 : memref<10368xf32, #tpu.memory_space<hbm>>) target(%arg11 : memref<10368xf32, #tpu.memory_space<vmem>>) target_semaphore(%run_scoped3A : memref<!tpu.dma_semaphore, #tpu.memory_space<semaphore_mem>>)
      %dma_wait3A = tpu.memref_slice %arg4[%mul3A_2] : memref<331776xf32, #tpu.memory_space<hbm>> -> memref<10368xf32, #tpu.memory_space<hbm>>
      %dma_wait3A_8 = tpu.memref_slice %arg4[%mul3A_2] : memref<331776xf32, #tpu.memory_space<hbm>> -> memref<10368xf32, #tpu.memory_space<hbm>>
      tpu.wait_dma2 semaphore(%run_scoped3A : memref<!tpu.dma_semaphore, #tpu.memory_space<semaphore_mem>>) src(%dma_wait3A_8 : memref<10368xf32, #tpu.memory_space<hbm>>) dst(%arg11 : memref<10368xf32, #tpu.memory_space<vmem>>)
      tpu.yield
    }) : () -> ()
    %scan3A = arith.constant 0 : i32
    %scan3A_3 = arith.constant 648 : i32
    %scan3A_4 = arith.addi %scan3A, %scan3A_3 : i32
    %scan3A_5 = arith.constant 1 : i32
    scf.for %scan3A_7 = %scan3A to %scan3A_4 step %scan3A_5  : i32 {
      %mul3A_8 = arith.constant 16 : i32
      %mul3A_9 = arith.muli %scan3A_7, %mul3A_8 : i32
      %get3A = arith.index_cast %mul3A_9 : i32 to index
      %get3A_10 = tpu.vector_load %arg9[%get3A] {strides = array<i32>} : memref<10368xi32, #tpu.memory_space<vmem>>, vector<16xi32>,
      %get3A_11 = arith.index_cast %mul3A_9 : i32 to index
      %get3A_12 = tpu.vector_load %arg10[%get3A_11] {strides = array<i32>} : memref<10368xi32, #tpu.memory_space<vmem>>, vector<16xi32>,
      %get3A_13 = arith.index_cast %mul3A_9 : i32 to index
      %get3A_14 = tpu.vector_load %arg11[%get3A_13] {strides = array<i32>} : memref<10368xf32, #tpu.memory_space<vmem>>, vector<16xf32>,
      %gather3A = tpu.vector_load_idx %arg8[%get3A_10] : memref<10240xf32, #tpu.memory_space<vmem>>[vector<16xi32>], vector<16xf32>,
      %gather3A_15 = tpu.vector_load_idx %arg8[%get3A_12] : memref<10240xf32, #tpu.memory_space<vmem>>[vector<16xi32>], vector<16xf32>,
      %mul3A_16 = arith.mulf %gather3A, %get3A_14 : vector<16xf32>
      %mul3A_17 = arith.mulf %mul3A_16, %gather3A_15 : vector<16xf32>
      %swap3A = arith.index_cast %mul3A_9 : i32 to index
      %swap3A_18 = tpu.vector_load %arg13[%swap3A] {strides = array<i32>} : memref<10368xf32, #tpu.memory_space<vmem>>, vector<16xf32>,
      tpu.vector_store %arg13[%swap3A], %mul3A_17 {strides = array<i32>} : memref<10368xf32, #tpu.memory_space<vmem>>, vector<16xf32>,
      %shift_left3A = arith.constant 16 : i32
      %shift_left3A_19 = vector.broadcast %shift_left3A : i32 to vector<16xi32>
      %shift_left3A_20 = arith.shli %get3A_12, %shift_left3A_19 : vector<16xi32>
      %or3A = arith.ori %get3A_10, %shift_left3A_20 : vector<16xi32>
      %swap3A_21 = arith.index_cast %mul3A_9 : i32 to index
      %swap3A_22 = tpu.vector_load %arg12[%swap3A_21] {strides = array<i32>} : memref<10368xi32, #tpu.memory_space<vmem>>, vector<16xi32>,
      tpu.vector_store %arg12[%swap3A_21], %or3A {strides = array<i32>} : memref<10368xi32, #tpu.memory_space<vmem>>, vector<16xi32>,
    }
    %scan3A_6 = arith.constant 648 : i32
    "tpu.region"() ({
      %run_scoped3A = tpu.sem_alloc : memref<!tpu.dma_semaphore, #tpu.memory_space<semaphore_mem>>
      %dma_start3A = tpu.memref_slice %arg6[%mul3A_2] : memref<331776xi32, #tpu.memory_space<hbm>> -> memref<10368xi32, #tpu.memory_space<hbm>>
      %dma_start3A_7 = tpu.memref_slice %arg6[%mul3A_2] : memref<331776xi32, #tpu.memory_space<hbm>> -> memref<10368xi32, #tpu.memory_space<hbm>>
      tpu.enqueue_dma source(%arg12 : memref<10368xi32, #tpu.memory_space<vmem>>) target(%dma_start3A_7 : memref<10368xi32, #tpu.memory_space<hbm>>) target_semaphore(%run_scoped3A : memref<!tpu.dma_semaphore, #tpu.memory_space<semaphore_mem>>)
      %dma_wait3A = tpu.memref_slice %arg6[%mul3A_2] : memref<331776xi32, #tpu.memory_space<hbm>> -> memref<10368xi32, #tpu.memory_space<hbm>>
      %dma_wait3A_8 = tpu.memref_slice %arg6[%mul3A_2] : memref<331776xi32, #tpu.memory_space<hbm>> -> memref<10368xi32, #tpu.memory_space<hbm>>
      tpu.wait_dma2 semaphore(%run_scoped3A : memref<!tpu.dma_semaphore, #tpu.memory_space<semaphore_mem>>) src(%arg12 : memref<10368xi32, #tpu.memory_space<vmem>>) dst(%dma_wait3A_8 : memref<10368xi32, #tpu.memory_space<hbm>>)
      tpu.yield
    }) : () -> ()
    "tpu.region"() ({
      %run_scoped3A = tpu.sem_alloc : memref<!tpu.dma_semaphore, #tpu.memory_space<semaphore_mem>>
      %dma_start3A = tpu.memref_slice %arg7[%mul3A_2] : memref<331776xf32, #tpu.memory_space<hbm>> -> memref<10368xf32, #tpu.memory_space<hbm>>
      %dma_start3A_7 = tpu.memref_slice %arg7[%mul3A_2] : memref<331776xf32, #tpu.memory_space<hbm>> -> memref<10368xf32, #tpu.memory_space<hbm>>
      tpu.enqueue_dma source(%arg13 : memref<10368xf32, #tpu.memory_space<vmem>>) target(%dma_start3A_7 : memref<10368xf32, #tpu.memory_space<hbm>>) target_semaphore(%run_scoped3A : memref<!tpu.dma_semaphore, #tpu.memory_space<semaphore_mem>>)
      %dma_wait3A = tpu.memref_slice %arg7[%mul3A_2] : memref<331776xf32, #tpu.memory_space<hbm>> -> memref<10368xf32, #tpu.memory_space<hbm>>
      %dma_wait3A_8 = tpu.memref_slice %arg7[%mul3A_2] : memref<331776xf32, #tpu.memory_space<hbm>> -> memref<10368xf32, #tpu.memory_space<hbm>>
      tpu.wait_dma2 semaphore(%run_scoped3A : memref<!tpu.dma_semaphore, #tpu.memory_space<semaphore_mem>>) src(%arg13 : memref<10368xf32, #tpu.memory_space<vmem>>) dst(%dma_wait3A_8 : memref<10368xf32, #tpu.memory_space<hbm>>)
      tpu.yield
    }) : () -> ()
    return
  }
}

module attributes {stable_mosaic.version = 14 : i64} {
  func.func @body(%arg0: i32, %arg1: memref<2048x128xf32, #tpu.memory_space<vmem>>, %arg2: memref<256x128xf32, #tpu.memory_space<vmem>>, %arg3: memref<256x1xf32, #tpu.memory_space<vmem>>, %arg4: memref<128x256xf32, #tpu.memory_space<vmem>>, %arg5: memref<128x1xf32, #tpu.memory_space<vmem>>, %arg6: memref<128x2048xf32, #tpu.memory_space<vmem>>) attributes {dimension_semantics = [#tpu.dimension_semantics<arbitrary>], iteration_bounds = array<i64: 5>, scalar_prefetch = 0 : i64, scratch_operands = 0 : i64, tpu.core_type = #tpu.core_type<tc>, window_params = [{transform_indices = @transform_0, window_bounds = array<i64: 2048, 128>}, {pipeline_mode = #tpu.pipeline_mode<synchronous>, transform_indices = @transform_1, window_bounds = array<i64: 256, 128>}, {pipeline_mode = #tpu.pipeline_mode<synchronous>, transform_indices = @transform_2, window_bounds = array<i64: 256, 1>}, {pipeline_mode = #tpu.pipeline_mode<synchronous>, transform_indices = @transform_3, window_bounds = array<i64: 128, 256>}, {pipeline_mode = #tpu.pipeline_mode<synchronous>, transform_indices = @transform_4, window_bounds = array<i64: 128, 1>}, {transform_indices = @transform_5, window_bounds = array<i64: 128, 2048>}]} {
    %get3A = arith.constant 0 : index
    %get3A_0 = arith.constant 0 : index
    %get3A_1 = vector.load %arg2[%get3A, %get3A_0] : memref<256x128xf32, #tpu.memory_space<vmem>>, vector<256x128xf32>
    %get3A_2 = arith.constant 0 : index
    %get3A_3 = arith.constant 0 : index
    %get3A_4 = vector.load %arg1[%get3A_2, %get3A_3] : memref<2048x128xf32, #tpu.memory_space<vmem>>, vector<2048x128xf32>
    %dot_general3A = arith.constant dense<0.000000e+00> : vector<256x2048xf32>
    %dot_general3A_5 = tpu.matmul %get3A_1, %get3A_4, %dot_general3A {dimension_numbers = #tpu.dot_dimension_numbers<[1], [1], [0], [0], [0, 0, 1, 0], [], []>, transpose_lhs_hint = false} : vector<256x128xf32>, vector<2048x128xf32>, vector<256x2048xf32> -> vector<256x2048xf32>
    %get3A_6 = arith.constant 0 : index
    %get3A_7 = arith.constant 0 : index
    %get3A_8 = vector.load %arg3[%get3A_6, %get3A_7] : memref<256x1xf32, #tpu.memory_space<vmem>>, vector<256x1xf32>
    %add3A = vector.broadcast %get3A_8 : vector<256x1xf32> to vector<256x2048xf32>
    %add3A_9 = arith.addf %dot_general3A_5, %add3A : vector<256x2048xf32>
    %max3A = arith.constant 0.000000e+00 : f32
    %max3A_10 = vector.broadcast %max3A : f32 to vector<256x2048xf32>
    %max3A_11 = arith.maximumf %add3A_9, %max3A_10 : vector<256x2048xf32>
    %get3A_12 = arith.constant 0 : index
    %get3A_13 = arith.constant 0 : index
    %get3A_14 = vector.load %arg4[%get3A_12, %get3A_13] : memref<128x256xf32, #tpu.memory_space<vmem>>, vector<128x256xf32>
    %dot_general3A_15 = arith.constant dense<0.000000e+00> : vector<128x2048xf32>
    %dot_general3A_16 = tpu.matmul %get3A_14, %max3A_11, %dot_general3A_15 {dimension_numbers = #tpu.dot_dimension_numbers<[1], [0], [0], [1], [0, 0, 1, 1], [], []>, transpose_lhs_hint = false} : vector<128x256xf32>, vector<256x2048xf32>, vector<128x2048xf32> -> vector<128x2048xf32>
    %get3A_17 = arith.constant 0 : index
    %get3A_18 = arith.constant 0 : index
    %get3A_19 = vector.load %arg5[%get3A_17, %get3A_18] : memref<128x1xf32, #tpu.memory_space<vmem>>, vector<128x1xf32>
    %add3A_20 = vector.broadcast %get3A_19 : vector<128x1xf32> to vector<128x2048xf32>
    %add3A_21 = arith.addf %dot_general3A_16, %add3A_20 : vector<128x2048xf32>
    %swap3A = arith.constant 0 : index
    %swap3A_22 = arith.constant 0 : index
    %swap3A_23 = vector.load %arg6[%swap3A, %swap3A_22] : memref<128x2048xf32, #tpu.memory_space<vmem>>, vector<128x2048xf32>
    tpu.vector_store %arg6[%swap3A, %swap3A_22], %add3A_21 {strides = array<i32>} : memref<128x2048xf32, #tpu.memory_space<vmem>>, vector<128x2048xf32>,
    return
  }
  func.func @transform_0(%arg0: i32) -> (i32, i32) {
    %c0_i32 = arith.constant 0 : i32
    %c0_i32_0 = arith.constant 0 : i32
    return %arg0, %c0_i32 : i32, i32
  }
  func.func @transform_1(%arg0: i32) -> (i32, i32) {
    %c0_i32 = arith.constant 0 : i32
    %c0_i32_0 = arith.constant 0 : i32
    %c0_i32_1 = arith.constant 0 : i32
    return %c0_i32, %c0_i32_0 : i32, i32
  }
  func.func @transform_2(%arg0: i32) -> (i32, i32) {
    %c0_i32 = arith.constant 0 : i32
    %c0_i32_0 = arith.constant 0 : i32
    %c0_i32_1 = arith.constant 0 : i32
    return %c0_i32, %c0_i32_0 : i32, i32
  }
  func.func @transform_3(%arg0: i32) -> (i32, i32) {
    %c0_i32 = arith.constant 0 : i32
    %c0_i32_0 = arith.constant 0 : i32
    %c0_i32_1 = arith.constant 0 : i32
    return %c0_i32, %c0_i32_0 : i32, i32
  }
  func.func @transform_4(%arg0: i32) -> (i32, i32) {
    %c0_i32 = arith.constant 0 : i32
    %c0_i32_0 = arith.constant 0 : i32
    %c0_i32_1 = arith.constant 0 : i32
    return %c0_i32, %c0_i32_0 : i32, i32
  }
  func.func @transform_5(%arg0: i32) -> (i32, i32) {
    %c0_i32 = arith.constant 0 : i32
    %c0_i32_0 = arith.constant 0 : i32
    return %c0_i32, %arg0 : i32, i32
  }
}

</mosaic_0001>

<sc_bundles>
// kernel: kernel.10.cloned.1.call-start
scs
__scs_entry_jumppad:
0x0: {  	(pc) =	sbr.rel $0x88, $3  }
0x1: {  	(tag) =	ssettag $0x0;
	lr =	simm.s32 $0x1  }
0x2: {  	[smem:$0x3F9A] =	sst lr;
	_ =	strace $0xD0000000  }
0x3: {  	_ = 	snop  }
0x4: {  	_ = 	snop  }
0x5: {  	_ = 	snop  }
0x6: {  	_ = 	snop  }
0x7: {  	_ = 	snop  }
__scs_overlays_trampoline_lowered:
0x8: {  	[smem:$0x3FA9] =	sst s0  }
0x9: {  	[smem:$0x3FAA] =	sst s1  }
0xa: {  	[smem:$0x3FAB] =	sst s2  }
0xb: {  	[smem:$0x3FAC] =	sst s3  }
0xc: {  	[smem:$0x3FAD] =	sst s4  }
0xd: {  	[smem:$0x3FAE] =	sst s5  }
0xe: {  	[smem:$0x3FAF] =	sst s6  }
0xf: {  	[smem:$0x3FB0] =	sst s7  }
0x10: {  	[smem:$0x3FB1] =	sst s8  }
0x11: {  	[smem:$0x3FB2] =	sst s9;
	s0 =	simm.s32 @!p0 $0x0  }
0x12: {  	s1 =	sld [smem:$0x3F98];
	s0 =	simm.s32 @p0 $0x1  }
0x13: {  	[smem:$0x3FB3] =	sst s0;
	s0 =	simm.s32 @!p1 $0x0  }
0x14: {  	s2 =	sld [smem:$0x3F97];
	s0 =	simm.s32 @p1 $0x1  }
0x15: {  	[smem:$0x3FB4] =	sst s0;
	s0 =	simm.s32 @!p2 $0x0  }
0x16: {  	s3 =	sld [smem:$0x3FDB];
	s0 =	simm.s32 @p2 $0x1  }
0x17: {  	s4 =	simm.s32 $0x1BF5;
	[smem:$0x3FB6] =	sst s0  }
0x18: {  	s0 =	sld [smem:$0x3F99];
	_ =	swait.ge [sflag:s4], $0x0  }
0x19: {  	s7 =	sld [smem:$0x3F9A]  }
0x1a: {  	s8 =	sadd.s32 $0xFFFFE003, lr  }
0x1b: {  	s9 =	sadd.s32 $0xFFFFFEF7, lr;
	s5 =	simm.s32 $0xFFFFFFFF;
	p2 =	slt.u32 s8, $0xFFFFF086  }
0x1c: {  	p1 =	slt.u32 s9, $0xF7A;
	s5 =	simm.s32 @!p2 $0x0  }
0x1d: {  	s5 =	simm.s32 @p1 $0x1;
	p0 =	seq.s32 s7, s2  }
0x1e: {  	s7 =	smul.u32 @!p0 $0xF7A, s2;
	p2 =	seq.s32 @!p0 s5, $0x0  }
0x1f: {  	s9 =	smul.u32 $0xF7A, s1;
	s8 =	simm.s32 @!p0 $0x1BF5;
	p2 =	por !p2, p0  }
0x20: {  	[sflag:s8] =	ssyncset.s32 @!p0 $0xFFFFF086;
	s6 =	sadd.s32 @!p0 s3, s7;
	s7 =	simm.s32 @!p0 $0x108  }
0x21: {  	s3 =	sadd.s32 s3, s9;
	s6 =	sadd.s32 @!p0 $0x88, s6;
	s7 =	simm.s32 @p2 $0x1082  }
0x22: {  	[simem:s7], [sflag:s8] =	dma.local @!p0 [hbm:s6], $0xF7A  }
0x23: {  	s9 =	sor.u32 $0xD0000000, s2;
	s6 =	simm.s32 $0x108;
	_ =	swait.ge @!p0 [sflag:s8], $0x0  }
0x24: {  	s3 =	sadd.s32 $0x88, s3;
	s6 =	simm.s32 @!p1 $0x1082;
	[sflag:s4] =	ssyncset.s32 $0xFFFFF086  }
0x25: {  	[simem:s6], [sflag:s4] =	dma.local [hbm:s3], $0xF7A  }
0x26: {  	[smem:$0x3F9A] =	sst s1;
	(tag) =	ssettag s2;
	_ =	strace s9  }
0x27: {  	s1 =	sld [smem:$0x3FAA]  }
0x28: {  	s2 =	sld [smem:$0x3FAB]  }
0x29: {  	s4 =	sld [smem:$0x3FAD]  }
0x2a: {  	p0 =	seq.s32 s5, $0x0;
	s5 =	sld [smem:$0x3FAE]  }
0x2b: {  	s6 =	sld [smem:$0x3FAF]  }
0x2c: {  	s7 =	sld [smem:$0x3FB0]  }
0x2d: {  	s3 =	simm.s32 $0x108;
	s8 =	sld [smem:$0x3FB1]  }
0x2e: {  	s3 =	simm.s32 @!p0 $0x1082;
	s9 =	sld [smem:$0x3FB2]  }
0x2f: {  	lr =	sadd.s32 s0, s3;
	s0 =	sld [smem:$0x3FA9]  }
0x30: {  	s3 =	sld [smem:$0x3FAC]  }
0x31: {  	[smem:$0x3FB5] =	sst s10  }
0x32: {  	s10 =	sld [smem:$0x3FB3];
	_ =	sdelay $0x3  }
0x33: {  	p0 =	seq.s32 s10, $0x1;
	s10 =	sld [smem:$0x3FB5];
	_ =	sdelay $0x3  }
0x34: {  	[smem:$0x3FB5] =	sst s10  }
0x35: {  	s10 =	sld [smem:$0x3FB4];
	_ =	sdelay $0x3  }
0x36: {  	p1 =	seq.s32 s10, $0x1;
	s10 =	sld [smem:$0x3FB5];
	_ =	sdelay $0x3  }
0x37: {  	[smem:$0x3FB5] =	sst s10  }
0x38: {  	s10 =	sld [smem:$0x3FB6]  }
0x39: {  	_ = 	snop;
	(pc) =	sbr.ind lr, $3  }
0x3a: {  	_ = 	snop  }
0x3b: {  	_ = 	snop  }
0x3c: {  	p2 =	seq.s32 s10, $0x1;
	s10 =	sld [smem:$0x3FB5]  }
0x3d: {  	_ =	shalt  }
0x3e: {  	_ =	shalt  }
0x3f: {  	_ =	shalt  }
0x40: {  	_ =	shalt  }
0x41: {  	_ =	shalt  }
0x42: {  	_ =	shalt  }
0x43: {  	_ =	shalt  }
0x44: {  	_ =	shalt  }
0x45: {  	_ =	shalt  }
0x46: {  	_ =	shalt  }
0x47: {  	_ =	shalt  }
0x48: {  	_ =	shalt  }
0x49: {  	_ =	shalt  }
0x4a: {  	_ =	shalt  }
0x4b: {  	_ =	shalt  }
0x4c: {  	_ =	shalt  }
0x4d: {  	_ =	shalt  }
0x4e: {  	_ =	shalt  }
0x4f: {  	_ =	shalt  }
0x50: {  	_ =	shalt  }
0x51: {  	_ =	shalt  }
0x52: {  	_ =	shalt  }
0x53: {  	_ =	shalt  }
0x54: {  	_ =	shalt  }
0x55: {  	_ =	shalt  }
0x56: {  	_ =	shalt  }
0x57: {  	_ =	shalt  }
0x58: {  	_ =	shalt  }
0x59: {  	_ =	shalt  }
0x5a: {  	_ =	shalt  }
0x5b: {  	_ =	shalt  }
0x5c: {  	_ =	shalt  }
0x5d: {  	_ =	shalt  }
0x5e: {  	_ =	shalt  }
0x5f: {  	_ =	shalt  }
0x60: {  	_ =	shalt  }
0x61: {  	_ =	shalt  }
0x62: {  	_ =	shalt  }
0x63: {  	_ =	shalt  }
0x64: {  	_ =	shalt  }
0x65: {  	_ =	shalt  }
0x66: {  	_ =	shalt  }
0x67: {  	_ =	shalt  }
0x68: {  	_ =	shalt  }
0x69: {  	_ =	shalt  }
0x6a: {  	_ =	shalt  }
0x6b: {  	_ =	shalt  }
0x6c: {  	_ =	shalt  }
0x6d: {  	_ =	shalt  }
0x6e: {  	_ =	shalt  }
0x6f: {  	_ =	shalt  }
0x70: {  	_ =	shalt  }
0x71: {  	_ =	shalt  }
0x72: {  	_ =	shalt  }
0x73: {  	_ =	shalt  }
0x74: {  	_ =	shalt  }
0x75: {  	_ =	shalt  }
0x76: {  	_ =	shalt  }
0x77: {  	_ =	shalt  }
0x78: {  	_ =	shalt  }
0x79: {  	_ =	shalt  }
0x7a: {  	_ =	shalt  }
0x7b: {  	_ =	shalt  }
0x7c: {  	_ =	shalt  }
0x7d: {  	_ =	shalt  }
0x7e: {  	_ =	shalt  }
0x7f: {  	_ =	shalt  }
0x80: {  	_ =	shalt  }
0x81: {  	_ =	shalt  }
0x82: {  	_ =	shalt  }
0x83: {  	_ =	shalt  }
0x84: {  	_ =	shalt  }
0x85: {  	_ =	shalt  }
0x86: {  	_ =	shalt  }
0x87: {  	_ =	shalt  }
.Lfunc_end0:
.L_simem_size_0:
called_computation.1_lowered:
.L_overlay_start_0:
0x88: {  	s2 =	sld [smem:$0x3FD9]  }
0x89: {  	s3 =	sld [smem:$0x3FFE];
	_ =	sdelay $0x1  }
0x8a: {  	s1 =	srdreg.scid  }
0x8b: {  	s0 =	sand.u32 $0x1, s1  }
0x8c: {  	s16 =	sshll.u32 s0, $0xA;
	s2 =	sadd.s32 s3, s2  }
0x8d: {  	s2 =	sadd.s32 s2, s16  }
0x8e: {  	[smem:$0x3FC1] =	sst s2  }
0x8f: {  	_ = 	snop  }
0x90: {  	(tm) =	ssettm $0x1  }
0x91: {  	s17 =	sld [smem:$0x3FFB];
	_ =	sdelay $0x3  }
0x92: {  	_ =	strace s17  }
0x93: {  	s2 =	sld [smem:$0x3FFC];
	_ =	sdelay $0x3  }
0x94: {  	_ =	strace s2  }
0x95: {  	s2 =	sld [smem:$0x3FFD];
	_ =	sdelay $0x3  }
0x96: {  	_ =	strace s2  }
0x97: {  	_ =	strace $0x8FFFFFFF  }
0x98: {  	s18 =	sld [smem:$0x3FDB];
	_ =	sdelay $0x1  }
0x99: {  	s19 =	simm.s32 $_scs_section_size  }
0x9a: {  	s4 =	simm.s32 $_size__tile_overlayer_lowered;
	s5 =	simm.s32 $_tile_overlayer_lowered  }
0x9b: {  	s22 =	simm.s32 $0x1BFF;
	s21 =	sshll.u32 s5, $0x1;
	s2 =	sadd.s32 s19, s18  }
0x9c: {  	s6 =	simm.s32 $0x0;
	s20 =	sshll.u32 s4, $0x1;
	s4 =	sadd.s32 s21, s2  }
0x9d: {  	[timem:s6], [sflag:s22] =	dma.local [hbm:s4], s20  }
0x9e: {  	_ =	swait.ge [sflag:s22], s20  }
0x9f: {  	s3 =	ssub.s32 $0x0, s20;
	[sflag:s22] =	ssyncset.done $0x0  }
0xa0: {  	[sflag:s22] =	ssyncadd.s32 s3;
	_ =	sdelay $0x1  }
0xa1: {  	s23 =	simm.s32 $0x1B8B  }
0xa2: {  	_ =	swait.ge [sflag:s23], $0x1  }
0xa3: {  	[sflag:s23] =	ssyncset.done $0x0  }
0xa4: {  	s25 =	simm.s32 $0x1B8E;
	s24 =	sld [smem:$0x3FFE];
	[sflag:s23] =	ssyncadd.s32 $0xFFFFFFFF  }
0xa5: {  	s26 =	simm.s32 $execute0_lowered;
	[smem:$0x3FD2] =	sst s25  }
0xa6: {  	s4 =	sshll.u32 s26, $0x1;
	_ =	strace $0x80000049;
	[dreg:$0x1] =	wrdreg $0xFFFFFFFF  }
0xa7: {  	s28 =	simm.s32 $_size_execute0_lowered;
	s2 =	sadd.s32 s2, s4;
	[dreg:$0x0] =	wrdreg $0x0  }
0xa8: {  	s4 =	sshll.u32 s28, $0x1;
	[dreg:$0x2] =	wrdreg s2  }
0xa9: {  	[dreg:$0x3] =	wrdreg s4  }
0xaa: {  	[dreg:$0x4] =	wrdreg $0xC0  }
0xab: {  	_ =	task [dreg:s6], $0x5FFFF  }
0xac: {  	[dreg:$0x1] =	wrdreg $0xFFFFFFFF  }
0xad: {  	[dreg:$0x0] =	wrdreg $0x60  }
0xae: {  	[dreg:$0x2] =	wrdreg s24  }
0xaf: {  	[dreg:$0x3] =	wrdreg $0x9  }
0xb0: {  	_ =	task.clear_ibuf [dreg:s6], $0x4FFFF;
	_ =	strace $0x90000049  }
0xb1: {  	s29 =	simm.s32 $0x9;
	_ =	strace $0x8000004B  }
0xb2: {  	_ =	swait.ge [sflag:s29], $0x1  }
0xb3: {  	[sflag:s29] =	ssyncadd.s32 $0xFFFFFFFF  }
0xb4: {  	_ =	strace $0x9000004B  }
0xb5: {  	_ =	sfence  }
0xb6: {  	s30 =	sld [smem:$0x0];
	_ =	sdelay $0x2  }
0xb7: {  	s31 =	sshll.u32 s1, $0xD;
	s1 =	sshrl.u32 s1, $0x2  }
0xb8: {  	s3 =	sand.u32 $0x4000, s31;
	s1 =	sadd.s32 s1, s30  }
0xb9: {  	s0 =	sor.u32 s3, s0;
	s1 =	sshll.u32 s1, $0x11  }
0xba: {  	s0 =	sor.u32 s1, s0  }
0xbb: {  	s0 =	sadd.s32 $0x8F2B, s0  }
0xbc: {  	[sflag:s0] =	ssyncadd.remote.s32 $0x1  }
0xbd: {  	_ =	sfence.sel $0xFFFF  }
0xbe: {  	[dreg:$0x0] =	wrdreg $0xFFFFFFFF;
	(pc) =	sbr.abs _section_cstart, $3  }
0xbf: {  	[dreg:$0x1] =	wrdreg $0xFFFFFFFF  }
0xc0: {  	_ =	task.clear_ibuf [dreg:s6], $0x2FFFF;
	_ =	strace $0x9FFFFFFF  }
0xc1: {  	(tm) =	ssettm $0x7FFFFFFF  }
tec
execute0_lowered:
.L_overlay_start_1:
0x0: {  	(tag) =	ssettag $0x1  }
0x1: {  	s0 =	srdreg.scid  }
0x2: {  	s0 =	sand.u32 $0x1, s0  }
0x3: {  	s2 =	stileid.u32;
	s1 =	sshll.u32 s0, $0x4  }
0x4: {  	s1 =	sor.u32 s2, s1  }
0x5: {  	s1 =	smul.u32 $0x140, s1  }
0x6: {  	s3 =	rddreg [dreg:$0x0]  }
0x7: {  	s7 =	simm.s32 $0x1;
	s8 =	simm.s32 $0x2800;
	s1 =	sshrl.u32 s1, $0x3  }
0x8: {  	s9 =	simm.s32 $0x0;
	s2 =	simm.s32 $0x0;
	s5 =	sadd.s32 s1, s3  }
0x9: {  	s0 =	ssub.s32 $0x2, s0;
	[smem:$0x7FF] =	sst s2;
	s15 =	sadd.s32 $0x16200, s5  }
0xa: {  	_ =	strace $0x8000004A;
	s16 =	sadd.s32 $0x16700, s5;
	[dreg:$0x2] =	wrdreg s15  }
0xb: {  	s14 =	sshrl.u32 s0, $0x1;
	s17 =	sadd.s32 $0x16C00, s5;
	[dreg:$0x3] =	wrdreg s16  }
0xc: {  	s6 =	ssub.s32 s0, s14;
	s18 =	sadd.s32 $0x17100, s5;
	[dreg:$0x4] =	wrdreg s17  }
0xd: {  	s6 =	smax.u32 s6, $0x1;
	s19 =	sadd.s32 $0x17600, s5;
	[dreg:$0x5] =	wrdreg s18  }
0xe: {  	s20 =	sadd.s32 $0x17B00, s5;
	s21 =	sadd.s32 $0x18000, s5;
	[dreg:$0x6] =	wrdreg s19  }
0xf: {  	s22 =	sadd.s32 $0x18500, s5;
	s23 =	sadd.s32 $0x18A00, s5;
	[dreg:$0x7] =	wrdreg s20  }
0x10: {  	s24 =	sadd.s32 $0x18F00, s5;
	s25 =	sadd.s32 $0x19400, s5;
	[dreg:$0x8] =	wrdreg s21  }
0x11: {  	s26 =	sadd.s32 $0x19900, s5;
	s28 =	sadd.s32 $0x1DA00, s5;
	[dreg:$0x9] =	wrdreg s22  }
0x12: {  	s29 =	sadd.s32 $0x1DF00, s5;
	s30 =	sadd.s32 $0x1E400, s5;
	[dreg:$0xa] =	wrdreg s23  }
0x13: {  	s31 =	sadd.s32 $0x1E900, s5;
	s1 =	sadd.s32 $0x1EE00, s5;
	[dreg:$0xb] =	wrdreg s24  }
0x14: {  	s0 =	sadd.s32 $0x1F300, s5;
	s3 =	sadd.s32 $0x1F800, s5;
	[dreg:$0xc] =	wrdreg s25  }
0x15: {  	s4 =	sadd.s32 $0x1FD00, s5;
	[dreg:$0xd] =	wrdreg s26;
	s15 =	sadd.s32 $0x19E00, s5  }
0x16: {  	s16 =	sadd.s32 $0x1A300, s5;
	s17 =	sadd.s32 $0x1A800, s5;
	s18 =	sadd.s32 $0x1AD00, s5  }
0x17: {  	s19 =	sadd.s32 $0x1B200, s5;
	s20 =	sadd.s32 $0x1B700, s5;
	s21 =	sadd.s32 $0x1BC00, s5  }
0x18: {  	s22 =	sadd.s32 $0x1C100, s5;
	s23 =	sadd.s32 $0x1C600, s5;
	s24 =	sadd.s32 $0x1CB00, s5  }
0x19: {  	s25 =	sadd.s32 $0x1D000, s5;
	s26 =	sadd.s32 $0x1D500, s5;
	s5 =	sadd.s32 $0x20200, s5  }
.LBB2_1:
0x1a: {  	s10 =	rddreg [dreg:$0x2]  }
0x1b: {  	[tilespmem:s2], [sflag:$0x1] =	stream.linear.gather [hbm4b:s10+s2], $0x140, $0x38;
	[tilespmem:$0x2980] =	vst v63  }
0x1c: {  	_ =	swait.ge [sflag:s7], $0x140  }
0x1d: {  	[sflag:s7] =	ssyncset.done $0x0  }
0x1e: {  	s11 =	simm.s32 $0x140;
	s14 =	rddreg [dreg:$0x3];
	[sflag:s7] =	ssyncadd.s32 $0xFFFFFEC0  }
0x1f: {  	[tilespmem:s11], [sflag:$0x1] =	stream.linear.gather [hbm4b:s14+s2], $0x140, $0x38;
	[tilespmem:$0x2980] =	vst v63  }
0x20: {  	_ =	swait.ge [sflag:s7], $0x140  }
0x21: {  	[sflag:s7] =	ssyncset.done $0x0  }
0x22: {  	s12 =	simm.s32 $0x280;
	s11 =	rddreg [dreg:$0x4];
	[sflag:s7] =	ssyncadd.s32 $0xFFFFFEC0  }
0x23: {  	[tilespmem:s12], [sflag:$0x1] =	stream.linear.gather [hbm4b:s11+s2], $0x140, $0x38;
	[tilespmem:$0x2980] =	vst v63  }
0x24: {  	_ =	swait.ge [sflag:s7], $0x140  }
0x25: {  	[sflag:s7] =	ssyncset.done $0x0  }
0x26: {  	s14 =	simm.s32 $0x3C0;
	s13 =	rddreg [dreg:$0x5];
	[sflag:s7] =	ssyncadd.s32 $0xFFFFFEC0  }
0x27: {  	[tilespmem:s14], [sflag:$0x1] =	stream.linear.gather [hbm4b:s13+s2], $0x140, $0x38;
	[tilespmem:$0x2980] =	vst v63  }
0x28: {  	_ =	swait.ge [sflag:s7], $0x140  }
0x29: {  	[sflag:s7] =	ssyncset.done $0x0  }
0x2a: {  	s12 =	simm.s32 $0x500;
	s11 =	rddreg [dreg:$0x6];
	[sflag:s7] =	ssyncadd.s32 $0xFFFFFEC0  }
0x2b: {  	[tilespmem:s12], [sflag:$0x1] =	stream.linear.gather [hbm4b:s11+s2], $0x140, $0x38;
	[tilespmem:$0x2980] =	vst v63  }
0x2c: {  	_ =	swait.ge [sflag:s7], $0x140  }
0x2d: {  	[sflag:s7] =	ssyncset.done $0x0  }
0x2e: {  	s14 =	simm.s32 $0x640;
	s13 =	rddreg [dreg:$0x7];
	[sflag:s7] =	ssyncadd.s32 $0xFFFFFEC0  }
0x2f: {  	[tilespmem:s14], [sflag:$0x1] =	stream.linear.gather [hbm4b:s13+s2], $0x140, $0x38;
	[tilespmem:$0x2980] =	vst v63  }
0x30: {  	_ =	swait.ge [sflag:s7], $0x140  }
0x31: {  	[sflag:s7] =	ssyncset.done $0x0  }
0x32: {  	s12 =	simm.s32 $0x780;
	s11 =	rddreg [dreg:$0x8];
	[sflag:s7] =	ssyncadd.s32 $0xFFFFFEC0  }
0x33: {  	[tilespmem:s12], [sflag:$0x1] =	stream.linear.gather [hbm4b:s11+s2], $0x140, $0x38;
	[tilespmem:$0x2980] =	vst v63  }
0x34: {  	_ =	swait.ge [sflag:s7], $0x140  }
0x35: {  	[sflag:s7] =	ssyncset.done $0x0  }
0x36: {  	s14 =	simm.s32 $0x8C0;
	s13 =	rddreg [dreg:$0x9];
	[sflag:s7] =	ssyncadd.s32 $0xFFFFFEC0  }
0x37: {  	[tilespmem:s14], [sflag:$0x1] =	stream.linear.gather [hbm4b:s13+s2], $0x140, $0x38;
	[tilespmem:$0x2980] =	vst v63  }
0x38: {  	_ =	swait.ge [sflag:s7], $0x140  }
0x39: {  	[sflag:s7] =	ssyncset.done $0x0  }
0x3a: {  	s12 =	simm.s32 $0xA00;
	s11 =	rddreg [dreg:$0xa];
	[sflag:s7] =	ssyncadd.s32 $0xFFFFFEC0  }
0x3b: {  	[tilespmem:s12], [sflag:$0x1] =	stream.linear.gather [hbm4b:s11+s2], $0x140, $0x38;
	[tilespmem:$0x2980] =	vst v63  }
0x3c: {  	_ =	swait.ge [sflag:s7], $0x140  }
0x3d: {  	[sflag:s7] =	ssyncset.done $0x0  }
0x3e: {  	s14 =	simm.s32 $0xB40;
	s13 =	rddreg [dreg:$0xb];
	[sflag:s7] =	ssyncadd.s32 $0xFFFFFEC0  }
0x3f: {  	[tilespmem:s14], [sflag:$0x1] =	stream.linear.gather [hbm4b:s13+s2], $0x140, $0x38;
	[tilespmem:$0x2980] =	vst v63  }
0x40: {  	_ =	swait.ge [sflag:s7], $0x140  }
0x41: {  	[sflag:s7] =	ssyncset.done $0x0  }
0x42: {  	s12 =	simm.s32 $0xC80;
	s11 =	rddreg [dreg:$0xc];
	[sflag:s7] =	ssyncadd.s32 $0xFFFFFEC0  }
0x43: {  	[tilespmem:s12], [sflag:$0x1] =	stream.linear.gather [hbm4b:s11+s2], $0x140, $0x38;
	[tilespmem:$0x2980] =	vst v63  }
0x44: {  	_ =	swait.ge [sflag:s7], $0x140  }
0x45: {  	[sflag:s7] =	ssyncset.done $0x0  }
0x46: {  	s14 =	simm.s32 $0xDC0;
	s13 =	rddreg [dreg:$0xd];
	[sflag:s7] =	ssyncadd.s32 $0xFFFFFEC0  }
0x47: {  	[tilespmem:s14], [sflag:$0x1] =	stream.linear.gather [hbm4b:s13+s2], $0x140, $0x38;
	[tilespmem:$0x2980] =	vst v63  }
0x48: {  	_ =	swait.ge [sflag:s7], $0x140  }
0x49: {  	[sflag:s7] =	ssyncset.done $0x0  }
0x4a: {  	s11 =	simm.s32 $0xF00;
	[sflag:s7] =	ssyncadd.s32 $0xFFFFFEC0  }
0x4b: {  	[tilespmem:s11], [sflag:$0x1] =	stream.linear.gather [hbm4b:s15+s2], $0x140, $0x38;
	[tilespmem:$0x2980] =	vst v63  }
0x4c: {  	_ =	swait.ge [sflag:s7], $0x140  }
0x4d: {  	[sflag:s7] =	ssyncset.done $0x0  }
0x4e: {  	s12 =	simm.s32 $0x1040;
	[sflag:s7] =	ssyncadd.s32 $0xFFFFFEC0  }
0x4f: {  	[tilespmem:s12], [sflag:$0x1] =	stream.linear.gather [hbm4b:s16+s2], $0x140, $0x38;
	[tilespmem:$0x2980] =	vst v63  }
0x50: {  	_ =	swait.ge [sflag:s7], $0x140  }
0x51: {  	[sflag:s7] =	ssyncset.done $0x0  }
0x52: {  	s13 =	simm.s32 $0x1180;
	[sflag:s7] =	ssyncadd.s32 $0xFFFFFEC0  }
0x53: {  	[tilespmem:s13], [sflag:$0x1] =	stream.linear.gather [hbm4b:s17+s2], $0x140, $0x38;
	[tilespmem:$0x2980] =	vst v63  }
0x54: {  	_ =	swait.ge [sflag:s7], $0x140  }
0x55: {  	[sflag:s7] =	ssyncset.done $0x0  }
0x56: {  	s14 =	simm.s32 $0x12C0;
	[sflag:s7] =	ssyncadd.s32 $0xFFFFFEC0  }
0x57: {  	[tilespmem:s14], [sflag:$0x1] =	stream.linear.gather [hbm4b:s18+s2], $0x140, $0x38;
	[tilespmem:$0x2980] =	vst v63  }
0x58: {  	_ =	swait.ge [sflag:s7], $0x140  }
0x59: {  	[sflag:s7] =	ssyncset.done $0x0  }
0x5a: {  	s11 =	simm.s32 $0x1400;
	[sflag:s7] =	ssyncadd.s32 $0xFFFFFEC0  }
0x5b: {  	[tilespmem:s11], [sflag:$0x1] =	stream.linear.gather [hbm4b:s19+s2], $0x140, $0x38;
	[tilespmem:$0x2980] =	vst v63  }
0x5c: {  	_ =	swait.ge [sflag:s7], $0x140  }
0x5d: {  	[sflag:s7] =	ssyncset.done $0x0  }
0x5e: {  	s10 =	simm.s32 $0x1540;
	[sflag:s7] =	ssyncadd.s32 $0xFFFFFEC0  }
0x5f: {  	[tilespmem:s10], [sflag:$0x1] =	stream.linear.gather [hbm4b:s20+s2], $0x140, $0x38;
	[tilespmem:$0x2980] =	vst v63  }
0x60: {  	_ =	swait.ge [sflag:s7], $0x140  }
0x61: {  	[sflag:s7] =	ssyncset.done $0x0  }
0x62: {  	s12 =	simm.s32 $0x1680;
	[sflag:s7] =	ssyncadd.s32 $0xFFFFFEC0  }
0x63: {  	[tilespmem:s12], [sflag:$0x1] =	stream.linear.gather [hbm4b:s21+s2], $0x140, $0x38;
	[tilespmem:$0x2980] =	vst v63  }
0x64: {  	_ =	swait.ge [sflag:s7], $0x140  }
0x65: {  	[sflag:s7] =	ssyncset.done $0x0  }
0x66: {  	s13 =	simm.s32 $0x17C0;
	[sflag:s7] =	ssyncadd.s32 $0xFFFFFEC0  }
0x67: {  	[tilespmem:s13], [sflag:$0x1] =	stream.linear.gather [hbm4b:s22+s2], $0x140, $0x38;
	[tilespmem:$0x2980] =	vst v63  }
0x68: {  	_ =	swait.ge [sflag:s7], $0x140  }
0x69: {  	[sflag:s7] =	ssyncset.done $0x0  }
0x6a: {  	s14 =	simm.s32 $0x1900;
	[sflag:s7] =	ssyncadd.s32 $0xFFFFFEC0  }
0x6b: {  	[tilespmem:s14], [sflag:$0x1] =	stream.linear.gather [hbm4b:s23+s2], $0x140, $0x38;
	[tilespmem:$0x2980] =	vst v63  }
0x6c: {  	_ =	swait.ge [sflag:s7], $0x140  }
0x6d: {  	[sflag:s7] =	ssyncset.done $0x0  }
0x6e: {  	s12 =	simm.s32 $0x1A40;
	[sflag:s7] =	ssyncadd.s32 $0xFFFFFEC0  }
0x6f: {  	[tilespmem:s12], [sflag:$0x1] =	stream.linear.gather [hbm4b:s24+s2], $0x140, $0x38;
	[tilespmem:$0x2980] =	vst v63  }
0x70: {  	_ =	swait.ge [sflag:s7], $0x140  }
0x71: {  	[sflag:s7] =	ssyncset.done $0x0  }
0x72: {  	s13 =	simm.s32 $0x1B80;
	[sflag:s7] =	ssyncadd.s32 $0xFFFFFEC0  }
0x73: {  	[tilespmem:s13], [sflag:$0x1] =	stream.linear.gather [hbm4b:s25+s2], $0x140, $0x38;
	[tilespmem:$0x2980] =	vst v63  }
0x74: {  	_ =	swait.ge [sflag:s7], $0x140  }
0x75: {  	[sflag:s7] =	ssyncset.done $0x0  }
0x76: {  	s14 =	simm.s32 $0x1CC0;
	[sflag:s7] =	ssyncadd.s32 $0xFFFFFEC0  }
0x77: {  	[tilespmem:s14], [sflag:$0x1] =	stream.linear.gather [hbm4b:s26+s2], $0x140, $0x38;
	[tilespmem:$0x2980] =	vst v63  }
0x78: {  	_ =	swait.ge [sflag:s7], $0x140  }
0x79: {  	[sflag:s7] =	ssyncset.done $0x0  }
0x7a: {  	s12 =	simm.s32 $0x1E00;
	[sflag:s7] =	ssyncadd.s32 $0xFFFFFEC0  }
0x7b: {  	[tilespmem:s12], [sflag:$0x1] =	stream.linear.gather [hbm4b:s28+s2], $0x140, $0x38;
	[tilespmem:$0x2980] =	vst v63  }
0x7c: {  	_ =	swait.ge [sflag:s7], $0x140  }
0x7d: {  	[sflag:s7] =	ssyncset.done $0x0  }
0x7e: {  	s13 =	simm.s32 $0x1F40;
	[sflag:s7] =	ssyncadd.s32 $0xFFFFFEC0  }
0x7f: {  	[tilespmem:s13], [sflag:$0x1] =	stream.linear.gather [hbm4b:s29+s2], $0x140, $0x38;
	[tilespmem:$0x2980] =	vst v63  }
0x80: {  	_ =	swait.ge [sflag:s7], $0x140  }
0x81: {  	[sflag:s7] =	ssyncset.done $0x0  }
0x82: {  	s14 =	simm.s32 $0x2080;
	[sflag:s7] =	ssyncadd.s32 $0xFFFFFEC0  }
0x83: {  	[tilespmem:s14], [sflag:$0x1] =	stream.linear.gather [hbm4b:s30+s2], $0x140, $0x38;
	[tilespmem:$0x2980] =	vst v63  }
0x84: {  	_ =	swait.ge [sflag:s7], $0x140  }
0x85: {  	[sflag:s7] =	ssyncset.done $0x0  }
0x86: {  	s12 =	simm.s32 $0x21C0;
	[sflag:s7] =	ssyncadd.s32 $0xFFFFFEC0  }
0x87: {  	[tilespmem:s12], [sflag:$0x1] =	stream.linear.gather [hbm4b:s31+s2], $0x140, $0x38;
	[tilespmem:$0x2980] =	vst v63  }
0x88: {  	_ =	swait.ge [sflag:s7], $0x140  }
0x89: {  	[sflag:s7] =	ssyncset.done $0x0  }
0x8a: {  	s13 =	simm.s32 $0x2300;
	[sflag:s7] =	ssyncadd.s32 $0xFFFFFEC0  }
0x8b: {  	[tilespmem:s13], [sflag:$0x1] =	stream.linear.gather [hbm4b:s1+s2], $0x140, $0x38;
	[tilespmem:$0x2980] =	vst v63  }
0x8c: {  	_ =	swait.ge [sflag:s7], $0x140  }
0x8d: {  	[sflag:s7] =	ssyncset.done $0x0  }
0x8e: {  	s14 =	simm.s32 $0x2440;
	[sflag:s7] =	ssyncadd.s32 $0xFFFFFEC0  }
0x8f: {  	[tilespmem:s14], [sflag:$0x1] =	stream.linear.gather [hbm4b:s0+s2], $0x140, $0x38;
	[tilespmem:$0x2980] =	vst v63  }
0x90: {  	_ =	swait.ge [sflag:s7], $0x140  }
0x91: {  	[sflag:s7] =	ssyncset.done $0x0  }
0x92: {  	s12 =	simm.s32 $0x2580;
	[sflag:s7] =	ssyncadd.s32 $0xFFFFFEC0  }
0x93: {  	[tilespmem:s12], [sflag:$0x1] =	stream.linear.gather [hbm4b:s3+s2], $0x140, $0x38;
	[tilespmem:$0x2980] =	vst v63  }
0x94: {  	_ =	swait.ge [sflag:s7], $0x140  }
0x95: {  	[sflag:s7] =	ssyncset.done $0x0  }
0x96: {  	s13 =	simm.s32 $0x26C0;
	[sflag:s7] =	ssyncadd.s32 $0xFFFFFEC0  }
0x97: {  	[tilespmem:s13], [sflag:$0x1] =	stream.linear.gather [hbm4b:s4+s2], $0x140, $0x38;
	[tilespmem:$0x2980] =	vst v63  }
0x98: {  	_ =	swait.ge [sflag:s7], $0x140  }
0x99: {  	[sflag:s7] =	ssyncset.done $0x0  }
0x9a: {  	[sflag:s7] =	ssyncadd.s32 $0xFFFFFEC0  }
0x9b: {  	v0 =	vld [tilespmem:s10+$0xFFFFEC00]  }
0x9c: {  	v1 =	vld [tilespmem:s10+$0xFFFFEAC0]  }
0x9d: {  	s14 =	sand.u32 $0x1F0, s2  }
0x9e: {  	v2 =	vld [tilespmem:s14+$0x280];
	_ =	sdelay $0x1  }
0x9f: {  	v3 =	vld [tilespmem:s10+$0xFFFFEE80]  }
0xa0: {  	v0 =	vadd.f32 v0, v1  }
0xa1: {  	v1 =	vld [tilespmem:s14+$0x500]  }
0xa2: {  	v0 =	vadd.f32 v2, v0  }
0xa3: {  	v2 =	vld [tilespmem:s10+$0xFFFFF100]  }
0xa4: {  	v0 =	vadd.f32 v3, v0  }
0xa5: {  	v3 =	vld [tilespmem:s14+$0x780]  }
0xa6: {  	v0 =	vadd.f32 v1, v0  }
0xa7: {  	v1 =	vld [tilespmem:s10+$0xFFFFF380]  }
0xa8: {  	v0 =	vadd.f32 v2, v0  }
0xa9: {  	v2 =	vld [tilespmem:s14+$0xA00]  }
0xaa: {  	v0 =	vadd.f32 v3, v0  }
0xab: {  	v3 =	vld [tilespmem:s10+$0xFFFFF600]  }
0xac: {  	v0 =	vadd.f32 v1, v0  }
0xad: {  	v1 =	vld [tilespmem:s14+$0xC80]  }
0xae: {  	v0 =	vadd.f32 v2, v0  }
0xaf: {  	v2 =	vld [tilespmem:s10+$0xFFFFF880]  }
0xb0: {  	v0 =	vadd.f32 v3, v0  }
0xb1: {  	v3 =	vld [tilespmem:s14+$0xF00]  }
0xb2: {  	v0 =	vadd.f32 v1, v0  }
0xb3: {  	v1 =	vld [tilespmem:s10+$0xFFFFFB00]  }
0xb4: {  	v0 =	vadd.f32 v2, v0  }
0xb5: {  	v2 =	vld [tilespmem:s14+$0x1180]  }
0xb6: {  	v0 =	vadd.f32 v3, v0  }
0xb7: {  	v3 =	vld [tilespmem:s10+$0xFFFFFD80]  }
0xb8: {  	v0 =	vadd.f32 v1, v0  }
0xb9: {  	v1 =	vld [tilespmem:s14+$0x1400]  }
0xba: {  	v0 =	vadd.f32 v2, v0  }
0xbb: {  	v2 =	vld [tilespmem:s10+$0x0]  }
0xbc: {  	v0 =	vadd.f32 v3, v0  }
0xbd: {  	v3 =	vld [tilespmem:s14+$0x1680]  }
0xbe: {  	v0 =	vadd.f32 v1, v0  }
0xbf: {  	v1 =	vld [tilespmem:s10+$0x280]  }
0xc0: {  	v0 =	vadd.f32 v2, v0  }
0xc1: {  	v2 =	vld [tilespmem:s14+$0x1900]  }
0xc2: {  	v0 =	vadd.f32 v3, v0  }
0xc3: {  	v3 =	vld [tilespmem:s10+$0x500]  }
0xc4: {  	v0 =	vadd.f32 v1, v0  }
0xc5: {  	v1 =	vld [tilespmem:s14+$0x1B80]  }
0xc6: {  	v0 =	vadd.f32 v2, v0  }
0xc7: {  	v2 =	vld [tilespmem:s10+$0x780]  }
0xc8: {  	v0 =	vadd.f32 v3, v0  }
0xc9: {  	v3 =	vld [tilespmem:s14+$0x1E00]  }
0xca: {  	v0 =	vadd.f32 v1, v0  }
0xcb: {  	v1 =	vld [tilespmem:s10+$0xA00]  }
0xcc: {  	v0 =	vadd.f32 v2, v0  }
0xcd: {  	v2 =	vld [tilespmem:s14+$0x2080]  }
0xce: {  	v0 =	vadd.f32 v3, v0  }
0xcf: {  	v3 =	vld [tilespmem:s10+$0xC80]  }
0xd0: {  	v0 =	vadd.f32 v1, v0  }
0xd1: {  	v1 =	vld [tilespmem:s14+$0x2300]  }
0xd2: {  	v0 =	vadd.f32 v2, v0  }
0xd3: {  	v2 =	vld [tilespmem:s10+$0xF00]  }
0xd4: {  	v0 =	vadd.f32 v3, v0  }
0xd5: {  	v3 =	vld [tilespmem:s14+$0x2580]  }
0xd6: {  	v0 =	vadd.f32 v1, v0  }
0xd7: {  	v1 =	vld [tilespmem:s10+$0x1180]  }
0xd8: {  	v0 =	vadd.f32 v2, v0;
	_ =	sdelay $0x1  }
0xd9: {  	v0 =	vadd.f32 v3, v0;
	_ =	sdelay $0x1  }
0xda: {  	v0 =	vadd.f32 v1, v0;
	_ =	sdelay $0x1  }
0xdb: {  	v1 =	vshra.s32 v0, $0x1;
	v2 =	vmul.f32 $5.000000000e-01, v0  }
0xdc: {  	v1 =	vsub.s32 $0x5F3759DF, v1  }
0xdd: {  	v3 =	vmul.f32 v1, v2;
	_ =	sdelay $0x1  }
0xde: {  	v3 =	vmul.f32 v1, v3;
	_ =	sdelay $0x1  }
0xdf: {  	v3 =	vsub.f32 $1.500000000e+00, v3;
	_ =	sdelay $0x1  }
0xe0: {  	v1 =	vmul.f32 v1, v3;
	_ =	sdelay $0x1  }
0xe1: {  	v3 =	vmul.f32 v1, v2;
	_ =	sdelay $0x1  }
0xe2: {  	v3 =	vmul.f32 v3, v1;
	_ =	sdelay $0x1  }
0xe3: {  	v3 =	vsub.f32 $1.500000000e+00, v3;
	_ =	sdelay $0x1  }
0xe4: {  	v1 =	vmul.f32 v3, v1;
	_ =	sdelay $0x1  }
0xe5: {  	v2 =	vmul.f32 v1, v2;
	_ =	sdelay $0x1  }
0xe6: {  	v2 =	vmul.f32 v2, v1;
	_ =	sdelay $0x1  }
0xe7: {  	v2 =	vsub.f32 $1.500000000e+00, v2;
	_ =	sdelay $0x1  }
0xe8: {  	v1 =	vmul.f32 v2, v1  }
0xe9: {  	vm0 =	vgt.f32 v0, $0.0e+00  }
0xea: {  	v0 =	vnsel vm0, $0x0, v1  }
0xeb: {  	s11 =	simm.s32 $0x1550;
	[tilespmem:s8+$0x0] =	vst v0  }
0xec: {  	v0 =	vld [tilespmem:s11+$0xFFFFEC00]  }
0xed: {  	s12 =	simm.s32 $0x10;
	s13 =	simm.s32 $0x20;
	s10 =	simm.s32 $0x2800;
	v1 =	vld [tilespmem:s11+$0xFFFFEAC0]  }
.LBB2_2:
0xee: {  	p0 =	sne.s32 s13, $0x130;
	s14 =	sand.u32 $0x1F0, s12;
	s12 =	smov.u32 s13  }
0xef: {  	v2 =	vld [tilespmem:s14+$0x280];
	_ =	sdelay $0x1  }
0xf0: {  	v3 =	vld [tilespmem:s11+$0xFFFFEE80]  }
0xf1: {  	v0 =	vadd.f32 v0, v1  }
0xf2: {  	v1 =	vld [tilespmem:s14+$0x500]  }
0xf3: {  	v0 =	vadd.f32 v2, v0  }
0xf4: {  	v2 =	vld [tilespmem:s11+$0xFFFFF100]  }
0xf5: {  	v0 =	vadd.f32 v3, v0  }
0xf6: {  	v3 =	vld [tilespmem:s14+$0x780]  }
0xf7: {  	v0 =	vadd.f32 v1, v0  }
0xf8: {  	v1 =	vld [tilespmem:s11+$0xFFFFF380]  }
0xf9: {  	v0 =	vadd.f32 v2, v0  }
0xfa: {  	v2 =	vld [tilespmem:s14+$0xA00]  }
0xfb: {  	v0 =	vadd.f32 v3, v0  }
0xfc: {  	v3 =	vld [tilespmem:s11+$0xFFFFF600]  }
0xfd: {  	v0 =	vadd.f32 v1, v0  }
0xfe: {  	v1 =	vld [tilespmem:s14+$0xC80]  }
0xff: {  	v0 =	vadd.f32 v2, v0  }
0x100: {  	v2 =	vld [tilespmem:s11+$0xFFFFF880]  }
0x101: {  	v0 =	vadd.f32 v3, v0  }
0x102: {  	v3 =	vld [tilespmem:s14+$0xF00]  }
0x103: {  	v0 =	vadd.f32 v1, v0  }
0x104: {  	v1 =	vld [tilespmem:s11+$0xFFFFFB00]  }
0x105: {  	v0 =	vadd.f32 v2, v0  }
0x106: {  	v2 =	vld [tilespmem:s14+$0x1180]  }
0x107: {  	v0 =	vadd.f32 v3, v0  }
0x108: {  	v3 =	vld [tilespmem:s11+$0xFFFFFD80]  }
0x109: {  	v0 =	vadd.f32 v1, v0  }
0x10a: {  	v1 =	vld [tilespmem:s14+$0x1400]  }
0x10b: {  	v0 =	vadd.f32 v2, v0  }
0x10c: {  	v2 =	vld [tilespmem:s11+$0x0]  }
0x10d: {  	v0 =	vadd.f32 v3, v0  }
0x10e: {  	v3 =	vld [tilespmem:s14+$0x1680]  }
0x10f: {  	v0 =	vadd.f32 v1, v0  }
0x110: {  	v1 =	vld [tilespmem:s11+$0x280]  }
0x111: {  	v0 =	vadd.f32 v2, v0  }
0x112: {  	v2 =	vld [tilespmem:s14+$0x1900]  }
0x113: {  	v0 =	vadd.f32 v3, v0  }
0x114: {  	v3 =	vld [tilespmem:s11+$0x500]  }
0x115: {  	v0 =	vadd.f32 v1, v0  }
0x116: {  	v1 =	vld [tilespmem:s14+$0x1B80]  }
0x117: {  	v0 =	vadd.f32 v2, v0  }
0x118: {  	v2 =	vld [tilespmem:s11+$0x780]  }
0x119: {  	v0 =	vadd.f32 v3, v0  }
0x11a: {  	v3 =	vld [tilespmem:s14+$0x1E00]  }
0x11b: {  	v0 =	vadd.f32 v1, v0  }
0x11c: {  	v1 =	vld [tilespmem:s11+$0xA00]  }
0x11d: {  	v0 =	vadd.f32 v2, v0  }
0x11e: {  	v2 =	vld [tilespmem:s14+$0x2080]  }
0x11f: {  	v0 =	vadd.f32 v3, v0  }
0x120: {  	v3 =	vld [tilespmem:s11+$0xC80]  }
0x121: {  	v0 =	vadd.f32 v1, v0  }
0x122: {  	v1 =	vld [tilespmem:s14+$0x2300]  }
0x123: {  	v0 =	vadd.f32 v2, v0  }
0x124: {  	v2 =	vld [tilespmem:s11+$0xF00]  }
0x125: {  	v0 =	vadd.f32 v3, v0  }
0x126: {  	v3 =	vld [tilespmem:s14+$0x2580]  }
0x127: {  	v0 =	vadd.f32 v1, v0  }
0x128: {  	v1 =	vld [tilespmem:s11+$0x1180]  }
0x129: {  	v0 =	vadd.f32 v2, v0;
	_ =	sdelay $0x1  }
0x12a: {  	v0 =	vadd.f32 v3, v0;
	_ =	sdelay $0x1  }
0x12b: {  	v0 =	vadd.f32 v1, v0;
	_ =	sdelay $0x1  }
0x12c: {  	v1 =	vshra.s32 v0, $0x1;
	v2 =	vmul.f32 $5.000000000e-01, v0  }
0x12d: {  	v1 =	vsub.s32 $0x5F3759DF, v1  }
0x12e: {  	v3 =	vmul.f32 v1, v2;
	_ =	sdelay $0x1  }
0x12f: {  	v3 =	vmul.f32 v1, v3;
	_ =	sdelay $0x1  }
0x130: {  	v3 =	vsub.f32 $1.500000000e+00, v3;
	_ =	sdelay $0x1  }
0x131: {  	v1 =	vmul.f32 v1, v3;
	_ =	sdelay $0x1  }
0x132: {  	v3 =	vmul.f32 v1, v2;
	_ =	sdelay $0x1  }
0x133: {  	v3 =	vmul.f32 v3, v1;
	_ =	sdelay $0x1  }
0x134: {  	v3 =	vsub.f32 $1.500000000e+00, v3;
	_ =	sdelay $0x1  }
0x135: {  	v1 =	vmul.f32 v3, v1;
	_ =	sdelay $0x1  }
0x136: {  	v2 =	vmul.f32 v1, v2;
	_ =	sdelay $0x1  }
0x137: {  	v2 =	vmul.f32 v2, v1;
	_ =	sdelay $0x1  }
0x138: {  	v2 =	vsub.f32 $1.500000000e+00, v2;
	_ =	sdelay $0x1  }
0x139: {  	v1 =	vmul.f32 v2, v1  }
.Ltmp0:
0x13a: {  	vm0 =	vgt.f32 v0, $0.0e+00;
	(pc) =	sbr.rel @p0 .LBB2_2-.Ltmp0, $4  }
0x13b: {  	s10 =	sadd.s32 $0x10, s10;
	v0 =	vnsel vm0, $0x0, v1  }
0x13c: {  	s11 =	sadd.s32 $0x10, s11;
	[tilespmem:s10+$0x0] =	vst v0  }
0x13d: {  	v0 =	vld [tilespmem:s11+$0xFFFFEC00]  }
0x13e: {  	s13 =	sadd.s32 $0x10, s13;
	v1 =	vld [tilespmem:s11+$0xFFFFEAC0]  }
0x13f: {  	s12 =	sand.u32 $0x1F0, s12  }
0x140: {  	v2 =	vld [tilespmem:s12+$0x280];
	_ =	sdelay $0x1  }
0x141: {  	v3 =	vld [tilespmem:s11+$0xFFFFEE80]  }
0x142: {  	v0 =	vadd.f32 v0, v1  }
0x143: {  	v34 =	vld [tilespmem:s12+$0x500]  }
0x144: {  	v0 =	vadd.f32 v2, v0  }
0x145: {  	v35 =	vld [tilespmem:s11+$0xFFFFF100]  }
0x146: {  	v0 =	vadd.f32 v3, v0  }
0x147: {  	v36 =	vld [tilespmem:s12+$0x780]  }
0x148: {  	v0 =	vadd.f32 v34, v0  }
0x149: {  	v37 =	vld [tilespmem:s11+$0xFFFFF380]  }
0x14a: {  	v0 =	vadd.f32 v35, v0  }
0x14b: {  	v38 =	vld [tilespmem:s12+$0xA00]  }
0x14c: {  	v0 =	vadd.f32 v36, v0  }
0x14d: {  	v39 =	vld [tilespmem:s11+$0xFFFFF600]  }
0x14e: {  	v0 =	vadd.f32 v37, v0  }
0x14f: {  	v40 =	vld [tilespmem:s12+$0xC80]  }
0x150: {  	v0 =	vadd.f32 v38, v0  }
0x151: {  	v41 =	vld [tilespmem:s11+$0xFFFFF880]  }
0x152: {  	v0 =	vadd.f32 v39, v0  }
0x153: {  	v42 =	vld [tilespmem:s12+$0xF00]  }
0x154: {  	v0 =	vadd.f32 v40, v0  }
0x155: {  	v43 =	vld [tilespmem:s11+$0xFFFFFB00]  }
0x156: {  	v0 =	vadd.f32 v41, v0  }
0x157: {  	v44 =	vld [tilespmem:s12+$0x1180]  }
0x158: {  	v0 =	vadd.f32 v42, v0  }
0x159: {  	v45 =	vld [tilespmem:s11+$0xFFFFFD80]  }
0x15a: {  	v0 =	vadd.f32 v43, v0  }
0x15b: {  	v46 =	vld [tilespmem:s12+$0x1400]  }
0x15c: {  	v0 =	vadd.f32 v44, v0  }
0x15d: {  	v47 =	vld [tilespmem:s11+$0x0]  }
0x15e: {  	v0 =	vadd.f32 v45, v0  }
0x15f: {  	v48 =	vld [tilespmem:s12+$0x1680]  }
0x160: {  	v0 =	vadd.f32 v46, v0  }
0x161: {  	v49 =	vld [tilespmem:s11+$0x280]  }
0x162: {  	v0 =	vadd.f32 v47, v0  }
0x163: {  	v50 =	vld [tilespmem:s12+$0x1900]  }
0x164: {  	v0 =	vadd.f32 v48, v0  }
0x165: {  	v51 =	vld [tilespmem:s11+$0x500]  }
0x166: {  	v0 =	vadd.f32 v49, v0  }
0x167: {  	v52 =	vld [tilespmem:s12+$0x1B80]  }
0x168: {  	v0 =	vadd.f32 v50, v0  }
0x169: {  	v53 =	vld [tilespmem:s11+$0x780]  }
0x16a: {  	v0 =	vadd.f32 v51, v0  }
0x16b: {  	v54 =	vld [tilespmem:s12+$0x1E00]  }
0x16c: {  	v0 =	vadd.f32 v52, v0  }
0x16d: {  	v55 =	vld [tilespmem:s11+$0xA00]  }
0x16e: {  	v0 =	vadd.f32 v53, v0  }
0x16f: {  	v56 =	vld [tilespmem:s12+$0x2080]  }
0x170: {  	v0 =	vadd.f32 v54, v0  }
0x171: {  	v57 =	vld [tilespmem:s11+$0xC80]  }
0x172: {  	v0 =	vadd.f32 v55, v0  }
0x173: {  	v58 =	vld [tilespmem:s12+$0x2300]  }
0x174: {  	v0 =	vadd.f32 v56, v0  }
0x175: {  	v59 =	vld [tilespmem:s11+$0xF00]  }
0x176: {  	v0 =	vadd.f32 v57, v0  }
0x177: {  	v60 =	vld [tilespmem:s12+$0x2580]  }
0x178: {  	v0 =	vadd.f32 v58, v0  }
0x179: {  	v61 =	vld [tilespmem:s11+$0x1180]  }
0x17a: {  	v0 =	vadd.f32 v59, v0;
	_ =	sdelay $0x1  }
0x17b: {  	v0 =	vadd.f32 v60, v0;
	_ =	sdelay $0x1  }
0x17c: {  	v0 =	vadd.f32 v61, v0;
	_ =	sdelay $0x1  }
0x17d: {  	v1 =	vshra.s32 v0, $0x1;
	v62 =	vmul.f32 $5.000000000e-01, v0  }
0x17e: {  	v1 =	vsub.s32 $0x5F3759DF, v1  }
0x17f: {  	v63 =	vmul.f32 v1, v62;
	_ =	sdelay $0x1  }
0x180: {  	v3 =	vmul.f32 v1, v63;
	_ =	sdelay $0x1  }
0x181: {  	v3 =	vsub.f32 $1.500000000e+00, v3;
	_ =	sdelay $0x1  }
0x182: {  	v1 =	vmul.f32 v1, v3;
	_ =	sdelay $0x1  }
0x183: {  	v3 =	vmul.f32 v1, v62;
	_ =	sdelay $0x1  }
0x184: {  	v3 =	vmul.f32 v3, v1;
	_ =	sdelay $0x1  }
0x185: {  	v3 =	vsub.f32 $1.500000000e+00, v3;
	_ =	sdelay $0x1  }
0x186: {  	v1 =	vmul.f32 v3, v1;
	_ =	sdelay $0x1  }
0x187: {  	v2 =	vmul.f32 v1, v62;
	_ =	sdelay $0x1  }
0x188: {  	v2 =	vmul.f32 v2, v1;
	_ =	sdelay $0x1  }
0x189: {  	v2 =	vsub.f32 $1.500000000e+00, v2;
	_ =	sdelay $0x1  }
0x18a: {  	v1 =	vmul.f32 v2, v1  }
0x18b: {  	s9 =	sadd.s32 $0x1, s9;
	vm0 =	vgt.f32 v0, $0.0e+00  }
0x18c: {  	s10 =	sadd.s32 $0x10, s10;
	p0 =	sne.s32 s9, s6;
	v0 =	vnsel vm0, $0x0, v1  }
.Ltmp1:
0x18d: {  	[tilespmem:s10+$0x0] =	vst v0;
	(pc) =	sbr.rel @p0 .LBB2_1-.Ltmp1, $4  }
0x18e: {  	[hbm4b:s5+s2] =	stream.linear.scatter [tilespmem:s8], [sflag:$0x1], $0x140, $0x38;
	[tilespmem:$0x2980] =	vst v63  }
0x18f: {  	_ =	swait.ge [sflag:s7], $0x140  }
0x190: {  	[sflag:s7] =	ssyncset.done $0x0  }
0x191: {  	[sflag:s7] =	ssyncadd.s32 $0xFFFFFEC0  }
0x192: {  	_ =	sfence.sel $0x180000  }
0x193: {  	[bflag:$0x0] =	sbarrier.arrive $0xFFFF  }
0x194: {  	_ =	strace $0x9000004A  }
0x195: {  	s0 =	stileid.u32;
	[bflag:$0x2] =	sbarrier.arrive $0xFFFF  }
0x196: {  	p0 =	sne.s32 s0, $0x0;
	s0 =	rddreg [dreg:$0x1]  }
0x197: {  	s0 =	sadd.s32 @!p0 $0x100000, s0  }
0x198: {  	[sflag:s0] =	ssyncadd.tile.s32 @!p0 $0x1;
	_ =	shalt  }
.Lfunc_end2:
_tile_overlayer_lowered:
.L_overlay_start_2:
0x199: {  	(tag) =	ssettag $0x2  }
0x19a: {  	s0 =	rddreg [dreg:$0x0];
	s2 =	stileid.u32  }
0x19b: {  	s1 =	rddreg [dreg:$0x1];
	p0 =	sne.s32 s2, $0x0  }
0x19c: {  	s3 =	rddreg [dreg:$0x2];
	[bflag:$0x3] =	sbarrier.arrive $0xFFFF;
	s2 =	simm.s32 @!p0 $0x1C01  }
0x19d: {  	[timem:s3], [sflag:s2] =	dma.local @!p0 [hbm:s0], s1  }
0x19e: {  	s0 =	simm.s32 @!p0 $0x1  }
0x19f: {  	_ =	swait.ge @!p0 [sflag:s0], s1  }
0x1a0: {  	s1 =	ssub.s32 @!p0 $0x0, s1;
	[sflag:s0] =	ssyncset.done @!p0 $0x0  }
0x1a1: {  	[sflag:s0] =	ssyncadd.s32 @!p0 s1  }
0x1a2: {  	[bflag:$0x3] =	sbarrier.arrive $0xFFFF  }
0x1a3: {  	_ =	shalt  }

// kernel: kernel.13.cloned.1.call-start
scs
__scs_entry_jumppad:
0x0: {  	(pc) =	sbr.rel $0x88, $3  }
0x1: {  	(tag) =	ssettag $0x0;
	lr =	simm.s32 $0x1  }
0x2: {  	[smem:$0x3F9A] =	sst lr;
	_ =	strace $0xD0000000  }
0x3: {  	_ = 	snop  }
0x4: {  	_ = 	snop  }
0x5: {  	_ = 	snop  }
0x6: {  	_ = 	snop  }
0x7: {  	_ = 	snop  }
__scs_overlays_trampoline_lowered:
0x8: {  	[smem:$0x3FA9] =	sst s0  }
0x9: {  	[smem:$0x3FAA] =	sst s1  }
0xa: {  	[smem:$0x3FAB] =	sst s2  }
0xb: {  	[smem:$0x3FAC] =	sst s3  }
0xc: {  	[smem:$0x3FAD] =	sst s4  }
0xd: {  	[smem:$0x3FAE] =	sst s5  }
0xe: {  	[smem:$0x3FAF] =	sst s6  }
0xf: {  	[smem:$0x3FB0] =	sst s7  }
0x10: {  	[smem:$0x3FB1] =	sst s8  }
0x11: {  	[smem:$0x3FB2] =	sst s9;
	s0 =	simm.s32 @!p0 $0x0  }
0x12: {  	s1 =	sld [smem:$0x3F98];
	s0 =	simm.s32 @p0 $0x1  }
0x13: {  	[smem:$0x3FB3] =	sst s0;
	s0 =	simm.s32 @!p1 $0x0  }
0x14: {  	s2 =	sld [smem:$0x3F97];
	s0 =	simm.s32 @p1 $0x1  }
0x15: {  	[smem:$0x3FB4] =	sst s0;
	s0 =	simm.s32 @!p2 $0x0  }
0x16: {  	s3 =	sld [smem:$0x3FDB];
	s0 =	simm.s32 @p2 $0x1  }
0x17: {  	s4 =	simm.s32 $0x1BF5;
	[smem:$0x3FB6] =	sst s0  }
0x18: {  	s0 =	sld [smem:$0x3F99];
	_ =	swait.ge [sflag:s4], $0x0  }
0x19: {  	s7 =	sld [smem:$0x3F9A]  }
0x1a: {  	s8 =	sadd.s32 $0xFFFFE003, lr  }
0x1b: {  	s9 =	sadd.s32 $0xFFFFFEF7, lr;
	s5 =	simm.s32 $0xFFFFFFFF;
	p2 =	slt.u32 s8, $0xFFFFF086  }
0x1c: {  	p1 =	slt.u32 s9, $0xF7A;
	s5 =	simm.s32 @!p2 $0x0  }
0x1d: {  	s5 =	simm.s32 @p1 $0x1;
	p0 =	seq.s32 s7, s2  }
0x1e: {  	s7 =	smul.u32 @!p0 $0xF7A, s2;
	p2 =	seq.s32 @!p0 s5, $0x0  }
0x1f: {  	s9 =	smul.u32 $0xF7A, s1;
	s8 =	simm.s32 @!p0 $0x1BF5;
	p2 =	por !p2, p0  }
0x20: {  	[sflag:s8] =	ssyncset.s32 @!p0 $0xFFFFF086;
	s6 =	sadd.s32 @!p0 s3, s7;
	s7 =	simm.s32 @!p0 $0x108  }
0x21: {  	s3 =	sadd.s32 s3, s9;
	s6 =	sadd.s32 @!p0 $0x88, s6;
	s7 =	simm.s32 @p2 $0x1082  }
0x22: {  	[simem:s7], [sflag:s8] =	dma.local @!p0 [hbm:s6], $0xF7A  }
0x23: {  	s9 =	sor.u32 $0xD0000000, s2;
	s6 =	simm.s32 $0x108;
	_ =	swait.ge @!p0 [sflag:s8], $0x0  }
0x24: {  	s3 =	sadd.s32 $0x88, s3;
	s6 =	simm.s32 @!p1 $0x1082;
	[sflag:s4] =	ssyncset.s32 $0xFFFFF086  }
0x25: {  	[simem:s6], [sflag:s4] =	dma.local [hbm:s3], $0xF7A  }
0x26: {  	[smem:$0x3F9A] =	sst s1;
	(tag) =	ssettag s2;
	_ =	strace s9  }
0x27: {  	s1 =	sld [smem:$0x3FAA]  }
0x28: {  	s2 =	sld [smem:$0x3FAB]  }
0x29: {  	s4 =	sld [smem:$0x3FAD]  }
0x2a: {  	p0 =	seq.s32 s5, $0x0;
	s5 =	sld [smem:$0x3FAE]  }
0x2b: {  	s6 =	sld [smem:$0x3FAF]  }
0x2c: {  	s7 =	sld [smem:$0x3FB0]  }
0x2d: {  	s3 =	simm.s32 $0x108;
	s8 =	sld [smem:$0x3FB1]  }
0x2e: {  	s3 =	simm.s32 @!p0 $0x1082;
	s9 =	sld [smem:$0x3FB2]  }
0x2f: {  	lr =	sadd.s32 s0, s3;
	s0 =	sld [smem:$0x3FA9]  }
0x30: {  	s3 =	sld [smem:$0x3FAC]  }
0x31: {  	[smem:$0x3FB5] =	sst s10  }
0x32: {  	s10 =	sld [smem:$0x3FB3];
	_ =	sdelay $0x3  }
0x33: {  	p0 =	seq.s32 s10, $0x1;
	s10 =	sld [smem:$0x3FB5];
	_ =	sdelay $0x3  }
0x34: {  	[smem:$0x3FB5] =	sst s10  }
0x35: {  	s10 =	sld [smem:$0x3FB4];
	_ =	sdelay $0x3  }
0x36: {  	p1 =	seq.s32 s10, $0x1;
	s10 =	sld [smem:$0x3FB5];
	_ =	sdelay $0x3  }
0x37: {  	[smem:$0x3FB5] =	sst s10  }
0x38: {  	s10 =	sld [smem:$0x3FB6]  }
0x39: {  	_ = 	snop;
	(pc) =	sbr.ind lr, $3  }
0x3a: {  	_ = 	snop  }
0x3b: {  	_ = 	snop  }
0x3c: {  	p2 =	seq.s32 s10, $0x1;
	s10 =	sld [smem:$0x3FB5]  }
0x3d: {  	_ =	shalt  }
0x3e: {  	_ =	shalt  }
0x3f: {  	_ =	shalt  }
0x40: {  	_ =	shalt  }
0x41: {  	_ =	shalt  }
0x42: {  	_ =	shalt  }
0x43: {  	_ =	shalt  }
0x44: {  	_ =	shalt  }
0x45: {  	_ =	shalt  }
0x46: {  	_ =	shalt  }
0x47: {  	_ =	shalt  }
0x48: {  	_ =	shalt  }
0x49: {  	_ =	shalt  }
0x4a: {  	_ =	shalt  }
0x4b: {  	_ =	shalt  }
0x4c: {  	_ =	shalt  }
0x4d: {  	_ =	shalt  }
0x4e: {  	_ =	shalt  }
0x4f: {  	_ =	shalt  }
0x50: {  	_ =	shalt  }
0x51: {  	_ =	shalt  }
0x52: {  	_ =	shalt  }
0x53: {  	_ =	shalt  }
0x54: {  	_ =	shalt  }
0x55: {  	_ =	shalt  }
0x56: {  	_ =	shalt  }
0x57: {  	_ =	shalt  }
0x58: {  	_ =	shalt  }
0x59: {  	_ =	shalt  }
0x5a: {  	_ =	shalt  }
0x5b: {  	_ =	shalt  }
0x5c: {  	_ =	shalt  }
0x5d: {  	_ =	shalt  }
0x5e: {  	_ =	shalt  }
0x5f: {  	_ =	shalt  }
0x60: {  	_ =	shalt  }
0x61: {  	_ =	shalt  }
0x62: {  	_ =	shalt  }
0x63: {  	_ =	shalt  }
0x64: {  	_ =	shalt  }
0x65: {  	_ =	shalt  }
0x66: {  	_ =	shalt  }
0x67: {  	_ =	shalt  }
0x68: {  	_ =	shalt  }
0x69: {  	_ =	shalt  }
0x6a: {  	_ =	shalt  }
0x6b: {  	_ =	shalt  }
0x6c: {  	_ =	shalt  }
0x6d: {  	_ =	shalt  }
0x6e: {  	_ =	shalt  }
0x6f: {  	_ =	shalt  }
0x70: {  	_ =	shalt  }
0x71: {  	_ =	shalt  }
0x72: {  	_ =	shalt  }
0x73: {  	_ =	shalt  }
0x74: {  	_ =	shalt  }
0x75: {  	_ =	shalt  }
0x76: {  	_ =	shalt  }
0x77: {  	_ =	shalt  }
0x78: {  	_ =	shalt  }
0x79: {  	_ =	shalt  }
0x7a: {  	_ =	shalt  }
0x7b: {  	_ =	shalt  }
0x7c: {  	_ =	shalt  }
0x7d: {  	_ =	shalt  }
0x7e: {  	_ =	shalt  }
0x7f: {  	_ =	shalt  }
0x80: {  	_ =	shalt  }
0x81: {  	_ =	shalt  }
0x82: {  	_ =	shalt  }
0x83: {  	_ =	shalt  }
0x84: {  	_ =	shalt  }
0x85: {  	_ =	shalt  }
0x86: {  	_ =	shalt  }
0x87: {  	_ =	shalt  }
.Lfunc_end0:
.L_simem_size_0:
called_computation.2_lowered:
.L_overlay_start_0:
0x88: {  	s2 =	sld [smem:$0x3FD9]  }
0x89: {  	s3 =	sld [smem:$0x3FFE];
	_ =	sdelay $0x1  }
0x8a: {  	s1 =	srdreg.scid  }
0x8b: {  	s0 =	sand.u32 $0x1, s1  }
0x8c: {  	s17 =	sshll.u32 s0, $0xA;
	s2 =	sadd.s32 s3, s2  }
0x8d: {  	s2 =	sadd.s32 s2, s17  }
0x8e: {  	[smem:$0x3FC1] =	sst s2  }
0x8f: {  	_ = 	snop  }
0x90: {  	s2 =	sld [smem:$0x3FD0];
	(tm) =	ssettm $0x1  }
0x91: {  	s18 =	sld [smem:$0x3FFB];
	_ =	sdelay $0x3  }
0x92: {  	_ =	strace s18  }
0x93: {  	s3 =	sld [smem:$0x3FFC];
	_ =	sdelay $0x3  }
0x94: {  	_ =	strace s3  }
0x95: {  	s3 =	sld [smem:$0x3FFD];
	_ =	sdelay $0x3  }
0x96: {  	_ =	strace s3  }
0x97: {  	_ =	strace $0x8FFFFFFF  }
0x98: {  	s19 =	sld [smem:$0x3FDB];
	_ =	sdelay $0x1  }
0x99: {  	s4 =	simm.s32 $_scs_section_size  }
0x9a: {  	s5 =	simm.s32 $_size__tile_overlayer_lowered;
	s6 =	simm.s32 $_tile_overlayer_lowered  }
0x9b: {  	s22 =	simm.s32 $0x1BFF;
	s21 =	sshll.u32 s6, $0x1;
	s3 =	sadd.s32 s4, s19  }
0x9c: {  	s7 =	simm.s32 $0x0;
	s20 =	sshll.u32 s5, $0x1;
	s5 =	sadd.s32 s21, s3  }
0x9d: {  	[timem:s7], [sflag:s22] =	dma.local [hbm:s5], s20  }
0x9e: {  	_ =	swait.ge [sflag:s22], s20  }
0x9f: {  	s4 =	ssub.s32 $0x0, s20;
	[sflag:s22] =	ssyncset.done $0x0  }
0xa0: {  	[sflag:s22] =	ssyncadd.s32 s4;
	_ =	sdelay $0x1  }
0xa1: {  	s23 =	simm.s32 $0x1B8B  }
0xa2: {  	_ =	swait.ge [sflag:s23], $0x1  }
0xa3: {  	[sflag:s23] =	ssyncset.done $0x0  }
0xa4: {  	s25 =	simm.s32 $0x1B8E;
	s24 =	sld [smem:$0x3FFE];
	[sflag:s23] =	ssyncadd.s32 $0xFFFFFFFF  }
0xa5: {  	s26 =	simm.s32 $execute0_lowered;
	[smem:$0x3FD2] =	sst s25  }
0xa6: {  	s5 =	sshll.u32 s26, $0x1;
	_ =	strace $0x8000004C;
	[dreg:$0x1] =	wrdreg $0xFFFFFFFF  }
0xa7: {  	s28 =	simm.s32 $_size_execute0_lowered;
	s3 =	sadd.s32 s3, s5;
	[dreg:$0x0] =	wrdreg $0x0  }
0xa8: {  	s5 =	sshll.u32 s28, $0x1;
	[dreg:$0x2] =	wrdreg s3  }
0xa9: {  	[dreg:$0x3] =	wrdreg s5  }
0xaa: {  	[dreg:$0x4] =	wrdreg $0xC0  }
0xab: {  	_ =	task [dreg:s7], $0x5FFFF  }
0xac: {  	[dreg:$0x1] =	wrdreg $0xFFFFFFFF  }
0xad: {  	[dreg:$0x0] =	wrdreg $0x60  }
0xae: {  	[dreg:$0x2] =	wrdreg s2  }
0xaf: {  	[dreg:$0x3] =	wrdreg s24  }
0xb0: {  	[dreg:$0x4] =	wrdreg $0x9  }
0xb1: {  	_ =	task.clear_ibuf [dreg:s7], $0x5FFFF;
	_ =	strace $0x9000004C  }
0xb2: {  	s29 =	simm.s32 $0x9;
	_ =	strace $0x8000004E  }
0xb3: {  	_ =	swait.ge [sflag:s29], $0x1  }
0xb4: {  	[sflag:s29] =	ssyncadd.s32 $0xFFFFFFFF  }
0xb5: {  	_ =	strace $0x9000004E  }
0xb6: {  	_ =	sfence  }
0xb7: {  	s30 =	sld [smem:$0x0];
	_ =	sdelay $0x2  }
0xb8: {  	s31 =	sshll.u32 s1, $0xD;
	s1 =	sshrl.u32 s1, $0x2  }
0xb9: {  	s3 =	sand.u32 $0x4000, s31;
	s1 =	sadd.s32 s1, s30  }
0xba: {  	s0 =	sor.u32 s3, s0;
	s1 =	sshll.u32 s1, $0x11  }
0xbb: {  	s0 =	sor.u32 s1, s0  }
0xbc: {  	s0 =	sadd.s32 $0x8F2B, s0  }
0xbd: {  	[sflag:s0] =	ssyncadd.remote.s32 $0x1  }
0xbe: {  	_ =	sfence.sel $0xFFFF  }
0xbf: {  	[dreg:$0x0] =	wrdreg $0xFFFFFFFF;
	(pc) =	sbr.abs _section_cstart, $3  }
0xc0: {  	[dreg:$0x1] =	wrdreg $0xFFFFFFFF  }
0xc1: {  	_ =	task.clear_ibuf [dreg:s7], $0x2FFFF;
	_ =	strace $0x9FFFFFFF  }
0xc2: {  	(tm) =	ssettm $0x7FFFFFFF  }
0xc3: {  	_ =	shalt  }
tec
execute0_lowered:
.L_overlay_start_1:
0x0: {  	(tag) =	ssettag $0x1  }
0x1: {  	s4 =	rddreg [dreg:$0x0]  }
0x2: {  	s0 =	srdreg.scid;
	s5 =	rddreg [dreg:$0x1]  }
0x3: {  	s1 =	stileid.u32;
	s2 =	simm.s32 $0x0;
	s11 =	simm.s32 $0x2800  }
0x4: {  	s12 =	simm.s32 $0x5080;
	s13 =	simm.s32 $0x7900;
	s3 =	sand.u32 $0x1, s0  }
0x5: {  	s14 =	simm.s32 $0xA180;
	s15 =	simm.s32 $0xCA00;
	s6 =	sshll.u32 s3, $0x4  }
0x6: {  	s16 =	simm.s32 $0x0;
	s0 =	rddreg [dreg:$0x2];
	s6 =	sor.u32 s1, s6  }
0x7: {  	[smem:$0x7FF] =	sst s2;
	s7 =	ssub.s32 $0x2, s3;
	s6 =	smul.u32 $0x510, s6  }
0x8: {  	_ =	strace $0x8000004D;
	s3 =	sadd.s32 $0x20200, s5;
	s8 =	sshrl.u32 s7, $0x1  }
0x9: {  	s10 =	ssub.s32 s7, s8;
	s9 =	sadd.s32 s6, s5;
	s4 =	sadd.s32 s4, s6  }
0xa: {  	s5 =	sadd.s32 $0x1E00, s9;
	s6 =	sadd.s32 $0xC000, s9;
	s7 =	sadd.s32 $0x20800, s9  }
0xb: {  	s8 =	sadd.s32 $0x2AA00, s9;
	s9 =	smax.u32 s10, $0x1;
	s10 =	simm.s32 $0x1  }
.LBB2_1:
0xc: {  	[tilespmem:s2], [sflag:$0x1] =	stream.linear.gather [hbm4b:s3+s2], $0x2800, $0x38;
	[tilespmem:$0xF280] =	vst v63  }
0xd: {  	_ =	swait.ge [sflag:s10], $0x2800  }
0xe: {  	[sflag:s10] =	ssyncset.done $0x0  }
0xf: {  	[sflag:s10] =	ssyncadd.s32 $0xFFFFD800  }
0x10: {  	[tilespmem:s11], [sflag:$0x1] =	stream.linear.gather [hbm4b:s4+s2], $0x2880, $0x38;
	[tilespmem:$0xF280] =	vst v63  }
0x11: {  	_ =	swait.ge [sflag:s10], $0x2880  }
0x12: {  	[sflag:s10] =	ssyncset.done $0x0  }
0x13: {  	[sflag:s10] =	ssyncadd.s32 $0xFFFFD780  }
0x14: {  	[tilespmem:s12], [sflag:$0x1] =	stream.linear.gather [hbm4b:s5+s2], $0x2880, $0x38;
	[tilespmem:$0xF280] =	vst v63  }
0x15: {  	_ =	swait.ge [sflag:s10], $0x2880  }
0x16: {  	[sflag:s10] =	ssyncset.done $0x0  }
0x17: {  	[sflag:s10] =	ssyncadd.s32 $0xFFFFD780  }
0x18: {  	[tilespmem:s13], [sflag:$0x1] =	stream.linear.gather [hbm4b:s6+s2], $0x2880, $0x38;
	[tilespmem:$0xF280] =	vst v63  }
0x19: {  	_ =	swait.ge [sflag:s10], $0x2880  }
0x1a: {  	[sflag:s10] =	ssyncset.done $0x0  }
0x1b: {  	s17 =	simm.s32 $0x0;
	[sflag:s10] =	ssyncadd.s32 $0xFFFFD780  }
0x1c: {  	v2 =	vld [tilespmem:s17+$0x2800]  }
0x1d: {  	v3 =	vld [tilespmem:s17+$0x5080];
	_ =	sdelay $0x5  }
0x1e: {  	v1 =	vld [tilespmem:s17+$0x7900];
	v4 =	vshll.u32 v3, $0x10  }
0x1f: {  	v4 =	vor.u32 v2, v4;
	v0 =	vld.idx.msk [tilespmem:v2+s2+$0x0], $0xffff  }
0x20: {  	s18 =	simm.s32 $0x10;
	s19 =	simm.s32 $0x80;
	v2 =	vld.idx.msk [tilespmem:v3+s2+$0x0], $0xffff;
	[tilespmem:s17+$0xA180] =	vst v4  }
.LBB2_2:
0x21: {  	p0 =	sne.s32 s19, $0xA1C0;
	v3 =	vld [tilespmem:s18+$0x2800];
	_ =	sdelay $0x1  }
0x22: {  	v4 =	vld [tilespmem:s18+$0x5080]  }
0x23: {  	v0 =	vmul.f32 v0, v1;
	_ =	sdelay $0x1  }
0x24: {  	v0 =	vmul.f32 v2, v0  }
.Ltmp0:
0x25: {  	(pc) =	sbr.rel @p0 .LBB2_2-.Ltmp0, $4  }
0x26: {  	[tilespmem:s17+$0xCA00] =	vst v0;
	s17 =	smov.u32 s18  }
0x27: {  	v2 =	vshll.u32 v4, $0x10;
	v0 =	vld.idx.msk [tilespmem:v3+s2+$0x0], $0xffff  }
0x28: {  	v3 =	vor.u32 v3, v2;
	v1 =	vld [tilespmem:s17+$0x7900]  }
0x29: {  	s18 =	sshra.s32 s19, $0x2;
	s19 =	sadd.s32 $0x40, s19;
	v2 =	vld.idx.msk [tilespmem:v4+s2+$0x0], $0xffff;
	[tilespmem:s17+$0xA180] =	vst v3  }
0x2a: {  	v3 =	vld [tilespmem:s18+$0x2800];
	_ =	sdelay $0x2  }
0x2b: {  	v4 =	vld [tilespmem:s18+$0x5080];
	v0 =	vmul.f32 v0, v1;
	_ =	sdelay $0x1  }
0x2c: {  	v0 =	vmul.f32 v2, v0;
	_ =	sdelay $0x1  }
0x2d: {  	[tilespmem:s17+$0xCA00] =	vst v0  }
0x2e: {  	v0 =	vld.idx.msk [tilespmem:v3+s2+$0x0], $0xffff  }
0x2f: {  	v61 =	vld [tilespmem:s18+$0x7900];
	_ =	sdelay $0x1  }
0x30: {  	v62 =	vld.idx.msk [tilespmem:v4+s2+$0x0], $0xffff;
	_ =	sdelay $0x2  }
0x31: {  	v0 =	vmul.f32 v0, v61  }
0x32: {  	v63 =	vshll.u32 v4, $0x10  }
0x33: {  	v1 =	vor.u32 v3, v63;
	v0 =	vmul.f32 v62, v0  }
0x34: {  	[tilespmem:s18+$0xA180] =	vst v1  }
0x35: {  	[tilespmem:s18+$0xCA00] =	vst v0  }
0x36: {  	[hbm4b:s7+s2] =	stream.linear.scatter [tilespmem:s14], [sflag:$0x1], $0x2880, $0x38;
	[tilespmem:$0xF280] =	vst v63  }
0x37: {  	s16 =	sadd.s32 $0x1, s16;
	_ =	swait.ge [sflag:s10], $0x2880  }
0x38: {  	p0 =	sne.s32 s16, s9;
	[sflag:s10] =	ssyncset.done $0x0  }
.Ltmp1:
0x39: {  	[sflag:s10] =	ssyncadd.s32 $0xFFFFD780;
	(pc) =	sbr.rel @p0 .LBB2_1-.Ltmp1, $4  }
0x3a: {  	[hbm4b:s8+s2] =	stream.linear.scatter [tilespmem:s15], [sflag:$0x1], $0x2880, $0x38;
	[tilespmem:$0xF280] =	vst v63  }
0x3b: {  	_ =	swait.ge [sflag:s10], $0x2880  }
0x3c: {  	[sflag:s10] =	ssyncset.done $0x0  }
0x3d: {  	[sflag:s10] =	ssyncadd.s32 $0xFFFFD780  }
0x3e: {  	_ =	sfence.sel $0x180000  }
0x3f: {  	[bflag:$0x0] =	sbarrier.arrive $0xFFFF  }
0x40: {  	p0 =	sne.s32 s1, $0x0;
	_ =	strace $0x9000004D  }
0x41: {  	s0 =	sadd.s32 @!p0 $0x100000, s0;
	[bflag:$0x2] =	sbarrier.arrive $0xFFFF  }
0x42: {  	[sflag:s0] =	ssyncadd.tile.s32 @!p0 $0x1;
	_ =	shalt  }
.Lfunc_end2:
_tile_overlayer_lowered:
.L_overlay_start_2:
0x43: {  	(tag) =	ssettag $0x2  }
0x44: {  	s0 =	rddreg [dreg:$0x0];
	s2 =	stileid.u32  }
0x45: {  	s1 =	rddreg [dreg:$0x1];
	p0 =	sne.s32 s2, $0x0  }
0x46: {  	s3 =	rddreg [dreg:$0x2];
	[bflag:$0x3] =	sbarrier.arrive $0xFFFF;
	s2 =	simm.s32 @!p0 $0x1C01  }
0x47: {  	[timem:s3], [sflag:s2] =	dma.local @!p0 [hbm:s0], s1  }
0x48: {  	s0 =	simm.s32 @!p0 $0x1  }
0x49: {  	_ =	swait.ge @!p0 [sflag:s0], s1  }
0x4a: {  	s1 =	ssub.s32 @!p0 $0x0, s1;
	[sflag:s0] =	ssyncset.done @!p0 $0x0  }
0x4b: {  	[sflag:s0] =	ssyncadd.s32 @!p0 s1  }
0x4c: {  	[bflag:$0x3] =	sbarrier.arrive $0xFFFF  }
0x4d: {  	_ =	shalt  }

// kernel: kernel.16.cloned.1.call-start
scs
__scs_entry_jumppad:
0x0: {  	(pc) =	sbr.rel $0x88, $3  }
0x1: {  	(tag) =	ssettag $0x0;
	lr =	simm.s32 $0x1  }
0x2: {  	[smem:$0x3F9A] =	sst lr;
	_ =	strace $0xD0000000  }
0x3: {  	_ = 	snop  }
0x4: {  	_ = 	snop  }
0x5: {  	_ = 	snop  }
0x6: {  	_ = 	snop  }
0x7: {  	_ = 	snop  }
__scs_overlays_trampoline_lowered:
0x8: {  	[smem:$0x3FA9] =	sst s0  }
0x9: {  	[smem:$0x3FAA] =	sst s1  }
0xa: {  	[smem:$0x3FAB] =	sst s2  }
0xb: {  	[smem:$0x3FAC] =	sst s3  }
0xc: {  	[smem:$0x3FAD] =	sst s4  }
0xd: {  	[smem:$0x3FAE] =	sst s5  }
0xe: {  	[smem:$0x3FAF] =	sst s6  }
0xf: {  	[smem:$0x3FB0] =	sst s7  }
0x10: {  	[smem:$0x3FB1] =	sst s8  }
0x11: {  	[smem:$0x3FB2] =	sst s9;
	s0 =	simm.s32 @!p0 $0x0  }
0x12: {  	s1 =	sld [smem:$0x3F98];
	s0 =	simm.s32 @p0 $0x1  }
0x13: {  	[smem:$0x3FB3] =	sst s0;
	s0 =	simm.s32 @!p1 $0x0  }
0x14: {  	s2 =	sld [smem:$0x3F97];
	s0 =	simm.s32 @p1 $0x1  }
0x15: {  	[smem:$0x3FB4] =	sst s0;
	s0 =	simm.s32 @!p2 $0x0  }
0x16: {  	s3 =	sld [smem:$0x3FDB];
	s0 =	simm.s32 @p2 $0x1  }
0x17: {  	s4 =	simm.s32 $0x1BF5;
	[smem:$0x3FB6] =	sst s0  }
0x18: {  	s0 =	sld [smem:$0x3F99];
	_ =	swait.ge [sflag:s4], $0x0  }
0x19: {  	s7 =	sld [smem:$0x3F9A]  }
0x1a: {  	s8 =	sadd.s32 $0xFFFFE003, lr  }
0x1b: {  	s9 =	sadd.s32 $0xFFFFFEF7, lr;
	s5 =	simm.s32 $0xFFFFFFFF;
	p2 =	slt.u32 s8, $0xFFFFF086  }
0x1c: {  	p1 =	slt.u32 s9, $0xF7A;
	s5 =	simm.s32 @!p2 $0x0  }
0x1d: {  	s5 =	simm.s32 @p1 $0x1;
	p0 =	seq.s32 s7, s2  }
0x1e: {  	s7 =	smul.u32 @!p0 $0xF7A, s2;
	p2 =	seq.s32 @!p0 s5, $0x0  }
0x1f: {  	s9 =	smul.u32 $0xF7A, s1;
	s8 =	simm.s32 @!p0 $0x1BF5;
	p2 =	por !p2, p0  }
0x20: {  	[sflag:s8] =	ssyncset.s32 @!p0 $0xFFFFF086;
	s6 =	sadd.s32 @!p0 s3, s7;
	s7 =	simm.s32 @!p0 $0x108  }
0x21: {  	s3 =	sadd.s32 s3, s9;
	s6 =	sadd.s32 @!p0 $0x88, s6;
	s7 =	simm.s32 @p2 $0x1082  }
0x22: {  	[simem:s7], [sflag:s8] =	dma.local @!p0 [hbm:s6], $0xF7A  }
0x23: {  	s9 =	sor.u32 $0xD0000000, s2;
	s6 =	simm.s32 $0x108;
	_ =	swait.ge @!p0 [sflag:s8], $0x0  }
0x24: {  	s3 =	sadd.s32 $0x88, s3;
	s6 =	simm.s32 @!p1 $0x1082;
	[sflag:s4] =	ssyncset.s32 $0xFFFFF086  }
0x25: {  	[simem:s6], [sflag:s4] =	dma.local [hbm:s3], $0xF7A  }
0x26: {  	[smem:$0x3F9A] =	sst s1;
	(tag) =	ssettag s2;
	_ =	strace s9  }
0x27: {  	s1 =	sld [smem:$0x3FAA]  }
0x28: {  	s2 =	sld [smem:$0x3FAB]  }
0x29: {  	s4 =	sld [smem:$0x3FAD]  }
0x2a: {  	p0 =	seq.s32 s5, $0x0;
	s5 =	sld [smem:$0x3FAE]  }
0x2b: {  	s6 =	sld [smem:$0x3FAF]  }
0x2c: {  	s7 =	sld [smem:$0x3FB0]  }
0x2d: {  	s3 =	simm.s32 $0x108;
	s8 =	sld [smem:$0x3FB1]  }
0x2e: {  	s3 =	simm.s32 @!p0 $0x1082;
	s9 =	sld [smem:$0x3FB2]  }
0x2f: {  	lr =	sadd.s32 s0, s3;
	s0 =	sld [smem:$0x3FA9]  }
0x30: {  	s3 =	sld [smem:$0x3FAC]  }
0x31: {  	[smem:$0x3FB5] =	sst s10  }
0x32: {  	s10 =	sld [smem:$0x3FB3];
	_ =	sdelay $0x3  }
0x33: {  	p0 =	seq.s32 s10, $0x1;
	s10 =	sld [smem:$0x3FB5];
	_ =	sdelay $0x3  }
0x34: {  	[smem:$0x3FB5] =	sst s10  }
0x35: {  	s10 =	sld [smem:$0x3FB4];
	_ =	sdelay $0x3  }
0x36: {  	p1 =	seq.s32 s10, $0x1;
	s10 =	sld [smem:$0x3FB5];
	_ =	sdelay $0x3  }
0x37: {  	[smem:$0x3FB5] =	sst s10  }
0x38: {  	s10 =	sld [smem:$0x3FB6]  }
0x39: {  	_ = 	snop;
	(pc) =	sbr.ind lr, $3  }
0x3a: {  	_ = 	snop  }
0x3b: {  	_ = 	snop  }
0x3c: {  	p2 =	seq.s32 s10, $0x1;
	s10 =	sld [smem:$0x3FB5]  }
0x3d: {  	_ =	shalt  }
0x3e: {  	_ =	shalt  }
0x3f: {  	_ =	shalt  }
0x40: {  	_ =	shalt  }
0x41: {  	_ =	shalt  }
0x42: {  	_ =	shalt  }
0x43: {  	_ =	shalt  }
0x44: {  	_ =	shalt  }
0x45: {  	_ =	shalt  }
0x46: {  	_ =	shalt  }
0x47: {  	_ =	shalt  }
0x48: {  	_ =	shalt  }
0x49: {  	_ =	shalt  }
0x4a: {  	_ =	shalt  }
0x4b: {  	_ =	shalt  }
0x4c: {  	_ =	shalt  }
0x4d: {  	_ =	shalt  }
0x4e: {  	_ =	shalt  }
0x4f: {  	_ =	shalt  }
0x50: {  	_ =	shalt  }
0x51: {  	_ =	shalt  }
0x52: {  	_ =	shalt  }
0x53: {  	_ =	shalt  }
0x54: {  	_ =	shalt  }
0x55: {  	_ =	shalt  }
0x56: {  	_ =	shalt  }
0x57: {  	_ =	shalt  }
0x58: {  	_ =	shalt  }
0x59: {  	_ =	shalt  }
0x5a: {  	_ =	shalt  }
0x5b: {  	_ =	shalt  }
0x5c: {  	_ =	shalt  }
0x5d: {  	_ =	shalt  }
0x5e: {  	_ =	shalt  }
0x5f: {  	_ =	shalt  }
0x60: {  	_ =	shalt  }
0x61: {  	_ =	shalt  }
0x62: {  	_ =	shalt  }
0x63: {  	_ =	shalt  }
0x64: {  	_ =	shalt  }
0x65: {  	_ =	shalt  }
0x66: {  	_ =	shalt  }
0x67: {  	_ =	shalt  }
0x68: {  	_ =	shalt  }
0x69: {  	_ =	shalt  }
0x6a: {  	_ =	shalt  }
0x6b: {  	_ =	shalt  }
0x6c: {  	_ =	shalt  }
0x6d: {  	_ =	shalt  }
0x6e: {  	_ =	shalt  }
0x6f: {  	_ =	shalt  }
0x70: {  	_ =	shalt  }
0x71: {  	_ =	shalt  }
0x72: {  	_ =	shalt  }
0x73: {  	_ =	shalt  }
0x74: {  	_ =	shalt  }
0x75: {  	_ =	shalt  }
0x76: {  	_ =	shalt  }
0x77: {  	_ =	shalt  }
0x78: {  	_ =	shalt  }
0x79: {  	_ =	shalt  }
0x7a: {  	_ =	shalt  }
0x7b: {  	_ =	shalt  }
0x7c: {  	_ =	shalt  }
0x7d: {  	_ =	shalt  }
0x7e: {  	_ =	shalt  }
0x7f: {  	_ =	shalt  }
0x80: {  	_ =	shalt  }
0x81: {  	_ =	shalt  }
0x82: {  	_ =	shalt  }
0x83: {  	_ =	shalt  }
0x84: {  	_ =	shalt  }
0x85: {  	_ =	shalt  }
0x86: {  	_ =	shalt  }
0x87: {  	_ =	shalt  }
.Lfunc_end0:
.L_simem_size_0:
called_computation.3_lowered:
.L_overlay_start_0:
0x88: {  	s2 =	sld [smem:$0x3FD9]  }
0x89: {  	s3 =	sld [smem:$0x3FFE];
	_ =	sdelay $0x1  }
0x8a: {  	s1 =	srdreg.scid  }
0x8b: {  	s0 =	sand.u32 $0x1, s1  }
0x8c: {  	s16 =	sshll.u32 s0, $0xA;
	s2 =	sadd.s32 s3, s2  }
0x8d: {  	s2 =	sadd.s32 s2, s16  }
0x8e: {  	[smem:$0x3FC1] =	sst s2  }
0x8f: {  	_ = 	snop  }
0x90: {  	(tm) =	ssettm $0x1  }
0x91: {  	s17 =	sld [smem:$0x3FFB];
	_ =	sdelay $0x3  }
0x92: {  	_ =	strace s17  }
0x93: {  	s2 =	sld [smem:$0x3FFC];
	_ =	sdelay $0x3  }
0x94: {  	_ =	strace s2  }
0x95: {  	s2 =	sld [smem:$0x3FFD];
	_ =	sdelay $0x3  }
0x96: {  	_ =	strace s2  }
0x97: {  	_ =	strace $0x8FFFFFFF  }
0x98: {  	s18 =	sld [smem:$0x3FDB];
	_ =	sdelay $0x1  }
0x99: {  	s19 =	simm.s32 $_scs_section_size  }
0x9a: {  	s4 =	simm.s32 $_size__tile_overlayer_lowered;
	s5 =	simm.s32 $_tile_overlayer_lowered  }
0x9b: {  	s22 =	simm.s32 $0x1BFF;
	s21 =	sshll.u32 s5, $0x1;
	s2 =	sadd.s32 s19, s18  }
0x9c: {  	s6 =	simm.s32 $0x0;
	s20 =	sshll.u32 s4, $0x1;
	s4 =	sadd.s32 s21, s2  }
0x9d: {  	[timem:s6], [sflag:s22] =	dma.local [hbm:s4], s20  }
0x9e: {  	_ =	swait.ge [sflag:s22], s20  }
0x9f: {  	s3 =	ssub.s32 $0x0, s20;
	[sflag:s22] =	ssyncset.done $0x0  }
0xa0: {  	[sflag:s22] =	ssyncadd.s32 s3;
	_ =	sdelay $0x1  }
0xa1: {  	s23 =	simm.s32 $0x1B8B  }
0xa2: {  	_ =	swait.ge [sflag:s23], $0x1  }
0xa3: {  	[sflag:s23] =	ssyncset.done $0x0  }
0xa4: {  	s25 =	simm.s32 $0x1B8E;
	s24 =	sld [smem:$0x3FFE];
	[sflag:s23] =	ssyncadd.s32 $0xFFFFFFFF  }
0xa5: {  	s26 =	simm.s32 $execute0_lowered;
	[smem:$0x3FD2] =	sst s25  }
0xa6: {  	s4 =	sshll.u32 s26, $0x1;
	_ =	strace $0x8000004F;
	[dreg:$0x1] =	wrdreg $0xFFFFFFFF  }
0xa7: {  	s28 =	simm.s32 $_size_execute0_lowered;
	s2 =	sadd.s32 s2, s4;
	[dreg:$0x0] =	wrdreg $0x0  }
0xa8: {  	s4 =	sshll.u32 s28, $0x1;
	[dreg:$0x2] =	wrdreg s2  }
0xa9: {  	[dreg:$0x3] =	wrdreg s4  }
0xaa: {  	[dreg:$0x4] =	wrdreg $0xC0  }
0xab: {  	_ =	task [dreg:s6], $0x5FFFF  }
0xac: {  	[dreg:$0x1] =	wrdreg $0xFFFFFFFF  }
0xad: {  	[dreg:$0x0] =	wrdreg $0x60  }
0xae: {  	[dreg:$0x2] =	wrdreg s24  }
0xaf: {  	[dreg:$0x3] =	wrdreg $0x9  }
0xb0: {  	_ =	task.clear_ibuf [dreg:s6], $0x4FFFF;
	_ =	strace $0x9000004F  }
0xb1: {  	s29 =	simm.s32 $0x9;
	_ =	strace $0x80000051  }
0xb2: {  	_ =	swait.ge [sflag:s29], $0x1  }
0xb3: {  	[sflag:s29] =	ssyncadd.s32 $0xFFFFFFFF  }
0xb4: {  	_ =	strace $0x90000051  }
0xb5: {  	_ =	sfence  }
0xb6: {  	s30 =	sld [smem:$0x0];
	_ =	sdelay $0x2  }
0xb7: {  	s31 =	sshll.u32 s1, $0xD;
	s1 =	sshrl.u32 s1, $0x2  }
0xb8: {  	s3 =	sand.u32 $0x4000, s31;
	s1 =	sadd.s32 s1, s30  }
0xb9: {  	s0 =	sor.u32 s3, s0;
	s1 =	sshll.u32 s1, $0x11  }
0xba: {  	s0 =	sor.u32 s1, s0  }
0xbb: {  	s0 =	sadd.s32 $0x8F2B, s0  }
0xbc: {  	[sflag:s0] =	ssyncadd.remote.s32 $0x1  }
0xbd: {  	_ =	sfence.sel $0xFFFF  }
0xbe: {  	[dreg:$0x0] =	wrdreg $0xFFFFFFFF;
	(pc) =	sbr.abs _section_cstart, $3  }
0xbf: {  	[dreg:$0x1] =	wrdreg $0xFFFFFFFF  }
0xc0: {  	_ =	task.clear_ibuf [dreg:s6], $0x2FFFF;
	_ =	strace $0x9FFFFFFF  }
0xc1: {  	(tm) =	ssettm $0x7FFFFFFF  }
tec
execute0_lowered:
.L_overlay_start_1:
0x0: {  	(tag) =	ssettag $0x1  }
0x1: {  	s0 =	srdreg.scid  }
0x2: {  	s7 =	rddreg [dreg:$0x0];
	s1 =	stileid.u32;
	s2 =	simm.s32 $0x0  }
0x3: {  	s10 =	simm.s32 $0x3;
	s11 =	simm.s32 $0x1E000;
	s12 =	simm.s32 $0x1E800  }
0x4: {  	s13 =	simm.s32 $0x1E400;
	s14 =	simm.s32 $0x1EC00;
	s15 =	simm.s32 $0x1  }
0x5: {  	s16 =	simm.s32 $0xA000;
	s17 =	simm.s32 $0x2;
	s4 =	sand.u32 $0x1, s0  }
0x6: {  	s18 =	simm.s32 $0x0;
	s0 =	rddreg [dreg:$0x1];
	s3 =	sshll.u32 s4, $0x4  }
0x7: {  	[smem:$0x7FF] =	sst s2;
	s6 =	ssub.s32 $0x2, s4;
	s3 =	sor.u32 s1, s3  }
0x8: {  	_ =	strace $0x80000050;
	s31 =	sshrl.u32 s6, $0x1;
	s5 =	smul.u32 $0x1400, s3  }
0x9: {  	s4 =	sadd.s32 $0x2AA00, s7;
	s3 =	sadd.s32 $0x20800, s7;
	s9 =	ssub.s32 s6, s31  }
0xa: {  	s6 =	sadd.s32 $0x20880, s7;
	s9 =	smax.u32 s9, $0x1;
	s8 =	sadd.s32 s5, s7  }
0xb: {  	v0 =	vimm.f32 $0.0e+00;
	s7 =	sadd.s32 $0x2AA80, s7;
	s5 =	sadd.s32 $0x34C00, s8;
	s8 =	sadd.s32 $0x5CC00, s8  }
.LBB2_1:
0xc: {  	[tilespmem:s2], [sflag:$0x3] =	stream.linear.gather [hbm4b:s5+s2], $0xA000, $0x38;
	[tilespmem:$0x1F000] =	vst v63  }
0xd: {  	_ =	swait.ge [sflag:s10], $0xA000  }
0xe: {  	[sflag:s10] =	ssyncset.done $0x0  }
0xf: {  	s19 =	simm.s32 $0x0;
	[sflag:s10] =	ssyncadd.s32 $0xFFFF6000  }
0x10: {  	v1 =	vld [tilespmem:s19+$0x0]  }
0x11: {  	s20 =	simm.s32 $0x40;
	[tilespmem:s19+$0xA000] =	vst v0  }
.LBB2_2:
0x12: {  	p0 =	seq.s32 s20, $0x27FC0  }
.Ltmp0:
0x13: {  	_ = 	snop;
	(pc) =	sbr.rel @!p0 .LBB2_2-.Ltmp0, $4  }
0x14: {  	_ = 	snop  }
0x15: {  	s21 =	sshra.s32 s20, $0x2;
	s20 =	sadd.s32 $0x40, s20;
	v2 =	vmul.f32 $1.000000010e-01, v1  }
0x16: {  	v1 =	vld [tilespmem:s21+$0x0];
	[tilespmem:s21+$0xA000] =	vst v0  }
0x17: {  	[tilespmem:s19+$0x14000] =	vst v2;
	s19 =	smov.u32 s21  }
0x18: {  	_ =	sdelay $0x2  }
0x19: {  	v1 =	vmul.f32 $1.000000010e-01, v1;
	_ =	sdelay $0x1  }
0x1a: {  	s20 =	simm.s32 $0x0;
	[tilespmem:s19+$0x14000] =	vst v1;
	s19 =	simm.s32 $0x0  }
.LBB2_4:
0x1b: {  	[tilespmem:s11], [sflag:$0x1] =	stream.linear.gather [hbm4b:s3+s19], $0x400, $0x38;
	[tilespmem:$0x1F000] =	vst v63  }
0x1c: {  	_ = 	snop  }
0x1d: {  	[tilespmem:s12], [sflag:$0x1] =	stream.linear.gather [hbm4b:s4+s19], $0x400, $0x38;
	[tilespmem:$0x1F000] =	vst v63  }
0x1e: {  	_ = 	snop  }
0x1f: {  	[tilespmem:s13], [sflag:$0x2] =	stream.linear.gather [hbm4b:s6+s19], $0x400, $0x38;
	[tilespmem:$0x1F000] =	vst v63  }
0x20: {  	s21 =	simm.s32 $0x0  }
0x21: {  	[tilespmem:s14], [sflag:$0x2] =	stream.linear.gather [hbm4b:s7+s19], $0x400, $0x38;
	[tilespmem:$0x1F000] =	vst v63  }
.LBB2_5:
0x22: {  	_ =	swait.ge [sflag:s15], $0x400  }
0x23: {  	[sflag:s15] =	ssyncset.done $0x0  }
0x24: {  	[sflag:s15] =	ssyncadd.s32 $0xFFFFFC00  }
0x25: {  	_ =	swait.ge [sflag:s15], $0x400  }
0x26: {  	[sflag:s15] =	ssyncset.done $0x0  }
0x27: {  	s22 =	simm.s32 $0x0;
	[sflag:s15] =	ssyncadd.s32 $0xFFFFFC00  }
0x28: {  	v1 =	vld [tilespmem:s22+$0x1E000];
	_ =	sdelay $0x4  }
0x29: {  	v2 =	vand.u32 $0xFFFF, v1;
	_ =	sdelay $0x3  }
0x2a: {  	v4 =	vld [tilespmem:s22+$0x1E800]  }
0x2b: {  	v3 =	vld.idx.msk [tilespmem:v2+s2+$0x0], $0xffff  }
0x2c: {  	v5 =	vadd.s32 $0x2800, v2  }
0x2d: {  	v6 =	vshrl.u32 v1, $0x10;
	v1 =	vand.u32 $0x7F, v1;
	v5 =	vand.u32 $0x1FF80, v5  }
0x2e: {  	v5 =	vor.u32 v1, v5;
	_ =	sdelay $0x1  }
0x2f: {  	v3 =	vmul.f32 v3, v4;
	_ =	sdelay $0x1  }
0x30: {  	[tilespmem:v6+s16+$0x0] =	vst.idx.add.f32.msk $0xffff, v3  }
0x31: {  	v3 =	vadd.s32 $0x2800, v6;
	v5 =	vld.idx.msk [tilespmem:v5+s2+$0x0], $0xffff  }
0x32: {  	v7 =	vadd.s32 $0x5000, v2;
	v8 =	vand.u32 $0x7F, v6;
	v3 =	vand.u32 $0x1FF80, v3  }
0x33: {  	v7 =	vand.u32 $0x1FF80, v7;
	v3 =	vor.u32 v8, v3  }
0x34: {  	v7 =	vor.u32 v1, v7;
	_ =	sdelay $0x1  }
0x35: {  	v5 =	vmul.f32 v5, v4;
	_ =	sdelay $0x1  }
0x36: {  	[tilespmem:v3+s16+$0x0] =	vst.idx.add.f32.msk $0xffff, v5  }
0x37: {  	v3 =	vadd.s32 $0x5000, v6;
	v5 =	vld.idx.msk [tilespmem:v7+s2+$0x0], $0xffff  }
0x38: {  	v2 =	vadd.s32 $0x7800, v2;
	v3 =	vand.u32 $0x1FF80, v3  }
0x39: {  	v2 =	vand.u32 $0x1FF80, v2;
	v3 =	vor.u32 v8, v3  }
0x3a: {  	v1 =	vor.u32 v1, v2;
	_ =	sdelay $0x1  }
0x3b: {  	v2 =	vmul.f32 v5, v4;
	_ =	sdelay $0x1  }
0x3c: {  	[tilespmem:v3+s16+$0x0] =	vst.idx.add.f32.msk $0xffff, v2  }
0x3d: {  	v2 =	vld.idx.msk [tilespmem:v1+s2+$0x0], $0xffff;
	v1 =	vadd.s32 $0x7800, v6  }
0x3e: {  	v1 =	vand.u32 $0x1FF80, v1  }
0x3f: {  	v1 =	vor.u32 v8, v1;
	_ =	sdelay $0x2  }
0x40: {  	s23 =	simm.s32 $0x80;
	s22 =	simm.s32 $0x40;
	v2 =	vmul.f32 v2, v4  }
.LBB2_6:
0x41: {  	p0 =	sne.s32 s23, $0xFC0  }
0x42: {  	s24 =	sshra.s32 s22, $0x2;
	s22 =	smov.u32 s23;
	s23 =	sadd.s32 $0x40, s23;
	[tilespmem:v1+s16+$0x0] =	vst.idx.add.f32.msk $0xffff, v2  }
0x43: {  	v1 =	vld [tilespmem:s24+$0x1E000];
	_ =	sdelay $0x4  }
0x44: {  	v2 =	vand.u32 $0xFFFF, v1  }
0x45: {  	v3 =	vadd.s32 $0x2800, v2;
	v4 =	vadd.s32 $0x5000, v2;
	v5 =	vadd.s32 $0x7800, v2  }
0x46: {  	v3 =	vand.u32 $0x1FF80, v3;
	v4 =	vand.u32 $0x1FF80, v4;
	_ =	sdelay $0x2  }
0x47: {  	v2 =	vld.idx.msk [tilespmem:v2+s2+$0x0], $0xffff  }
0x48: {  	v6 =	vld [tilespmem:s24+$0x1E800];
	_ =	sdelay $0x1  }
0x49: {  	v7 =	vshrl.u32 v1, $0x10;
	v8 =	vand.u32 $0x7F, v1  }
0x4a: {  	v1 =	vand.u32 $0x7F, v7;
	v9 =	vadd.s32 $0x2800, v7;
	v3 =	vor.u32 v8, v3  }
0x4b: {  	v10 =	vadd.s32 $0x5000, v7;
	v9 =	vand.u32 $0x1FF80, v9;
	v4 =	vor.u32 v8, v4  }
0x4c: {  	v10 =	vand.u32 $0x1FF80, v10;
	v9 =	vor.u32 v1, v9;
	v2 =	vmul.f32 v2, v6  }
0x4d: {  	v11 =	vadd.s32 $0x7800, v7;
	v10 =	vor.u32 v1, v10  }
0x4e: {  	[tilespmem:v7+s16+$0x0] =	vst.idx.add.f32.msk $0xffff, v2;
	v2 =	vand.u32 $0x1FF80, v11  }
0x4f: {  	v3 =	vld.idx.msk [tilespmem:v3+s2+$0x0], $0xffff;
	v1 =	vor.u32 v1, v2;
	_ =	sdelay $0x5  }
0x50: {  	v2 =	vmul.f32 v3, v6;
	_ =	sdelay $0x1  }
0x51: {  	[tilespmem:v9+s16+$0x0] =	vst.idx.add.f32.msk $0xffff, v2  }
0x52: {  	v2 =	vld.idx.msk [tilespmem:v4+s2+$0x0], $0xffff;
	_ =	sdelay $0x2  }
0x53: {  	v3 =	vand.u32 $0x1FF80, v5  }
0x54: {  	v3 =	vor.u32 v8, v3;
	_ =	sdelay $0x1  }
0x55: {  	v2 =	vmul.f32 v2, v6;
	_ =	sdelay $0x1  }
0x56: {  	[tilespmem:v10+s16+$0x0] =	vst.idx.add.f32.msk $0xffff, v2  }
0x57: {  	v2 =	vld.idx.msk [tilespmem:v3+s2+$0x0], $0xffff;
	_ =	sdelay $0x1  }
.Ltmp1:
0x58: {  	(pc) =	sbr.rel @p0 .LBB2_6-.Ltmp1, $2  }
0x59: {  	_ =	sdelay $0x2  }
0x5a: {  	v2 =	vmul.f32 v2, v6  }
0x5b: {  	_ =	sdelay $0x3  }
0x5c: {  	s22 =	sshra.s32 s22, $0x2;
	[tilespmem:v1+s16+$0x0] =	vst.idx.add.f32.msk $0xffff, v2  }
0x5d: {  	v1 =	vld [tilespmem:s22+$0x1E000];
	_ =	sdelay $0x4  }
0x5e: {  	v2 =	vand.u32 $0xFFFF, v1;
	_ =	sdelay $0x3  }
0x5f: {  	v4 =	vld [tilespmem:s22+$0x1E800]  }
0x60: {  	v3 =	vld.idx.msk [tilespmem:v2+s2+$0x0], $0xffff  }
0x61: {  	v5 =	vadd.s32 $0x2800, v2  }
0x62: {  	v6 =	vshrl.u32 v1, $0x10;
	v1 =	vand.u32 $0x7F, v1;
	v5 =	vand.u32 $0x1FF80, v5  }
0x63: {  	v5 =	vor.u32 v1, v5;
	_ =	sdelay $0x1  }
0x64: {  	v3 =	vmul.f32 v3, v4;
	_ =	sdelay $0x1  }
0x65: {  	[tilespmem:v6+s16+$0x0] =	vst.idx.add.f32.msk $0xffff, v3  }
0x66: {  	v3 =	vadd.s32 $0x2800, v6;
	v5 =	vld.idx.msk [tilespmem:v5+s2+$0x0], $0xffff  }
0x67: {  	v7 =	vadd.s32 $0x5000, v2;
	v8 =	vand.u32 $0x7F, v6;
	v3 =	vand.u32 $0x1FF80, v3  }
0x68: {  	v7 =	vand.u32 $0x1FF80, v7;
	v3 =	vor.u32 v8, v3  }
0x69: {  	v7 =	vor.u32 v1, v7;
	_ =	sdelay $0x1  }
0x6a: {  	v5 =	vmul.f32 v5, v4;
	_ =	sdelay $0x1  }
0x6b: {  	[tilespmem:v3+s16+$0x0] =	vst.idx.add.f32.msk $0xffff, v5  }
0x6c: {  	v3 =	vadd.s32 $0x5000, v6;
	v5 =	vld.idx.msk [tilespmem:v7+s2+$0x0], $0xffff  }
0x6d: {  	v2 =	vadd.s32 $0x7800, v2;
	v3 =	vand.u32 $0x1FF80, v3  }
0x6e: {  	v2 =	vand.u32 $0x1FF80, v2;
	v3 =	vor.u32 v8, v3  }
0x6f: {  	v1 =	vor.u32 v1, v2;
	_ =	sdelay $0x1  }
0x70: {  	v2 =	vmul.f32 v5, v4;
	_ =	sdelay $0x1  }
0x71: {  	[tilespmem:v3+s16+$0x0] =	vst.idx.add.f32.msk $0xffff, v2  }
0x72: {  	v2 =	vadd.s32 $0x7800, v6;
	v1 =	vld.idx.msk [tilespmem:v1+s2+$0x0], $0xffff  }
0x73: {  	v2 =	vand.u32 $0x1FF80, v2  }
0x74: {  	v2 =	vor.u32 v8, v2;
	_ =	sdelay $0x2  }
0x75: {  	p0 =	seq.s32 s21, $0xA1;
	s22 =	sshll.u32 s21, $0x8;
	v1 =	vmul.f32 v1, v4  }
0x76: {  	s23 =	sadd.s32 @!p0 $0x100, s22  }
0x77: {  	s25 =	simm.s32 @!p0 $0x0;
	s26 =	simm.s32 @!p0 $0x1E000;
	s24 =	sadd.s32 @!p0 s3, s23;
	[tilespmem:v2+s16+$0x0] =	vst.idx.add.f32.msk $0xffff, v1  }
0x78: {  	[tilespmem:s26], [sflag:$0x1] =	stream.linear.gather @!p0 [hbm4b:s24+s25], $0x400, $0x38;
	[tilespmem:$0x1F000] =	vst v63  }
0x79: {  	s23 =	sadd.s32 @!p0 s4, s23;
	s24 =	simm.s32 @!p0 $0x1E800  }
0x7a: {  	[tilespmem:s24], [sflag:$0x1] =	stream.linear.gather @!p0 [hbm4b:s23+s25], $0x400, $0x38;
	[tilespmem:$0x1F000] =	vst v63  }
0x7b: {  	_ =	swait.ge [sflag:s17], $0x400  }
0x7c: {  	[sflag:s17] =	ssyncset.done $0x0  }
0x7d: {  	[sflag:s17] =	ssyncadd.s32 $0xFFFFFC00  }
0x7e: {  	_ =	swait.ge [sflag:s17], $0x400  }
0x7f: {  	[sflag:s17] =	ssyncset.done $0x0  }
0x80: {  	s31 =	simm.s32 $0x0;
	[sflag:s17] =	ssyncadd.s32 $0xFFFFFC00  }
0x81: {  	v1 =	vld [tilespmem:s31+$0x1E400];
	_ =	sdelay $0x4  }
0x82: {  	v2 =	vand.u32 $0xFFFF, v1;
	_ =	sdelay $0x3  }
0x83: {  	v59 =	vld [tilespmem:s31+$0x1EC00]  }
0x84: {  	v3 =	vld.idx.msk [tilespmem:v2+s2+$0x0], $0xffff  }
0x85: {  	v60 =	vadd.s32 $0x2800, v2  }
0x86: {  	v61 =	vshrl.u32 v1, $0x10;
	v1 =	vand.u32 $0x7F, v1;
	v5 =	vand.u32 $0x1FF80, v60  }
0x87: {  	v5 =	vor.u32 v1, v5;
	_ =	sdelay $0x1  }
0x88: {  	v3 =	vmul.f32 v3, v59;
	_ =	sdelay $0x1  }
0x89: {  	[tilespmem:v61+s16+$0x0] =	vst.idx.add.f32.msk $0xffff, v3  }
0x8a: {  	v3 =	vadd.s32 $0x2800, v61;
	v5 =	vld.idx.msk [tilespmem:v5+s2+$0x0], $0xffff  }
0x8b: {  	v62 =	vadd.s32 $0x5000, v2;
	v63 =	vand.u32 $0x7F, v61;
	v3 =	vand.u32 $0x1FF80, v3  }
0x8c: {  	v7 =	vand.u32 $0x1FF80, v62;
	v3 =	vor.u32 v63, v3  }
0x8d: {  	v7 =	vor.u32 v1, v7;
	_ =	sdelay $0x1  }
0x8e: {  	v5 =	vmul.f32 v5, v59;
	_ =	sdelay $0x1  }
0x8f: {  	[tilespmem:v3+s16+$0x0] =	vst.idx.add.f32.msk $0xffff, v5  }
0x90: {  	v3 =	vadd.s32 $0x5000, v61;
	v5 =	vld.idx.msk [tilespmem:v7+s2+$0x0], $0xffff  }
0x91: {  	v2 =	vadd.s32 $0x7800, v2;
	v3 =	vand.u32 $0x1FF80, v3  }
0x92: {  	v2 =	vand.u32 $0x1FF80, v2;
	v3 =	vor.u32 v63, v3  }
0x93: {  	v1 =	vor.u32 v1, v2;
	_ =	sdelay $0x1  }
0x94: {  	v2 =	vmul.f32 v5, v59;
	_ =	sdelay $0x1  }
0x95: {  	[tilespmem:v3+s16+$0x0] =	vst.idx.add.f32.msk $0xffff, v2  }
0x96: {  	v2 =	vld.idx.msk [tilespmem:v1+s2+$0x0], $0xffff;
	v1 =	vadd.s32 $0x7800, v61  }
0x97: {  	v1 =	vand.u32 $0x1FF80, v1  }
0x98: {  	v1 =	vor.u32 v63, v1;
	_ =	sdelay $0x2  }
0x99: {  	s23 =	simm.s32 $0x40;
	s24 =	simm.s32 $0x80;
	v2 =	vmul.f32 v2, v59  }
.LBB2_8:
0x9a: {  	p1 =	sne.s32 s24, $0xFC0  }
0x9b: {  	s25 =	sshra.s32 s23, $0x2;
	s23 =	smov.u32 s24;
	s24 =	sadd.s32 $0x40, s24;
	[tilespmem:v1+s16+$0x0] =	vst.idx.add.f32.msk $0xffff, v2  }
0x9c: {  	v1 =	vld [tilespmem:s25+$0x1E400];
	_ =	sdelay $0x4  }
0x9d: {  	v2 =	vand.u32 $0xFFFF, v1  }
0x9e: {  	v3 =	vadd.s32 $0x2800, v2;
	v4 =	vadd.s32 $0x5000, v2;
	v5 =	vadd.s32 $0x7800, v2  }
0x9f: {  	v3 =	vand.u32 $0x1FF80, v3;
	v4 =	vand.u32 $0x1FF80, v4;
	_ =	sdelay $0x2  }
0xa0: {  	v2 =	vld.idx.msk [tilespmem:v2+s2+$0x0], $0xffff  }
0xa1: {  	v6 =	vld [tilespmem:s25+$0x1EC00];
	_ =	sdelay $0x1  }
0xa2: {  	v7 =	vshrl.u32 v1, $0x10;
	v8 =	vand.u32 $0x7F, v1  }
0xa3: {  	v1 =	vand.u32 $0x7F, v7;
	v9 =	vadd.s32 $0x2800, v7;
	v3 =	vor.u32 v8, v3  }
0xa4: {  	v10 =	vadd.s32 $0x5000, v7;
	v9 =	vand.u32 $0x1FF80, v9;
	v4 =	vor.u32 v8, v4  }
0xa5: {  	v10 =	vand.u32 $0x1FF80, v10;
	v9 =	vor.u32 v1, v9;
	v2 =	vmul.f32 v2, v6  }
0xa6: {  	v11 =	vadd.s32 $0x7800, v7;
	v10 =	vor.u32 v1, v10  }
0xa7: {  	[tilespmem:v7+s16+$0x0] =	vst.idx.add.f32.msk $0xffff, v2;
	v2 =	vand.u32 $0x1FF80, v11  }
0xa8: {  	v3 =	vld.idx.msk [tilespmem:v3+s2+$0x0], $0xffff;
	v1 =	vor.u32 v1, v2;
	_ =	sdelay $0x5  }
0xa9: {  	v2 =	vmul.f32 v3, v6;
	_ =	sdelay $0x1  }
0xaa: {  	[tilespmem:v9+s16+$0x0] =	vst.idx.add.f32.msk $0xffff, v2  }
0xab: {  	v2 =	vld.idx.msk [tilespmem:v4+s2+$0x0], $0xffff;
	_ =	sdelay $0x2  }
0xac: {  	v3 =	vand.u32 $0x1FF80, v5  }
0xad: {  	v3 =	vor.u32 v8, v3;
	_ =	sdelay $0x1  }
0xae: {  	v2 =	vmul.f32 v2, v6;
	_ =	sdelay $0x1  }
0xaf: {  	[tilespmem:v10+s16+$0x0] =	vst.idx.add.f32.msk $0xffff, v2  }
0xb0: {  	v2 =	vld.idx.msk [tilespmem:v3+s2+$0x0], $0xffff;
	_ =	sdelay $0x1  }
.Ltmp2:
0xb1: {  	(pc) =	sbr.rel @p1 .LBB2_8-.Ltmp2, $2  }
0xb2: {  	_ =	sdelay $0x2  }
0xb3: {  	v2 =	vmul.f32 v2, v6  }
0xb4: {  	_ =	sdelay $0x3  }
0xb5: {  	s23 =	sshra.s32 s23, $0x2;
	[tilespmem:v1+s16+$0x0] =	vst.idx.add.f32.msk $0xffff, v2  }
0xb6: {  	v1 =	vld [tilespmem:s23+$0x1E400];
	_ =	sdelay $0x4  }
0xb7: {  	v2 =	vand.u32 $0xFFFF, v1;
	_ =	sdelay $0x3  }
0xb8: {  	v4 =	vld [tilespmem:s23+$0x1EC00]  }
0xb9: {  	v3 =	vld.idx.msk [tilespmem:v2+s2+$0x0], $0xffff  }
0xba: {  	v5 =	vadd.s32 $0x2800, v2  }
0xbb: {  	v6 =	vshrl.u32 v1, $0x10;
	v1 =	vand.u32 $0x7F, v1;
	v5 =	vand.u32 $0x1FF80, v5  }
0xbc: {  	v5 =	vor.u32 v1, v5;
	_ =	sdelay $0x1  }
0xbd: {  	v3 =	vmul.f32 v3, v4;
	_ =	sdelay $0x1  }
0xbe: {  	[tilespmem:v6+s16+$0x0] =	vst.idx.add.f32.msk $0xffff, v3  }
0xbf: {  	v3 =	vadd.s32 $0x2800, v6;
	v5 =	vld.idx.msk [tilespmem:v5+s2+$0x0], $0xffff  }
0xc0: {  	v7 =	vadd.s32 $0x5000, v2;
	v8 =	vand.u32 $0x7F, v6;
	v3 =	vand.u32 $0x1FF80, v3  }
0xc1: {  	v7 =	vand.u32 $0x1FF80, v7;
	v3 =	vor.u32 v8, v3  }
0xc2: {  	v7 =	vor.u32 v1, v7;
	_ =	sdelay $0x1  }
0xc3: {  	v5 =	vmul.f32 v5, v4;
	_ =	sdelay $0x1  }
0xc4: {  	[tilespmem:v3+s16+$0x0] =	vst.idx.add.f32.msk $0xffff, v5  }
0xc5: {  	v3 =	vadd.s32 $0x5000, v6;
	v5 =	vld.idx.msk [tilespmem:v7+s2+$0x0], $0xffff  }
0xc6: {  	v2 =	vadd.s32 $0x7800, v2;
	v3 =	vand.u32 $0x1FF80, v3  }
0xc7: {  	v2 =	vand.u32 $0x1FF80, v2;
	v3 =	vor.u32 v8, v3  }
0xc8: {  	v1 =	vor.u32 v1, v2;
	_ =	sdelay $0x1  }
0xc9: {  	v2 =	vmul.f32 v5, v4;
	_ =	sdelay $0x1  }
0xca: {  	[tilespmem:v3+s16+$0x0] =	vst.idx.add.f32.msk $0xffff, v2  }
0xcb: {  	v2 =	vadd.s32 $0x7800, v6;
	v1 =	vld.idx.msk [tilespmem:v1+s2+$0x0], $0xffff  }
0xcc: {  	v2 =	vand.u32 $0x1FF80, v2  }
0xcd: {  	v2 =	vor.u32 v8, v2  }
.Ltmp3:
0xce: {  	_ = 	snop;
	(pc) =	sbr.rel @p0 .LBB2_11-.Ltmp3, $3  }
0xcf: {  	_ = 	snop  }
0xd0: {  	v1 =	vmul.f32 v1, v4;
	_ =	sdelay $0x1  }
0xd1: {  	[tilespmem:v2+s16+$0x0] =	vst.idx.add.f32.msk $0xffff, v1  }
.Ltmp4:
0xd2: {  	s22 =	sadd.s32 $0x180, s22;
	(pc) =	sbr.rel .LBB2_5-.Ltmp4, $4  }
0xd3: {  	s23 =	sadd.s32 s3, s22  }
0xd4: {  	[tilespmem:s13], [sflag:$0x2] =	stream.linear.gather [hbm4b:s23+s2], $0x400, $0x38;
	[tilespmem:$0x1F000] =	vst v63  }
0xd5: {  	s21 =	sadd.s32 $0x1, s21;
	s22 =	sadd.s32 s4, s22  }
0xd6: {  	[tilespmem:s14], [sflag:$0x2] =	stream.linear.gather [hbm4b:s22+s2], $0x400, $0x38;
	[tilespmem:$0x1F000] =	vst v63  }
.LBB2_11:
0xd7: {  	s22 =	simm.s32 $0x0  }
0xd8: {  	v1 =	vld [tilespmem:s22+$0xA000];
	_ =	sdelay $0x1  }
0xd9: {  	v3 =	vld [tilespmem:s22+$0x14000];
	_ =	sdelay $0x2  }
0xda: {  	s21 =	simm.s32 $0x10;
	[tilespmem:s22+$0xA000] =	vst v0;
	v4 =	vmul.f32 $8.999999760e-01, v1  }
0xdb: {  	v1 =	vld [tilespmem:s21+$0xA000]  }
0xdc: {  	s23 =	simm.s32 $0x80;
	s24 =	simm.s32 $0xC0;
	v2 =	vld [tilespmem:s21+$0x14000];
	[tilespmem:s21+$0xA000] =	vst v0;
	v3 =	vadd.f32 v3, v4  }
.LBB2_12:
0xdd: {  	p0 =	sne.s32 s24, $0x27FC0;
	s25 =	smov.u32 s24;
	s24 =	sadd.s32 $0x40, s24  }
.Ltmp5:
0xde: {  	[tilespmem:s22+$0x0] =	vst v3;
	s22 =	smov.u32 s21;
	(pc) =	sbr.rel @p0 .LBB2_12-.Ltmp5, $4  }
0xdf: {  	_ = 	snop  }
0xe0: {  	s21 =	sshra.s32 s23, $0x2;
	s23 =	smov.u32 s25;
	v3 =	vmul.f32 $8.999999760e-01, v1  }
0xe1: {  	v1 =	vld [tilespmem:s21+$0xA000];
	[tilespmem:s21+$0xA000] =	vst v0  }
0xe2: {  	v3 =	vadd.f32 v2, v3;
	v2 =	vld [tilespmem:s21+$0x14000]  }
0xe3: {  	_ = 	snop  }
0xe4: {  	s31 =	sshra.s32 s23, $0x2;
	[tilespmem:s22+$0x0] =	vst v3  }
0xe5: {  	v3 =	vld [tilespmem:s31+$0xA000];
	_ =	sdelay $0x1  }
0xe6: {  	v4 =	vld [tilespmem:s31+$0x14000]  }
0xe7: {  	s20 =	sadd.s32 $0x1, s20  }
0xe8: {  	p0 =	sne.s32 s20, $0xA;
	v1 =	vmul.f32 $8.999999760e-01, v1  }
.Ltmp6:
0xe9: {  	v3 =	vmul.f32 $8.999999760e-01, v3;
	(pc) =	sbr.rel @p0 .LBB2_4-.Ltmp6, $4  }
0xea: {  	v1 =	vadd.f32 v2, v1  }
0xeb: {  	[tilespmem:s31+$0xA000] =	vst v0;
	v2 =	vadd.f32 v4, v3  }
0xec: {  	[tilespmem:s21+$0x0] =	vst v1  }
0xed: {  	[tilespmem:s31+$0x0] =	vst v2  }
0xee: {  	s18 =	sadd.s32 $0x1, s18  }
0xef: {  	p0 =	sne.s32 s18, s9  }
.Ltmp7:
0xf0: {  	_ = 	snop;
	(pc) =	sbr.rel @p0 .LBB2_1-.Ltmp7, $4  }
0xf1: {  	[hbm4b:s8+s2] =	stream.linear.scatter [tilespmem:s2], [sflag:$0x3], $0xA000, $0x38;
	[tilespmem:$0x1F000] =	vst v63  }
0xf2: {  	_ =	swait.ge [sflag:s10], $0xA000  }
0xf3: {  	[sflag:s10] =	ssyncset.done $0x0  }
0xf4: {  	[sflag:s10] =	ssyncadd.s32 $0xFFFF6000  }
0xf5: {  	_ =	sfence.sel $0x180000  }
0xf6: {  	[bflag:$0x0] =	sbarrier.arrive $0xFFFF  }
0xf7: {  	p0 =	sne.s32 s1, $0x0;
	_ =	strace $0x90000050  }
0xf8: {  	s0 =	sadd.s32 @!p0 $0x100000, s0;
	[bflag:$0x2] =	sbarrier.arrive $0xFFFF  }
0xf9: {  	[sflag:s0] =	ssyncadd.tile.s32 @!p0 $0x1;
	_ =	shalt  }
.Lfunc_end2:
_tile_overlayer_lowered:
.L_overlay_start_2:
0xfa: {  	(tag) =	ssettag $0x2  }
0xfb: {  	s0 =	rddreg [dreg:$0x0];
	s2 =	stileid.u32  }
0xfc: {  	s1 =	rddreg [dreg:$0x1];
	p0 =	sne.s32 s2, $0x0  }
0xfd: {  	s3 =	rddreg [dreg:$0x2];
	[bflag:$0x3] =	sbarrier.arrive $0xFFFF;
	s2 =	simm.s32 @!p0 $0x1C03  }
0xfe: {  	[timem:s3], [sflag:s2] =	dma.local @!p0 [hbm:s0], s1  }
0xff: {  	s0 =	simm.s32 @!p0 $0x3  }
0x100: {  	_ =	swait.ge @!p0 [sflag:s0], s1  }
0x101: {  	s1 =	ssub.s32 @!p0 $0x0, s1;
	[sflag:s0] =	ssyncset.done @!p0 $0x0  }
0x102: {  	[sflag:s0] =	ssyncadd.s32 @!p0 s1  }
0x103: {  	[bflag:$0x3] =	sbarrier.arrive $0xFFFF  }
0x104: {  	_ =	shalt  }

// kernel: kernel.7.cloned.1.call-start
scs
__scs_entry_jumppad:
0x0: {  	(pc) =	sbr.rel $0x88, $3  }
0x1: {  	(tag) =	ssettag $0x0;
	lr =	simm.s32 $0x1  }
0x2: {  	[smem:$0x3F9A] =	sst lr;
	_ =	strace $0xD0000000  }
0x3: {  	_ = 	snop  }
0x4: {  	_ = 	snop  }
0x5: {  	_ = 	snop  }
0x6: {  	_ = 	snop  }
0x7: {  	_ = 	snop  }
__scs_overlays_trampoline_lowered:
0x8: {  	[smem:$0x3FA9] =	sst s0  }
0x9: {  	[smem:$0x3FAA] =	sst s1  }
0xa: {  	[smem:$0x3FAB] =	sst s2  }
0xb: {  	[smem:$0x3FAC] =	sst s3  }
0xc: {  	[smem:$0x3FAD] =	sst s4  }
0xd: {  	[smem:$0x3FAE] =	sst s5  }
0xe: {  	[smem:$0x3FAF] =	sst s6  }
0xf: {  	[smem:$0x3FB0] =	sst s7  }
0x10: {  	[smem:$0x3FB1] =	sst s8  }
0x11: {  	[smem:$0x3FB2] =	sst s9;
	s0 =	simm.s32 @!p0 $0x0  }
0x12: {  	s1 =	sld [smem:$0x3F98];
	s0 =	simm.s32 @p0 $0x1  }
0x13: {  	[smem:$0x3FB3] =	sst s0;
	s0 =	simm.s32 @!p1 $0x0  }
0x14: {  	s2 =	sld [smem:$0x3F97];
	s0 =	simm.s32 @p1 $0x1  }
0x15: {  	[smem:$0x3FB4] =	sst s0;
	s0 =	simm.s32 @!p2 $0x0  }
0x16: {  	s3 =	sld [smem:$0x3FDB];
	s0 =	simm.s32 @p2 $0x1  }
0x17: {  	s4 =	simm.s32 $0x1BF5;
	[smem:$0x3FB6] =	sst s0  }
0x18: {  	s0 =	sld [smem:$0x3F99];
	_ =	swait.ge [sflag:s4], $0x0  }
0x19: {  	s7 =	sld [smem:$0x3F9A]  }
0x1a: {  	s8 =	sadd.s32 $0xFFFFE003, lr  }
0x1b: {  	s9 =	sadd.s32 $0xFFFFFEF7, lr;
	s5 =	simm.s32 $0xFFFFFFFF;
	p2 =	slt.u32 s8, $0xFFFFF086  }
0x1c: {  	p1 =	slt.u32 s9, $0xF7A;
	s5 =	simm.s32 @!p2 $0x0  }
0x1d: {  	s5 =	simm.s32 @p1 $0x1;
	p0 =	seq.s32 s7, s2  }
0x1e: {  	s7 =	smul.u32 @!p0 $0xF7A, s2;
	p2 =	seq.s32 @!p0 s5, $0x0  }
0x1f: {  	s9 =	smul.u32 $0xF7A, s1;
	s8 =	simm.s32 @!p0 $0x1BF5;
	p2 =	por !p2, p0  }
0x20: {  	[sflag:s8] =	ssyncset.s32 @!p0 $0xFFFFF086;
	s6 =	sadd.s32 @!p0 s3, s7;
	s7 =	simm.s32 @!p0 $0x108  }
0x21: {  	s3 =	sadd.s32 s3, s9;
	s6 =	sadd.s32 @!p0 $0x88, s6;
	s7 =	simm.s32 @p2 $0x1082  }
0x22: {  	[simem:s7], [sflag:s8] =	dma.local @!p0 [hbm:s6], $0xF7A  }
0x23: {  	s9 =	sor.u32 $0xD0000000, s2;
	s6 =	simm.s32 $0x108;
	_ =	swait.ge @!p0 [sflag:s8], $0x0  }
0x24: {  	s3 =	sadd.s32 $0x88, s3;
	s6 =	simm.s32 @!p1 $0x1082;
	[sflag:s4] =	ssyncset.s32 $0xFFFFF086  }
0x25: {  	[simem:s6], [sflag:s4] =	dma.local [hbm:s3], $0xF7A  }
0x26: {  	[smem:$0x3F9A] =	sst s1;
	(tag) =	ssettag s2;
	_ =	strace s9  }
0x27: {  	s1 =	sld [smem:$0x3FAA]  }
0x28: {  	s2 =	sld [smem:$0x3FAB]  }
0x29: {  	s4 =	sld [smem:$0x3FAD]  }
0x2a: {  	p0 =	seq.s32 s5, $0x0;
	s5 =	sld [smem:$0x3FAE]  }
0x2b: {  	s6 =	sld [smem:$0x3FAF]  }
0x2c: {  	s7 =	sld [smem:$0x3FB0]  }
0x2d: {  	s3 =	simm.s32 $0x108;
	s8 =	sld [smem:$0x3FB1]  }
0x2e: {  	s3 =	simm.s32 @!p0 $0x1082;
	s9 =	sld [smem:$0x3FB2]  }
0x2f: {  	lr =	sadd.s32 s0, s3;
	s0 =	sld [smem:$0x3FA9]  }
0x30: {  	s3 =	sld [smem:$0x3FAC]  }
0x31: {  	[smem:$0x3FB5] =	sst s10  }
0x32: {  	s10 =	sld [smem:$0x3FB3];
	_ =	sdelay $0x3  }
0x33: {  	p0 =	seq.s32 s10, $0x1;
	s10 =	sld [smem:$0x3FB5];
	_ =	sdelay $0x3  }
0x34: {  	[smem:$0x3FB5] =	sst s10  }
0x35: {  	s10 =	sld [smem:$0x3FB4];
	_ =	sdelay $0x3  }
0x36: {  	p1 =	seq.s32 s10, $0x1;
	s10 =	sld [smem:$0x3FB5];
	_ =	sdelay $0x3  }
0x37: {  	[smem:$0x3FB5] =	sst s10  }
0x38: {  	s10 =	sld [smem:$0x3FB6]  }
0x39: {  	_ = 	snop;
	(pc) =	sbr.ind lr, $3  }
0x3a: {  	_ = 	snop  }
0x3b: {  	_ = 	snop  }
0x3c: {  	p2 =	seq.s32 s10, $0x1;
	s10 =	sld [smem:$0x3FB5]  }
0x3d: {  	_ =	shalt  }
0x3e: {  	_ =	shalt  }
0x3f: {  	_ =	shalt  }
0x40: {  	_ =	shalt  }
0x41: {  	_ =	shalt  }
0x42: {  	_ =	shalt  }
0x43: {  	_ =	shalt  }
0x44: {  	_ =	shalt  }
0x45: {  	_ =	shalt  }
0x46: {  	_ =	shalt  }
0x47: {  	_ =	shalt  }
0x48: {  	_ =	shalt  }
0x49: {  	_ =	shalt  }
0x4a: {  	_ =	shalt  }
0x4b: {  	_ =	shalt  }
0x4c: {  	_ =	shalt  }
0x4d: {  	_ =	shalt  }
0x4e: {  	_ =	shalt  }
0x4f: {  	_ =	shalt  }
0x50: {  	_ =	shalt  }
0x51: {  	_ =	shalt  }
0x52: {  	_ =	shalt  }
0x53: {  	_ =	shalt  }
0x54: {  	_ =	shalt  }
0x55: {  	_ =	shalt  }
0x56: {  	_ =	shalt  }
0x57: {  	_ =	shalt  }
0x58: {  	_ =	shalt  }
0x59: {  	_ =	shalt  }
0x5a: {  	_ =	shalt  }
0x5b: {  	_ =	shalt  }
0x5c: {  	_ =	shalt  }
0x5d: {  	_ =	shalt  }
0x5e: {  	_ =	shalt  }
0x5f: {  	_ =	shalt  }
0x60: {  	_ =	shalt  }
0x61: {  	_ =	shalt  }
0x62: {  	_ =	shalt  }
0x63: {  	_ =	shalt  }
0x64: {  	_ =	shalt  }
0x65: {  	_ =	shalt  }
0x66: {  	_ =	shalt  }
0x67: {  	_ =	shalt  }
0x68: {  	_ =	shalt  }
0x69: {  	_ =	shalt  }
0x6a: {  	_ =	shalt  }
0x6b: {  	_ =	shalt  }
0x6c: {  	_ =	shalt  }
0x6d: {  	_ =	shalt  }
0x6e: {  	_ =	shalt  }
0x6f: {  	_ =	shalt  }
0x70: {  	_ =	shalt  }
0x71: {  	_ =	shalt  }
0x72: {  	_ =	shalt  }
0x73: {  	_ =	shalt  }
0x74: {  	_ =	shalt  }
0x75: {  	_ =	shalt  }
0x76: {  	_ =	shalt  }
0x77: {  	_ =	shalt  }
0x78: {  	_ =	shalt  }
0x79: {  	_ =	shalt  }
0x7a: {  	_ =	shalt  }
0x7b: {  	_ =	shalt  }
0x7c: {  	_ =	shalt  }
0x7d: {  	_ =	shalt  }
0x7e: {  	_ =	shalt  }
0x7f: {  	_ =	shalt  }
0x80: {  	_ =	shalt  }
0x81: {  	_ =	shalt  }
0x82: {  	_ =	shalt  }
0x83: {  	_ =	shalt  }
0x84: {  	_ =	shalt  }
0x85: {  	_ =	shalt  }
0x86: {  	_ =	shalt  }
0x87: {  	_ =	shalt  }
.Lfunc_end0:
.L_simem_size_0:
called_computation_lowered:
.L_overlay_start_0:
0x88: {  	s2 =	sld [smem:$0x3FD9]  }
0x89: {  	s3 =	sld [smem:$0x3FFE];
	_ =	sdelay $0x1  }
0x8a: {  	s1 =	srdreg.scid  }
0x8b: {  	s0 =	sand.u32 $0x1, s1  }
0x8c: {  	s16 =	sshll.u32 s0, $0xA;
	s2 =	sadd.s32 s3, s2  }
0x8d: {  	s2 =	sadd.s32 s2, s16  }
0x8e: {  	[smem:$0x3FC1] =	sst s2  }
0x8f: {  	_ = 	snop  }
0x90: {  	(tm) =	ssettm $0x1  }
0x91: {  	s17 =	sld [smem:$0x3FFB];
	_ =	sdelay $0x3  }
0x92: {  	_ =	strace s17  }
0x93: {  	s2 =	sld [smem:$0x3FFC];
	_ =	sdelay $0x3  }
0x94: {  	_ =	strace s2  }
0x95: {  	s2 =	sld [smem:$0x3FFD];
	_ =	sdelay $0x3  }
0x96: {  	_ =	strace s2  }
0x97: {  	_ =	strace $0x8FFFFFFF  }
0x98: {  	s18 =	sld [smem:$0x3FDB];
	_ =	sdelay $0x1  }
0x99: {  	s19 =	simm.s32 $_scs_section_size  }
0x9a: {  	s4 =	simm.s32 $_size__tile_overlayer_lowered;
	s5 =	simm.s32 $_tile_overlayer_lowered  }
0x9b: {  	s22 =	simm.s32 $0x1BFF;
	s21 =	sshll.u32 s5, $0x1;
	s2 =	sadd.s32 s19, s18  }
0x9c: {  	s6 =	simm.s32 $0x0;
	s20 =	sshll.u32 s4, $0x1;
	s4 =	sadd.s32 s21, s2  }
0x9d: {  	[timem:s6], [sflag:s22] =	dma.local [hbm:s4], s20  }
0x9e: {  	_ =	swait.ge [sflag:s22], s20  }
0x9f: {  	s3 =	ssub.s32 $0x0, s20;
	[sflag:s22] =	ssyncset.done $0x0  }
0xa0: {  	[sflag:s22] =	ssyncadd.s32 s3;
	_ =	sdelay $0x1  }
0xa1: {  	s23 =	simm.s32 $0x1B8B  }
0xa2: {  	_ =	swait.ge [sflag:s23], $0x1  }
0xa3: {  	[sflag:s23] =	ssyncset.done $0x0  }
0xa4: {  	s25 =	simm.s32 $0x1B8E;
	s24 =	sld [smem:$0x3FFE];
	[sflag:s23] =	ssyncadd.s32 $0xFFFFFFFF  }
0xa5: {  	s26 =	simm.s32 $execute0_lowered;
	[smem:$0x3FD2] =	sst s25  }
0xa6: {  	s4 =	sshll.u32 s26, $0x1;
	_ =	strace $0x80000046;
	[dreg:$0x1] =	wrdreg $0xFFFFFFFF  }
0xa7: {  	s28 =	simm.s32 $_size_execute0_lowered;
	s2 =	sadd.s32 s2, s4;
	[dreg:$0x0] =	wrdreg $0x0  }
0xa8: {  	s4 =	sshll.u32 s28, $0x1;
	[dreg:$0x2] =	wrdreg s2  }
0xa9: {  	[dreg:$0x3] =	wrdreg s4  }
0xaa: {  	[dreg:$0x4] =	wrdreg $0xC0  }
0xab: {  	_ =	task [dreg:s6], $0x5FFFF  }
0xac: {  	[dreg:$0x1] =	wrdreg $0xFFFFFFFF  }
0xad: {  	[dreg:$0x0] =	wrdreg $0x60  }
0xae: {  	[dreg:$0x2] =	wrdreg s24  }
0xaf: {  	[dreg:$0x3] =	wrdreg $0x9  }
0xb0: {  	_ =	task.clear_ibuf [dreg:s6], $0x4FFFF;
	_ =	strace $0x90000046  }
0xb1: {  	s29 =	simm.s32 $0x9;
	_ =	strace $0x80000048  }
0xb2: {  	_ =	swait.ge [sflag:s29], $0x1  }
0xb3: {  	[sflag:s29] =	ssyncadd.s32 $0xFFFFFFFF  }
0xb4: {  	_ =	strace $0x90000048  }
0xb5: {  	_ =	sfence  }
0xb6: {  	s30 =	sld [smem:$0x0];
	_ =	sdelay $0x2  }
0xb7: {  	s31 =	sshll.u32 s1, $0xD;
	s1 =	sshrl.u32 s1, $0x2  }
0xb8: {  	s3 =	sand.u32 $0x4000, s31;
	s1 =	sadd.s32 s1, s30  }
0xb9: {  	s0 =	sor.u32 s3, s0;
	s1 =	sshll.u32 s1, $0x11  }
0xba: {  	s0 =	sor.u32 s1, s0  }
0xbb: {  	s0 =	sadd.s32 $0x8F2B, s0  }
0xbc: {  	[sflag:s0] =	ssyncadd.remote.s32 $0x1  }
0xbd: {  	_ =	sfence.sel $0xFFFF  }
0xbe: {  	[dreg:$0x0] =	wrdreg $0xFFFFFFFF;
	(pc) =	sbr.abs _section_cstart, $3  }
0xbf: {  	[dreg:$0x1] =	wrdreg $0xFFFFFFFF  }
0xc0: {  	_ =	task.clear_ibuf [dreg:s6], $0x2FFFF;
	_ =	strace $0x9FFFFFFF  }
0xc1: {  	(tm) =	ssettm $0x7FFFFFFF  }
tec
execute0_lowered:
.L_overlay_start_1:
0x0: {  	(tag) =	ssettag $0x1  }
0x1: {  	s0 =	srdreg.scid  }
0x2: {  	s4 =	rddreg [dreg:$0x0];
	s2 =	simm.s32 $0x0;
	s3 =	sand.u32 $0x1, s0  }
0x3: {  	s8 =	simm.s32 $0x1;
	s0 =	stileid.u32;
	s1 =	sshll.u32 s3, $0x4  }
0x4: {  	s9 =	simm.s32 $0x5080;
	s10 =	simm.s32 $0x0;
	s5 =	sor.u32 s0, s1  }
0x5: {  	[smem:$0x7FF] =	sst s2;
	s3 =	ssub.s32 $0x2, s3;
	s6 =	smul.u32 $0x510, s5  }
0x6: {  	s1 =	rddreg [dreg:$0x1];
	s31 =	sshrl.u32 s3, $0x1;
	s5 =	smul.u32 $0x500, s5  }
0x7: {  	_ =	strace $0x80000047;
	s7 =	ssub.s32 s3, s31;
	s6 =	sadd.s32 s6, s4  }
0x8: {  	s5 =	sadd.s32 s5, s4;
	s3 =	sadd.s32 $0x1E00, s6;
	s4 =	sadd.s32 $0xC000, s6  }
0x9: {  	v0 =	vimm.f32 $0.0e+00;
	s5 =	sadd.s32 $0x16200, s5;
	s6 =	smax.u32 s7, $0x1;
	s7 =	simm.s32 $0x2800  }
.LBB2_1:
0xa: {  	s11 =	simm.s32 $0x40;
	s12 =	simm.s32 $0x0  }
.LBB2_2:
0xb: {  	p0 =	sne.s32 s11, $0x9FC0;
	[tilespmem:s12+$0x0] =	vst v0;
	s12 =	smov.u32 s11;
	s11 =	sadd.s32 $0x40, s11  }
.Ltmp0:
0xc: {  	(pc) =	sbr.rel @p0 .LBB2_2-.Ltmp0, $2  }
0xd: {  	_ =	sdelay $0x2  }
0xe: {  	s12 =	sshra.s32 s12, $0x2  }
0xf: {  	[tilespmem:s12+$0x0] =	vst v0;
	s11 =	simm.s32 $0x0  }
0x10: {  	[tilespmem:s7], [sflag:$0x1] =	stream.linear.gather [hbm4b:s3+s11], $0x2880, $0x38;
	[tilespmem:$0x7900] =	vst v63  }
0x11: {  	_ =	swait.ge [sflag:s8], $0x2880  }
0x12: {  	[sflag:s8] =	ssyncset.done $0x0  }
0x13: {  	[sflag:s8] =	ssyncadd.s32 $0xFFFFD780  }
0x14: {  	[tilespmem:s9], [sflag:$0x1] =	stream.linear.gather [hbm4b:s4+s11], $0x2880, $0x38;
	[tilespmem:$0x7900] =	vst v63  }
0x15: {  	_ =	swait.ge [sflag:s8], $0x2880  }
0x16: {  	[sflag:s8] =	ssyncset.done $0x0  }
0x17: {  	s12 =	simm.s32 $0x0;
	s11 =	simm.s32 $0x40;
	[sflag:s8] =	ssyncadd.s32 $0xFFFFD780  }
.LBB2_4:
0x18: {  	p0 =	sne.s32 s11, $0xA1C0;
	v1 =	vld [tilespmem:s12+$0x2800];
	_ =	sdelay $0x2  }
0x19: {  	v2 =	vld [tilespmem:s12+$0x5080]  }
.Ltmp1:
0x1a: {  	(pc) =	sbr.rel @p0 .LBB2_4-.Ltmp1, $2  }
0x1b: {  	_ =	sdelay $0x2  }
0x1c: {  	s12 =	sshra.s32 s11, $0x2;
	s11 =	sadd.s32 $0x40, s11;
	[tilespmem:v1+s2+$0x0] =	vst.idx.add.f32.msk $0xffff, v2  }
0x1d: {  	v1 =	vld [tilespmem:s12+$0x2800];
	_ =	sdelay $0x2  }
0x1e: {  	v2 =	vld [tilespmem:s12+$0x5080];
	_ =	sdelay $0x2  }
0x1f: {  	s10 =	sadd.s32 $0x1, s10  }
0x20: {  	p0 =	sne.s32 s10, s6  }
.Ltmp2:
0x21: {  	[tilespmem:v1+s2+$0x0] =	vst.idx.add.f32.msk $0xffff, v2;
	(pc) =	sbr.rel @p0 .LBB2_1-.Ltmp2, $4  }
0x22: {  	[hbm4b:s5+s2] =	stream.linear.scatter [tilespmem:s2], [sflag:$0x1], $0x2800, $0x38;
	[tilespmem:$0x7900] =	vst v63  }
0x23: {  	_ =	swait.ge [sflag:s8], $0x2800  }
0x24: {  	[sflag:s8] =	ssyncset.done $0x0  }
0x25: {  	[sflag:s8] =	ssyncadd.s32 $0xFFFFD800  }
0x26: {  	_ =	sfence.sel $0x180000  }
0x27: {  	[bflag:$0x0] =	sbarrier.arrive $0xFFFF  }
0x28: {  	p0 =	sne.s32 s0, $0x0;
	_ =	strace $0x90000047  }
0x29: {  	s0 =	sadd.s32 @!p0 $0x100000, s1;
	[bflag:$0x2] =	sbarrier.arrive $0xFFFF  }
0x2a: {  	[sflag:s0] =	ssyncadd.tile.s32 @!p0 $0x1;
	_ =	shalt  }
.Lfunc_end2:
_tile_overlayer_lowered:
.L_overlay_start_2:
0x2b: {  	(tag) =	ssettag $0x2  }
0x2c: {  	s0 =	rddreg [dreg:$0x0];
	s2 =	stileid.u32  }
0x2d: {  	s1 =	rddreg [dreg:$0x1];
	p0 =	sne.s32 s2, $0x0  }
0x2e: {  	s3 =	rddreg [dreg:$0x2];
	[bflag:$0x3] =	sbarrier.arrive $0xFFFF;
	s2 =	simm.s32 @!p0 $0x1C01  }
0x2f: {  	[timem:s3], [sflag:s2] =	dma.local @!p0 [hbm:s0], s1  }
0x30: {  	s0 =	simm.s32 @!p0 $0x1  }
0x31: {  	_ =	swait.ge @!p0 [sflag:s0], s1  }
0x32: {  	s1 =	ssub.s32 @!p0 $0x0, s1;
	[sflag:s0] =	ssyncset.done @!p0 $0x0  }
0x33: {  	[sflag:s0] =	ssyncadd.s32 @!p0 s1  }
0x34: {  	[bflag:$0x3] =	sbarrier.arrive $0xFFFF  }
0x35: {  	_ =	shalt  }

</sc_bundles>
